<compile_context>
chip_gen: v7x
topology: tpu7x:2x2x1
jax: 0.10.2.dev20260603
libtpu: 0.0.44.dev20260713+nightly
codegen_flags: <defaults>
</compile_context>

<pallas_src>
import functools
import jax
import jax.numpy as jnp
from jax import lax
from jax.experimental import pallas as pl
from jax.experimental.pallas import tpu as pltpu
from jax.experimental.pallas import tpu_sc as plsc

N = 10000
E = 320000
D = 128

NC = 2
NS = 16
NW = NC * NS

N_PAD = 10240
ROWS_PER_TILE = N_PAD // NS
CHUNK = 128
J = 80
E_PAD = NW * CHUNK * J

_mesh = plsc.VectorSubcoreMesh(core_axis_name="c", subcore_axis_name="s",
                               num_cores=NC, num_subcores=NS)



def _agg_body(hp, zinit, src2, dst_h, out, srcb, dstc0, dstc1, rows, acc,
              semg, sems, semi):
    c = lax.axis_index("c")
    s = lax.axis_index("s")
    wid = c * NS + s
    r0 = s * ROWS_PER_TILE

    pltpu.sync_copy(src2.at[pl.ds(wid * J, J)], srcb)

    base = wid * (J * CHUNK)
    dstc = (dstc0, dstc1)

    def dst_off(j):
        return pl.multiple_of(base + j * CHUNK, CHUNK)

    for b in range(2):
        pltpu.async_copy(dst_h.at[pl.ds(dst_off(b), CHUNK)], dstc[b], semi[b])
        pltpu.async_copy(hp.at[srcb.at[b]], rows.at[b], semg[b])

    @pl.when(c == 0)
    def _():
        pltpu.sync_copy(hp.at[pl.ds(r0, ROWS_PER_TILE)],
                        acc.at[pl.ds(r0, ROWS_PER_TILE)])

    @pl.when(c != 0)
    def _():
        pltpu.sync_copy(zinit.at[pl.ds(r0, ROWS_PER_TILE)],
                        acc.at[pl.ds(r0, ROWS_PER_TILE)])

    plsc.subcore_barrier()

    def outer(t, carry):
        j0 = (t - 1) * 2
        for b in range(2):
            pltpu.make_async_copy(hp.at[srcb.at[j0 + b]], rows.at[b],
                                  semg[b]).wait()
            pltpu.make_async_copy(dst_h.at[pl.ds(dst_off(j0 + b), CHUNK)],
                                  dstc[b], semi[b]).wait()
            pltpu.async_copy(rows.at[b], acc.at[dstc[b]], sems[b], add=True)
        for b in range(2):
            pltpu.make_async_copy(rows.at[b], acc.at[dstc[b]], sems[b]).wait()
            jn = t * 2 + b
            pltpu.async_copy(dst_h.at[pl.ds(dst_off(jn), CHUNK)], dstc[b],
                             semi[b])
            pltpu.async_copy(hp.at[srcb.at[jn]], rows.at[b], semg[b])
        return carry

    lax.fori_loop(1, J // 2, outer, 0, unroll=False)

    j0 = J - 2
    for b in range(2):
        pltpu.make_async_copy(hp.at[srcb.at[j0 + b]], rows.at[b],
                              semg[b]).wait()
        pltpu.make_async_copy(dst_h.at[pl.ds(dst_off(j0 + b), CHUNK)],
                              dstc[b], semi[b]).wait()
        pltpu.sync_copy(rows.at[b], acc.at[dstc[b]], add=True)

    plsc.subcore_barrier()
    pltpu.sync_copy(acc.at[pl.ds(r0, ROWS_PER_TILE)],
                    out.at[c, pl.ds(r0, ROWS_PER_TILE)])


@functools.partial(
    pl.kernel,
    out_type=jax.ShapeDtypeStruct((NC, N_PAD, D), jnp.float32),
    mesh=_mesh,
    scratch_types=[
        pltpu.VMEM((J, CHUNK), jnp.int32),
        pltpu.VMEM((CHUNK,), jnp.int32),
        pltpu.VMEM((CHUNK,), jnp.int32),
        pltpu.VMEM((2, CHUNK, D), jnp.float32),
        pltpu.VMEM_SHARED((N_PAD, D), jnp.float32),
        [pltpu.SemaphoreType.DMA, pltpu.SemaphoreType.DMA],
        [pltpu.SemaphoreType.DMA, pltpu.SemaphoreType.DMA],
        [pltpu.SemaphoreType.DMA, pltpu.SemaphoreType.DMA],
    ],
    name="gcn_sc_aggregate",
)
def _agg(hp, zinit, src2, dst_h, out, srcb, dstc0, dstc1, rows, acc,
         semg, sems, semi):
    _agg_body(hp, zinit, src2, dst_h, out, srcb, dstc0, dstc1, rows, acc,
              semg, sems, semi)


def _deg_body(dst2, out, dstb, hist):
    c = lax.axis_index("c")
    s = lax.axis_index("s")
    wid = c * NS + s

    pltpu.sync_copy(dst2.at[pl.ds(wid * J, J)], dstb)

    def zstep(i, carry):
        hist[pl.ds(i * 16, 16)] = jnp.zeros((16,), jnp.float32)
        return carry

    lax.fori_loop(0, N_PAD // 16, zstep, 0, unroll=False)

    ones16 = jnp.ones((16,), jnp.float32)

    def step(j, carry):
        for k in range(CHUNK // 16):
            idx = dstb[j, pl.ds(k * 16, 16)]
            plsc.addupdate_scatter(hist, [idx], ones16)
        return carry

    lax.fori_loop(0, J, step, 0, unroll=False)
    pltpu.sync_copy(hist, out.at[c, s])


@functools.partial(
    pl.kernel,
    out_type=jax.ShapeDtypeStruct((NC, NS, N_PAD), jnp.float32),
    mesh=_mesh,
    scratch_types=[
        pltpu.VMEM((J, CHUNK), jnp.int32),
        pltpu.VMEM((N_PAD,), jnp.float32),
    ],
    name="gcn_sc_degree",
    compiler_params=pltpu.CompilerParams(needs_layout_passes=False),
)
def _deg(dst2, out, dstb, hist):
    _deg_body(dst2, out, dstb, hist)



_R = 2048


def _gelu_exact(u):
    return 0.5 * u * (1.0 + lax.erf(u * 0.7071067811865476))


def _dis_of(dref):
    return lax.rsqrt(jnp.sum(dref[...], axis=1, keepdims=True) + 1.0)


def _tc_first(x, W, degs_t):
    def body(x_ref, w_ref, dref, o_ref):
        dis = _dis_of(dref)
        h = jnp.dot(x_ref[...], w_ref[...], preferred_element_type=jnp.float32)
        o_ref[...] = h * dis

    return pl.pallas_call(
        body,
        grid=(N_PAD // _R,),
        in_specs=[
            pl.BlockSpec((_R, D), lambda i: (i, 0)),
            pl.BlockSpec((D, D), lambda i: (0, 0)),
            pl.BlockSpec((_R, NW), lambda i: (i, 0)),
        ],
        out_specs=pl.BlockSpec((_R, D), lambda i: (i, 0)),
        out_shape=jax.ShapeDtypeStruct((N_PAD, D), jnp.float32),
    )(x, W, degs_t)


def _tc_mid(a, degs_t, b, W):
    def body(a0r, a1r, dref, br, wr, o_ref):
        dis = _dis_of(dref)
        conv = (a0r[0] + a1r[0]) * dis + br[...]
        g = _gelu_exact(conv)
        h = jnp.dot(g, wr[...], preferred_element_type=jnp.float32)
        o_ref[...] = h * dis

    return pl.pallas_call(
        body,
        grid=(N_PAD // _R,),
        in_specs=[
            pl.BlockSpec((1, _R, D), lambda i: (0, i, 0)),
            pl.BlockSpec((1, _R, D), lambda i: (1, i, 0)),
            pl.BlockSpec((_R, NW), lambda i: (i, 0)),
            pl.BlockSpec((1, D), lambda i: (0, 0)),
            pl.BlockSpec((D, D), lambda i: (0, 0)),
        ],
        out_specs=pl.BlockSpec((_R, D), lambda i: (i, 0)),
        out_shape=jax.ShapeDtypeStruct((N_PAD, D), jnp.float32),
    )(a, a, degs_t, b, W)


_RL = 2000


def _tc_last(a, degs_t, b):
    def body(a0r, a1r, dref, br, o_ref):
        dis = _dis_of(dref)
        o_ref[...] = (a0r[0] + a1r[0]) * dis + br[...]

    return pl.pallas_call(
        body,
        grid=(N // _RL,),
        in_specs=[
            pl.BlockSpec((1, _RL, D), lambda i: (0, i, 0)),
            pl.BlockSpec((1, _RL, D), lambda i: (1, i, 0)),
            pl.BlockSpec((_RL, NW), lambda i: (i, 0)),
            pl.BlockSpec((1, D), lambda i: (0, 0)),
        ],
        out_specs=pl.BlockSpec((_RL, D), lambda i: (i, 0)),
        out_shape=jax.ShapeDtypeStruct((N, D), jnp.float32),
    )(a, a, degs_t, b)



def kernel(x_piece, edge_index_piece, batch, W1, b1, W2, b2, W3, b3):
    del batch
    src = edge_index_piece[0].astype(jnp.int32)
    dst = edge_index_piece[1].astype(jnp.int32)
    pad = N + (jnp.arange(E_PAD - E, dtype=jnp.int32) % (N_PAD - N))
    src2 = jnp.concatenate([src, pad]).reshape(E_PAD // CHUNK, CHUNK)
    dst_f = jnp.concatenate([dst, pad])

    x_pad = jnp.pad(x_piece, ((0, N_PAD - N), (0, 0)))
    zinit = jnp.zeros((N_PAD, D), jnp.float32)

    dst2 = dst_f.reshape(E_PAD // CHUNK, CHUNK)
    degp = _deg(dst2)
    degs_t = jnp.transpose(degp.reshape(NW, N_PAD))

    hp1 = _tc_first(x_pad, W1, degs_t)
    a1 = _agg(hp1, zinit, src2, dst_f)
    hp2 = _tc_mid(a1, degs_t, b1.reshape(1, D), W2)
    a2 = _agg(hp2, zinit, src2, dst_f)
    hp3 = _tc_mid(a2, degs_t, b2.reshape(1, D), W3)
    a3 = _agg(hp3, zinit, src2, dst_f)
    return _tc_last(a3, degs_t, b3.reshape(1, D))

# --- scband reference (transcript-rebuilt; emitter-appended) ---
"""Pipeline reference for scband-piece-gnn-6691559047721 (READ-ONLY COPY).

The authoritative reference and input builder live on the scoring server;
editing this copy changes nothing except your own understanding.
"""

import jax, jax.numpy as jnp
import numpy as np

N_NODES = 10000
N_EDGES = 320000
D_IN = 128
D_HID = 128
D_OUT = 128


def setup_inputs(seed: int = 0) -> dict:
    key = jax.random.key(seed)
    k = jax.random.split(key, 9)
    x_piece = jax.random.normal(k[0], (N_NODES, D_IN), dtype=jnp.float32)
    edge_index_piece = jax.random.randint(k[1], (2, N_EDGES), 0, N_NODES, dtype=jnp.int64)
    batch = jnp.sort(jax.random.randint(k[2], (N_NODES,), 0, 16, dtype=jnp.int64))
    s1 = 1.0 / np.sqrt(D_IN)
    s2 = 1.0 / np.sqrt(D_HID)
    W1 = jax.random.uniform(k[3], (D_IN, D_HID), dtype=jnp.float32, minval=-s1, maxval=s1)
    b1 = jnp.zeros((D_HID,), dtype=jnp.float32)
    W2 = jax.random.uniform(k[4], (D_HID, D_HID), dtype=jnp.float32, minval=-s2, maxval=s2)
    b2 = jnp.zeros((D_HID,), dtype=jnp.float32)
    W3 = jax.random.uniform(k[5], (D_HID, D_OUT), dtype=jnp.float32, minval=-s2, maxval=s2)
    b3 = jnp.zeros((D_OUT,), dtype=jnp.float32)
    return {"x_piece": x_piece, "edge_index_piece": edge_index_piece, "batch": batch,
            "W1": W1, "b1": b1, "W2": W2, "b2": b2, "W3": W3, "b3": b3}


def _gcn_conv(x, edge_index, W, b):
    # PyG GCNConv: add self-loops, symmetric normalization D^-1/2 A D^-1/2, then linear + bias
    N = x.shape[0]
    loop = jnp.arange(N, dtype=edge_index.dtype)
    src = jnp.concatenate([edge_index[0], loop])
    dst = jnp.concatenate([edge_index[1], loop])
    ones = jnp.ones(src.shape[0], dtype=x.dtype)
    deg = jnp.zeros((N,), dtype=x.dtype).at[dst].add(ones)
    deg_inv_sqrt = jnp.where(deg > 0, deg ** -0.5, 0.0)
    norm = deg_inv_sqrt[src] * deg_inv_sqrt[dst]
    h = x @ W
    msg = jnp.take(h, src, axis=0) * norm[:, None]
    out = jax.ops.segment_sum(msg, dst, num_segments=N)
    return out + b


def reference(x_piece, edge_index_piece, batch, W1, b1, W2, b2, W3, b3):
    x = _gcn_conv(x_piece, edge_index_piece, W1, b1)
    x = jax.nn.gelu(x, approximate=False)
    x = _gcn_conv(x, edge_index_piece, W2, b2)
    x = jax.nn.gelu(x, approximate=False)
    x = _gcn_conv(x, edge_index_piece, W3, b3)
    return x

if __name__ == "__main__":
    import jax
    _d = setup_inputs()
    print(jax.jit(kernel)(*tuple(_d.values())))

</pallas_src>

<mosaic_0001>
#map = affine_map<(d0, d1) -> (0, 0)>
#map1 = affine_map<(d0, d1) -> (0)>
#map2 = affine_map<(d0, d1) -> (0, 0, 0)>
module attributes {stable_mosaic.version = 14 : i64} {
  func.func @gcn_sc_aggregate(%arg0: i32, %arg1: i32, %arg2: memref<10240x128xf32, #tpu.memory_space<hbm>>, %arg3: memref<10240x128xf32, #tpu.memory_space<hbm>>, %arg4: memref<2560x128xi32, #tpu.memory_space<hbm>>, %arg5: memref<327680xi32, #tpu.memory_space<hbm>>, %arg6: memref<2x10240x128xf32, #tpu.memory_space<hbm>>, %arg7: memref<80x128xi32, #tpu.memory_space<vmem>>, %arg8: memref<128xi32, #tpu.memory_space<vmem>>, %arg9: memref<128xi32, #tpu.memory_space<vmem>>, %arg10: memref<2x128x128xf32, #tpu.memory_space<vmem>>, %arg11: memref<10240x128xf32, #tpu.memory_space<vmem_shared>>, %arg12: memref<!tpu.dma_semaphore, #tpu.memory_space<semaphore_mem>>, %arg13: memref<!tpu.dma_semaphore, #tpu.memory_space<semaphore_mem>>, %arg14: memref<!tpu.dma_semaphore, #tpu.memory_space<semaphore_mem>>, %arg15: memref<!tpu.dma_semaphore, #tpu.memory_space<semaphore_mem>>, %arg16: memref<!tpu.dma_semaphore, #tpu.memory_space<semaphore_mem>>, %arg17: memref<!tpu.dma_semaphore, #tpu.memory_space<semaphore_mem>>) attributes {dimension_semantics = [#tpu.dimension_semantics<core_parallel>, #tpu.dimension_semantics<subcore_parallel>], iteration_bounds = array<i64: 2, 16>, scalar_prefetch = 0 : i64, scratch_operands = 11 : i64, tpu.core_type = #tpu.core_type<sc_vector_subcore>, window_params = [{transform_indices = #map}, {transform_indices = #map}, {transform_indices = #map}, {transform_indices = #map1}, {transform_indices = #map2}]} {
    %mul3A = arith.constant 16 : i32
    %mul3A_0 = arith.muli %arg0, %mul3A : i32
    %add3A = arith.addi %mul3A_0, %arg1 : i32
    %mul3A_1 = arith.constant 640 : i32
    %mul3A_2 = arith.muli %arg1, %mul3A_1 : i32
    %mul3A_3 = arith.constant 80 : i32
    %mul3A_4 = arith.muli %add3A, %mul3A_3 : i32
    "tpu.region"() ({
      %run_scoped3A_85 = tpu.sem_alloc : memref<!tpu.dma_semaphore, #tpu.memory_space<semaphore_mem>>
      %dma_start3A_86 = arith.constant 0 : i32
      %dma_start3A_87 = tpu.memref_slice %arg4[%mul3A_4, %dma_start3A_86] : memref<2560x128xi32, #tpu.memory_space<hbm>> -> memref<80x128xi32, #tpu.memory_space<hbm>>
      %dma_start3A_88 = arith.constant 0 : i32
      %dma_start3A_89 = tpu.memref_slice %arg4[%mul3A_4, %dma_start3A_88] : memref<2560x128xi32, #tpu.memory_space<hbm>> -> memref<80x128xi32, #tpu.memory_space<hbm>>
      tpu.enqueue_dma source(%dma_start3A_89 : memref<80x128xi32, #tpu.memory_space<hbm>>) target(%arg7 : memref<80x128xi32, #tpu.memory_space<vmem>>) target_semaphore(%run_scoped3A_85 : memref<!tpu.dma_semaphore, #tpu.memory_space<semaphore_mem>>)
      %dma_wait3A_90 = arith.constant 0 : i32
      %dma_wait3A_91 = tpu.memref_slice %arg4[%mul3A_4, %dma_wait3A_90] : memref<2560x128xi32, #tpu.memory_space<hbm>> -> memref<80x128xi32, #tpu.memory_space<hbm>>
      %dma_wait3A_92 = arith.constant 0 : i32
      %dma_wait3A_93 = tpu.memref_slice %arg4[%mul3A_4, %dma_wait3A_92] : memref<2560x128xi32, #tpu.memory_space<hbm>> -> memref<80x128xi32, #tpu.memory_space<hbm>>
      tpu.wait_dma2 semaphore(%run_scoped3A_85 : memref<!tpu.dma_semaphore, #tpu.memory_space<semaphore_mem>>) src(%dma_wait3A_93 : memref<80x128xi32, #tpu.memory_space<hbm>>) dst(%arg7 : memref<80x128xi32, #tpu.memory_space<vmem>>)
      tpu.yield
    }) : () -> ()
    %mul3A_5 = arith.constant 10240 : i32
    %mul3A_6 = arith.muli %add3A, %mul3A_5 : i32
    %add3A_7 = arith.constant 0 : i32
    %add3A_8 = arith.addi %mul3A_6, %add3A_7 : i32
    %multiple_of3A = tpu.assume_multiple %add3A_8, 128 : i32
    %dma_start3A = tpu.memref_slice %arg5[%multiple_of3A] : memref<327680xi32, #tpu.memory_space<hbm>> -> memref<128xi32, #tpu.memory_space<hbm>>
    %dma_start3A_9 = tpu.memref_slice %arg5[%multiple_of3A] : memref<327680xi32, #tpu.memory_space<hbm>> -> memref<128xi32, #tpu.memory_space<hbm>>
    tpu.enqueue_dma source(%dma_start3A_9 : memref<128xi32, #tpu.memory_space<hbm>>) target(%arg8 : memref<128xi32, #tpu.memory_space<vmem>>) target_semaphore(%arg16 : memref<!tpu.dma_semaphore, #tpu.memory_space<semaphore_mem>>)
    %dma_start3A_10 = arith.constant 0 : i32
    %dma_start3A_11 = arith.constant 0 : i32
    %dma_start3A_12 = arith.constant 0 : i32
    %dma_start3A_13 = arith.constant 0 : i32
    %dma_start3A_14 = tpu.memref_slice %arg10[%dma_start3A_11, %dma_start3A_12, %dma_start3A_13] : memref<2x128x128xf32, #tpu.memory_space<vmem>> -> memref<1x128x128xf32, #tpu.memory_space<vmem>>
    %dma_start3A_15 = tpu.memref_squeeze %dma_start3A_14 : memref<1x128x128xf32, #tpu.memory_space<vmem>> -> memref<128x128xf32, #tpu.memory_space<vmem>>
    %dma_start3A_16 = arith.constant 0 : i32
    %dma_start3A_17 = tpu.memref_slice %arg7[%dma_start3A_10, %dma_start3A_16] : memref<80x128xi32, #tpu.memory_space<vmem>> -> memref<1x128xi32, #tpu.memory_space<vmem>>
    %dma_start3A_18 = tpu.memref_squeeze %dma_start3A_17 : memref<1x128xi32, #tpu.memory_space<vmem>> -> memref<128xi32, #tpu.memory_space<vmem>>
    %dma_start3A_19 = arith.constant 0 : i32
    %dma_start3A_20 = arith.constant 0 : i32
    %dma_start3A_21 = tpu.memref_slice %arg2[%dma_start3A_19, %dma_start3A_20] : memref<10240x128xf32, #tpu.memory_space<hbm>> -> memref<10240x128xf32, #tpu.memory_space<hbm>>
    tpu.enqueue_indirect_dma source(%dma_start3A_21 : memref<10240x128xf32, #tpu.memory_space<hbm>>) target(%dma_start3A_15 : memref<128x128xf32, #tpu.memory_space<vmem>>) offsets(%dma_start3A_18 : memref<128xi32, #tpu.memory_space<vmem>>) semaphore(%arg12 : memref<!tpu.dma_semaphore, #tpu.memory_space<semaphore_mem>>)
    %add3A_22 = arith.constant 128 : i32
    %add3A_23 = arith.addi %mul3A_6, %add3A_22 : i32
    %multiple_of3A_24 = tpu.assume_multiple %add3A_23, 128 : i32
    %dma_start3A_25 = tpu.memref_slice %arg5[%multiple_of3A_24] : memref<327680xi32, #tpu.memory_space<hbm>> -> memref<128xi32, #tpu.memory_space<hbm>>
    %dma_start3A_26 = tpu.memref_slice %arg5[%multiple_of3A_24] : memref<327680xi32, #tpu.memory_space<hbm>> -> memref<128xi32, #tpu.memory_space<hbm>>
    tpu.enqueue_dma source(%dma_start3A_26 : memref<128xi32, #tpu.memory_space<hbm>>) target(%arg9 : memref<128xi32, #tpu.memory_space<vmem>>) target_semaphore(%arg17 : memref<!tpu.dma_semaphore, #tpu.memory_space<semaphore_mem>>)
    %dma_start3A_27 = arith.constant 1 : i32
    %dma_start3A_28 = arith.constant 1 : i32
    %dma_start3A_29 = arith.constant 0 : i32
    %dma_start3A_30 = arith.constant 0 : i32
    %dma_start3A_31 = tpu.memref_slice %arg10[%dma_start3A_28, %dma_start3A_29, %dma_start3A_30] : memref<2x128x128xf32, #tpu.memory_space<vmem>> -> memref<1x128x128xf32, #tpu.memory_space<vmem>>
    %dma_start3A_32 = tpu.memref_squeeze %dma_start3A_31 : memref<1x128x128xf32, #tpu.memory_space<vmem>> -> memref<128x128xf32, #tpu.memory_space<vmem>>
    %dma_start3A_33 = arith.constant 0 : i32
    %dma_start3A_34 = tpu.memref_slice %arg7[%dma_start3A_27, %dma_start3A_33] : memref<80x128xi32, #tpu.memory_space<vmem>> -> memref<1x128xi32, #tpu.memory_space<vmem>>
    %dma_start3A_35 = tpu.memref_squeeze %dma_start3A_34 : memref<1x128xi32, #tpu.memory_space<vmem>> -> memref<128xi32, #tpu.memory_space<vmem>>
    %dma_start3A_36 = arith.constant 0 : i32
    %dma_start3A_37 = arith.constant 0 : i32
    %dma_start3A_38 = tpu.memref_slice %arg2[%dma_start3A_36, %dma_start3A_37] : memref<10240x128xf32, #tpu.memory_space<hbm>> -> memref<10240x128xf32, #tpu.memory_space<hbm>>
    tpu.enqueue_indirect_dma source(%dma_start3A_38 : memref<10240x128xf32, #tpu.memory_space<hbm>>) target(%dma_start3A_32 : memref<128x128xf32, #tpu.memory_space<vmem>>) offsets(%dma_start3A_35 : memref<128xi32, #tpu.memory_space<vmem>>) semaphore(%arg13 : memref<!tpu.dma_semaphore, #tpu.memory_space<semaphore_mem>>)
    %eq3A = arith.constant 0 : i32
    %eq3A_39 = arith.cmpi eq, %arg0, %eq3A : i32
    %convert_element_type3A = arith.extui %eq3A_39 : i1 to i32
    %cond3A = arith.constant 0 : i32
    %cond3A_40 = arith.cmpi ne, %convert_element_type3A, %cond3A : i32
    scf.if %cond3A_40 {
      "tpu.region"() ({
        %run_scoped3A_85 = tpu.sem_alloc : memref<!tpu.dma_semaphore, #tpu.memory_space<semaphore_mem>>
        %dma_start3A_86 = arith.constant 0 : i32
        %dma_start3A_87 = tpu.memref_slice %arg11[%mul3A_2, %dma_start3A_86] : memref<10240x128xf32, #tpu.memory_space<vmem_shared>> -> memref<640x128xf32, #tpu.memory_space<vmem_shared>>
        %dma_start3A_88 = arith.constant 0 : i32
        %dma_start3A_89 = tpu.memref_slice %arg2[%mul3A_2, %dma_start3A_88] : memref<10240x128xf32, #tpu.memory_space<hbm>> -> memref<640x128xf32, #tpu.memory_space<hbm>>
        tpu.enqueue_dma source(%dma_start3A_89 : memref<640x128xf32, #tpu.memory_space<hbm>>) target(%dma_start3A_87 : memref<640x128xf32, #tpu.memory_space<vmem_shared>>) target_semaphore(%run_scoped3A_85 : memref<!tpu.dma_semaphore, #tpu.memory_space<semaphore_mem>>)
        %dma_wait3A_90 = arith.constant 0 : i32
        %dma_wait3A_91 = tpu.memref_slice %arg11[%mul3A_2, %dma_wait3A_90] : memref<10240x128xf32, #tpu.memory_space<vmem_shared>> -> memref<640x128xf32, #tpu.memory_space<vmem_shared>>
        %dma_wait3A_92 = arith.constant 0 : i32
        %dma_wait3A_93 = tpu.memref_slice %arg2[%mul3A_2, %dma_wait3A_92] : memref<10240x128xf32, #tpu.memory_space<hbm>> -> memref<640x128xf32, #tpu.memory_space<hbm>>
        tpu.wait_dma2 semaphore(%run_scoped3A_85 : memref<!tpu.dma_semaphore, #tpu.memory_space<semaphore_mem>>) src(%dma_wait3A_93 : memref<640x128xf32, #tpu.memory_space<hbm>>) dst(%dma_wait3A_91 : memref<640x128xf32, #tpu.memory_space<vmem_shared>>)
        tpu.yield
      }) : () -> ()
    } else {
    }
    %ne3A = arith.constant 0 : i32
    %ne3A_41 = arith.cmpi ne, %arg0, %ne3A : i32
    %convert_element_type3A_42 = arith.extui %ne3A_41 : i1 to i32
    %cond3A_43 = arith.constant 0 : i32
    %cond3A_44 = arith.cmpi ne, %convert_element_type3A_42, %cond3A_43 : i32
    scf.if %cond3A_44 {
      "tpu.region"() ({
        %run_scoped3A_85 = tpu.sem_alloc : memref<!tpu.dma_semaphore, #tpu.memory_space<semaphore_mem>>
        %dma_start3A_86 = arith.constant 0 : i32
        %dma_start3A_87 = tpu.memref_slice %arg11[%mul3A_2, %dma_start3A_86] : memref<10240x128xf32, #tpu.memory_space<vmem_shared>> -> memref<640x128xf32, #tpu.memory_space<vmem_shared>>
        %dma_start3A_88 = arith.constant 0 : i32
        %dma_start3A_89 = tpu.memref_slice %arg3[%mul3A_2, %dma_start3A_88] : memref<10240x128xf32, #tpu.memory_space<hbm>> -> memref<640x128xf32, #tpu.memory_space<hbm>>
        tpu.enqueue_dma source(%dma_start3A_89 : memref<640x128xf32, #tpu.memory_space<hbm>>) target(%dma_start3A_87 : memref<640x128xf32, #tpu.memory_space<vmem_shared>>) target_semaphore(%run_scoped3A_85 : memref<!tpu.dma_semaphore, #tpu.memory_space<semaphore_mem>>)
        %dma_wait3A_90 = arith.constant 0 : i32
        %dma_wait3A_91 = tpu.memref_slice %arg11[%mul3A_2, %dma_wait3A_90] : memref<10240x128xf32, #tpu.memory_space<vmem_shared>> -> memref<640x128xf32, #tpu.memory_space<vmem_shared>>
        %dma_wait3A_92 = arith.constant 0 : i32
        %dma_wait3A_93 = tpu.memref_slice %arg3[%mul3A_2, %dma_wait3A_92] : memref<10240x128xf32, #tpu.memory_space<hbm>> -> memref<640x128xf32, #tpu.memory_space<hbm>>
        tpu.wait_dma2 semaphore(%run_scoped3A_85 : memref<!tpu.dma_semaphore, #tpu.memory_space<semaphore_mem>>) src(%dma_wait3A_93 : memref<640x128xf32, #tpu.memory_space<hbm>>) dst(%dma_wait3A_91 : memref<640x128xf32, #tpu.memory_space<vmem_shared>>)
        tpu.yield
      }) : () -> ()
    } else {
    }
    %barrier3A = arith.constant 0 : index
    tpu.barrier barrier_id(%barrier3A)
    %scan3A = arith.constant 0 : i32
    %scan3A_45 = arith.constant 1 : i32
    %scan3A_46 = arith.constant 39 : i32
    %scan3A_47 = arith.addi %scan3A_45, %scan3A_46 : i32
    %scan3A_48 = arith.constant 1 : i32
    scf.for %scan3A_85 = %scan3A_45 to %scan3A_47 step %scan3A_48  : i32 {
      %sub3A = arith.constant 1 : i32
      %sub3A_86 = arith.subi %scan3A_85, %sub3A : i32
      %mul3A_87 = arith.constant 2 : i32
      %mul3A_88 = arith.muli %sub3A_86, %mul3A_87 : i32
      %add3A_89 = arith.constant 0 : i32
      %add3A_90 = arith.addi %mul3A_88, %add3A_89 : i32
      %dma_wait3A_91 = arith.constant 0 : i32
      %dma_wait3A_92 = arith.constant 0 : i32
      %dma_wait3A_93 = arith.constant 0 : i32
      %dma_wait3A_94 = tpu.memref_slice %arg10[%dma_wait3A_91, %dma_wait3A_92, %dma_wait3A_93] : memref<2x128x128xf32, #tpu.memory_space<vmem>> -> memref<1x128x128xf32, #tpu.memory_space<vmem>>
      %dma_wait3A_95 = tpu.memref_squeeze %dma_wait3A_94 : memref<1x128x128xf32, #tpu.memory_space<vmem>> -> memref<128x128xf32, #tpu.memory_space<vmem>>
      %dma_wait3A_96 = arith.constant 0 : i32
      %dma_wait3A_97 = tpu.memref_slice %arg7[%add3A_90, %dma_wait3A_96] : memref<80x128xi32, #tpu.memory_space<vmem>> -> memref<1x128xi32, #tpu.memory_space<vmem>>
      %dma_wait3A_98 = tpu.memref_squeeze %dma_wait3A_97 : memref<1x128xi32, #tpu.memory_space<vmem>> -> memref<128xi32, #tpu.memory_space<vmem>>
      %dma_wait3A_99 = arith.constant 0 : i32
      %dma_wait3A_100 = arith.constant 0 : i32
      %dma_wait3A_101 = tpu.memref_slice %arg2[%dma_wait3A_99, %dma_wait3A_100] : memref<10240x128xf32, #tpu.memory_space<hbm>> -> memref<10240x128xf32, #tpu.memory_space<hbm>>
      tpu.wait_indirect_dma semaphore(%arg12 : memref<!tpu.dma_semaphore, #tpu.memory_space<semaphore_mem>>) src(%dma_wait3A_101 : memref<10240x128xf32, #tpu.memory_space<hbm>>) dst(%dma_wait3A_95 : memref<128x128xf32, #tpu.memory_space<vmem>>)
      %add3A_102 = arith.constant 0 : i32
      %add3A_103 = arith.addi %mul3A_88, %add3A_102 : i32
      %mul3A_104 = arith.constant 128 : i32
      %mul3A_105 = arith.muli %add3A_103, %mul3A_104 : i32
      %add3A_106 = arith.addi %mul3A_6, %mul3A_105 : i32
      %multiple_of3A_107 = tpu.assume_multiple %add3A_106, 128 : i32
      %dma_wait3A_108 = tpu.memref_slice %arg5[%multiple_of3A_107] : memref<327680xi32, #tpu.memory_space<hbm>> -> memref<128xi32, #tpu.memory_space<hbm>>
      %dma_wait3A_109 = tpu.memref_slice %arg5[%multiple_of3A_107] : memref<327680xi32, #tpu.memory_space<hbm>> -> memref<128xi32, #tpu.memory_space<hbm>>
      tpu.wait_dma2 semaphore(%arg16 : memref<!tpu.dma_semaphore, #tpu.memory_space<semaphore_mem>>) src(%dma_wait3A_109 : memref<128xi32, #tpu.memory_space<hbm>>) dst(%arg8 : memref<128xi32, #tpu.memory_space<vmem>>)
      %dma_start3A_110 = arith.constant 0 : i32
      %dma_start3A_111 = arith.constant 0 : i32
      %dma_start3A_112 = arith.constant 0 : i32
      %dma_start3A_113 = tpu.memref_slice %arg10[%dma_start3A_110, %dma_start3A_111, %dma_start3A_112] : memref<2x128x128xf32, #tpu.memory_space<vmem>> -> memref<1x128x128xf32, #tpu.memory_space<vmem>>
      %dma_start3A_114 = tpu.memref_squeeze %dma_start3A_113 : memref<1x128x128xf32, #tpu.memory_space<vmem>> -> memref<128x128xf32, #tpu.memory_space<vmem>>
      %dma_start3A_115 = arith.constant 0 : i32
      %dma_start3A_116 = arith.constant 0 : i32
      %dma_start3A_117 = tpu.memref_slice %arg11[%dma_start3A_115, %dma_start3A_116] : memref<10240x128xf32, #tpu.memory_space<vmem_shared>> -> memref<10240x128xf32, #tpu.memory_space<vmem_shared>>
      tpu.enqueue_indirect_dma source(%dma_start3A_114 : memref<128x128xf32, #tpu.memory_space<vmem>>) target(%dma_start3A_117 : memref<10240x128xf32, #tpu.memory_space<vmem_shared>>) offsets(%arg8 : memref<128xi32, #tpu.memory_space<vmem>>) semaphore(%arg14 : memref<!tpu.dma_semaphore, #tpu.memory_space<semaphore_mem>>) {add = true}
      %add3A_118 = arith.constant 1 : i32
      %add3A_119 = arith.addi %mul3A_88, %add3A_118 : i32
      %dma_wait3A_120 = arith.constant 1 : i32
      %dma_wait3A_121 = arith.constant 0 : i32
      %dma_wait3A_122 = arith.constant 0 : i32
      %dma_wait3A_123 = tpu.memref_slice %arg10[%dma_wait3A_120, %dma_wait3A_121, %dma_wait3A_122] : memref<2x128x128xf32, #tpu.memory_space<vmem>> -> memref<1x128x128xf32, #tpu.memory_space<vmem>>
      %dma_wait3A_124 = tpu.memref_squeeze %dma_wait3A_123 : memref<1x128x128xf32, #tpu.memory_space<vmem>> -> memref<128x128xf32, #tpu.memory_space<vmem>>
      %dma_wait3A_125 = arith.constant 0 : i32
      %dma_wait3A_126 = tpu.memref_slice %arg7[%add3A_119, %dma_wait3A_125] : memref<80x128xi32, #tpu.memory_space<vmem>> -> memref<1x128xi32, #tpu.memory_space<vmem>>
      %dma_wait3A_127 = tpu.memref_squeeze %dma_wait3A_126 : memref<1x128xi32, #tpu.memory_space<vmem>> -> memref<128xi32, #tpu.memory_space<vmem>>
      %dma_wait3A_128 = arith.constant 0 : i32
      %dma_wait3A_129 = arith.constant 0 : i32
      %dma_wait3A_130 = tpu.memref_slice %arg2[%dma_wait3A_128, %dma_wait3A_129] : memref<10240x128xf32, #tpu.memory_space<hbm>> -> memref<10240x128xf32, #tpu.memory_space<hbm>>
      tpu.wait_indirect_dma semaphore(%arg13 : memref<!tpu.dma_semaphore, #tpu.memory_space<semaphore_mem>>) src(%dma_wait3A_130 : memref<10240x128xf32, #tpu.memory_space<hbm>>) dst(%dma_wait3A_124 : memref<128x128xf32, #tpu.memory_space<vmem>>)
      %add3A_131 = arith.constant 1 : i32
      %add3A_132 = arith.addi %mul3A_88, %add3A_131 : i32
      %mul3A_133 = arith.constant 128 : i32
      %mul3A_134 = arith.muli %add3A_132, %mul3A_133 : i32
      %add3A_135 = arith.addi %mul3A_6, %mul3A_134 : i32
      %multiple_of3A_136 = tpu.assume_multiple %add3A_135, 128 : i32
      %dma_wait3A_137 = tpu.memref_slice %arg5[%multiple_of3A_136] : memref<327680xi32, #tpu.memory_space<hbm>> -> memref<128xi32, #tpu.memory_space<hbm>>
      %dma_wait3A_138 = tpu.memref_slice %arg5[%multiple_of3A_136] : memref<327680xi32, #tpu.memory_space<hbm>> -> memref<128xi32, #tpu.memory_space<hbm>>
      tpu.wait_dma2 semaphore(%arg17 : memref<!tpu.dma_semaphore, #tpu.memory_space<semaphore_mem>>) src(%dma_wait3A_138 : memref<128xi32, #tpu.memory_space<hbm>>) dst(%arg9 : memref<128xi32, #tpu.memory_space<vmem>>)
      %dma_start3A_139 = arith.constant 1 : i32
      %dma_start3A_140 = arith.constant 0 : i32
      %dma_start3A_141 = arith.constant 0 : i32
      %dma_start3A_142 = tpu.memref_slice %arg10[%dma_start3A_139, %dma_start3A_140, %dma_start3A_141] : memref<2x128x128xf32, #tpu.memory_space<vmem>> -> memref<1x128x128xf32, #tpu.memory_space<vmem>>
      %dma_start3A_143 = tpu.memref_squeeze %dma_start3A_142 : memref<1x128x128xf32, #tpu.memory_space<vmem>> -> memref<128x128xf32, #tpu.memory_space<vmem>>
      %dma_start3A_144 = arith.constant 0 : i32
      %dma_start3A_145 = arith.constant 0 : i32
      %dma_start3A_146 = tpu.memref_slice %arg11[%dma_start3A_144, %dma_start3A_145] : memref<10240x128xf32, #tpu.memory_space<vmem_shared>> -> memref<10240x128xf32, #tpu.memory_space<vmem_shared>>
      tpu.enqueue_indirect_dma source(%dma_start3A_143 : memref<128x128xf32, #tpu.memory_space<vmem>>) target(%dma_start3A_146 : memref<10240x128xf32, #tpu.memory_space<vmem_shared>>) offsets(%arg9 : memref<128xi32, #tpu.memory_space<vmem>>) semaphore(%arg15 : memref<!tpu.dma_semaphore, #tpu.memory_space<semaphore_mem>>) {add = true}
      %dma_wait3A_147 = arith.constant 0 : i32
      %dma_wait3A_148 = arith.constant 0 : i32
      %dma_wait3A_149 = arith.constant 0 : i32
      %dma_wait3A_150 = tpu.memref_slice %arg10[%dma_wait3A_147, %dma_wait3A_148, %dma_wait3A_149] : memref<2x128x128xf32, #tpu.memory_space<vmem>> -> memref<1x128x128xf32, #tpu.memory_space<vmem>>
      %dma_wait3A_151 = tpu.memref_squeeze %dma_wait3A_150 : memref<1x128x128xf32, #tpu.memory_space<vmem>> -> memref<128x128xf32, #tpu.memory_space<vmem>>
      %dma_wait3A_152 = arith.constant 0 : i32
      %dma_wait3A_153 = arith.constant 0 : i32
      %dma_wait3A_154 = tpu.memref_slice %arg11[%dma_wait3A_152, %dma_wait3A_153] : memref<10240x128xf32, #tpu.memory_space<vmem_shared>> -> memref<10240x128xf32, #tpu.memory_space<vmem_shared>>
      tpu.wait_indirect_dma semaphore(%arg14 : memref<!tpu.dma_semaphore, #tpu.memory_space<semaphore_mem>>) src(%dma_wait3A_151 : memref<128x128xf32, #tpu.memory_space<vmem>>) dst(%dma_wait3A_154 : memref<10240x128xf32, #tpu.memory_space<vmem_shared>>)
      %mul3A_155 = arith.constant 2 : i32
      %mul3A_156 = arith.muli %scan3A_85, %mul3A_155 : i32
      %add3A_157 = arith.constant 0 : i32
      %add3A_158 = arith.addi %mul3A_156, %add3A_157 : i32
      %mul3A_159 = arith.constant 128 : i32
      %mul3A_160 = arith.muli %add3A_158, %mul3A_159 : i32
      %add3A_161 = arith.addi %mul3A_6, %mul3A_160 : i32
      %multiple_of3A_162 = tpu.assume_multiple %add3A_161, 128 : i32
      %dma_start3A_163 = tpu.memref_slice %arg5[%multiple_of3A_162] : memref<327680xi32, #tpu.memory_space<hbm>> -> memref<128xi32, #tpu.memory_space<hbm>>
      %dma_start3A_164 = tpu.memref_slice %arg5[%multiple_of3A_162] : memref<327680xi32, #tpu.memory_space<hbm>> -> memref<128xi32, #tpu.memory_space<hbm>>
      tpu.enqueue_dma source(%dma_start3A_164 : memref<128xi32, #tpu.memory_space<hbm>>) target(%arg8 : memref<128xi32, #tpu.memory_space<vmem>>) target_semaphore(%arg16 : memref<!tpu.dma_semaphore, #tpu.memory_space<semaphore_mem>>)
      %dma_start3A_165 = arith.constant 0 : i32
      %dma_start3A_166 = arith.constant 0 : i32
      %dma_start3A_167 = arith.constant 0 : i32
      %dma_start3A_168 = tpu.memref_slice %arg10[%dma_start3A_165, %dma_start3A_166, %dma_start3A_167] : memref<2x128x128xf32, #tpu.memory_space<vmem>> -> memref<1x128x128xf32, #tpu.memory_space<vmem>>
      %dma_start3A_169 = tpu.memref_squeeze %dma_start3A_168 : memref<1x128x128xf32, #tpu.memory_space<vmem>> -> memref<128x128xf32, #tpu.memory_space<vmem>>
      %dma_start3A_170 = arith.constant 0 : i32
      %dma_start3A_171 = tpu.memref_slice %arg7[%add3A_158, %dma_start3A_170] : memref<80x128xi32, #tpu.memory_space<vmem>> -> memref<1x128xi32, #tpu.memory_space<vmem>>
      %dma_start3A_172 = tpu.memref_squeeze %dma_start3A_171 : memref<1x128xi32, #tpu.memory_space<vmem>> -> memref<128xi32, #tpu.memory_space<vmem>>
      %dma_start3A_173 = arith.constant 0 : i32
      %dma_start3A_174 = arith.constant 0 : i32
      %dma_start3A_175 = tpu.memref_slice %arg2[%dma_start3A_173, %dma_start3A_174] : memref<10240x128xf32, #tpu.memory_space<hbm>> -> memref<10240x128xf32, #tpu.memory_space<hbm>>
      tpu.enqueue_indirect_dma source(%dma_start3A_175 : memref<10240x128xf32, #tpu.memory_space<hbm>>) target(%dma_start3A_169 : memref<128x128xf32, #tpu.memory_space<vmem>>) offsets(%dma_start3A_172 : memref<128xi32, #tpu.memory_space<vmem>>) semaphore(%arg12 : memref<!tpu.dma_semaphore, #tpu.memory_space<semaphore_mem>>)
      %dma_wait3A_176 = arith.constant 1 : i32
      %dma_wait3A_177 = arith.constant 0 : i32
      %dma_wait3A_178 = arith.constant 0 : i32
      %dma_wait3A_179 = tpu.memref_slice %arg10[%dma_wait3A_176, %dma_wait3A_177, %dma_wait3A_178] : memref<2x128x128xf32, #tpu.memory_space<vmem>> -> memref<1x128x128xf32, #tpu.memory_space<vmem>>
      %dma_wait3A_180 = tpu.memref_squeeze %dma_wait3A_179 : memref<1x128x128xf32, #tpu.memory_space<vmem>> -> memref<128x128xf32, #tpu.memory_space<vmem>>
      %dma_wait3A_181 = arith.constant 0 : i32
      %dma_wait3A_182 = arith.constant 0 : i32
      %dma_wait3A_183 = tpu.memref_slice %arg11[%dma_wait3A_181, %dma_wait3A_182] : memref<10240x128xf32, #tpu.memory_space<vmem_shared>> -> memref<10240x128xf32, #tpu.memory_space<vmem_shared>>
      tpu.wait_indirect_dma semaphore(%arg15 : memref<!tpu.dma_semaphore, #tpu.memory_space<semaphore_mem>>) src(%dma_wait3A_180 : memref<128x128xf32, #tpu.memory_space<vmem>>) dst(%dma_wait3A_183 : memref<10240x128xf32, #tpu.memory_space<vmem_shared>>)
      %mul3A_184 = arith.constant 2 : i32
      %mul3A_185 = arith.muli %scan3A_85, %mul3A_184 : i32
      %add3A_186 = arith.constant 1 : i32
      %add3A_187 = arith.addi %mul3A_185, %add3A_186 : i32
      %mul3A_188 = arith.constant 128 : i32
      %mul3A_189 = arith.muli %add3A_187, %mul3A_188 : i32
      %add3A_190 = arith.addi %mul3A_6, %mul3A_189 : i32
      %multiple_of3A_191 = tpu.assume_multiple %add3A_190, 128 : i32
      %dma_start3A_192 = tpu.memref_slice %arg5[%multiple_of3A_191] : memref<327680xi32, #tpu.memory_space<hbm>> -> memref<128xi32, #tpu.memory_space<hbm>>
      %dma_start3A_193 = tpu.memref_slice %arg5[%multiple_of3A_191] : memref<327680xi32, #tpu.memory_space<hbm>> -> memref<128xi32, #tpu.memory_space<hbm>>
      tpu.enqueue_dma source(%dma_start3A_193 : memref<128xi32, #tpu.memory_space<hbm>>) target(%arg9 : memref<128xi32, #tpu.memory_space<vmem>>) target_semaphore(%arg17 : memref<!tpu.dma_semaphore, #tpu.memory_space<semaphore_mem>>)
      %dma_start3A_194 = arith.constant 1 : i32
      %dma_start3A_195 = arith.constant 0 : i32
      %dma_start3A_196 = arith.constant 0 : i32
      %dma_start3A_197 = tpu.memref_slice %arg10[%dma_start3A_194, %dma_start3A_195, %dma_start3A_196] : memref<2x128x128xf32, #tpu.memory_space<vmem>> -> memref<1x128x128xf32, #tpu.memory_space<vmem>>
      %dma_start3A_198 = tpu.memref_squeeze %dma_start3A_197 : memref<1x128x128xf32, #tpu.memory_space<vmem>> -> memref<128x128xf32, #tpu.memory_space<vmem>>
      %dma_start3A_199 = arith.constant 0 : i32
      %dma_start3A_200 = tpu.memref_slice %arg7[%add3A_187, %dma_start3A_199] : memref<80x128xi32, #tpu.memory_space<vmem>> -> memref<1x128xi32, #tpu.memory_space<vmem>>
      %dma_start3A_201 = tpu.memref_squeeze %dma_start3A_200 : memref<1x128xi32, #tpu.memory_space<vmem>> -> memref<128xi32, #tpu.memory_space<vmem>>
      %dma_start3A_202 = arith.constant 0 : i32
      %dma_start3A_203 = arith.constant 0 : i32
      %dma_start3A_204 = tpu.memref_slice %arg2[%dma_start3A_202, %dma_start3A_203] : memref<10240x128xf32, #tpu.memory_space<hbm>> -> memref<10240x128xf32, #tpu.memory_space<hbm>>
      tpu.enqueue_indirect_dma source(%dma_start3A_204 : memref<10240x128xf32, #tpu.memory_space<hbm>>) target(%dma_start3A_198 : memref<128x128xf32, #tpu.memory_space<vmem>>) offsets(%dma_start3A_201 : memref<128xi32, #tpu.memory_space<vmem>>) semaphore(%arg13 : memref<!tpu.dma_semaphore, #tpu.memory_space<semaphore_mem>>)
    }
    %scan3A_49 = arith.constant 39 : i32
    %dma_wait3A = arith.constant 78 : i32
    %dma_wait3A_50 = arith.constant 0 : i32
    %dma_wait3A_51 = arith.constant 0 : i32
    %dma_wait3A_52 = arith.constant 0 : i32
    %dma_wait3A_53 = tpu.memref_slice %arg10[%dma_wait3A_50, %dma_wait3A_51, %dma_wait3A_52] : memref<2x128x128xf32, #tpu.memory_space<vmem>> -> memref<1x128x128xf32, #tpu.memory_space<vmem>>
    %dma_wait3A_54 = tpu.memref_squeeze %dma_wait3A_53 : memref<1x128x128xf32, #tpu.memory_space<vmem>> -> memref<128x128xf32, #tpu.memory_space<vmem>>
    %dma_wait3A_55 = arith.constant 0 : i32
    %dma_wait3A_56 = tpu.memref_slice %arg7[%dma_wait3A, %dma_wait3A_55] : memref<80x128xi32, #tpu.memory_space<vmem>> -> memref<1x128xi32, #tpu.memory_space<vmem>>
    %dma_wait3A_57 = tpu.memref_squeeze %dma_wait3A_56 : memref<1x128xi32, #tpu.memory_space<vmem>> -> memref<128xi32, #tpu.memory_space<vmem>>
    %dma_wait3A_58 = arith.constant 0 : i32
    %dma_wait3A_59 = arith.constant 0 : i32
    %dma_wait3A_60 = tpu.memref_slice %arg2[%dma_wait3A_58, %dma_wait3A_59] : memref<10240x128xf32, #tpu.memory_space<hbm>> -> memref<10240x128xf32, #tpu.memory_space<hbm>>
    tpu.wait_indirect_dma semaphore(%arg12 : memref<!tpu.dma_semaphore, #tpu.memory_space<semaphore_mem>>) src(%dma_wait3A_60 : memref<10240x128xf32, #tpu.memory_space<hbm>>) dst(%dma_wait3A_54 : memref<128x128xf32, #tpu.memory_space<vmem>>)
    %add3A_61 = arith.constant 9984 : i32
    %add3A_62 = arith.addi %mul3A_6, %add3A_61 : i32
    %multiple_of3A_63 = tpu.assume_multiple %add3A_62, 128 : i32
    %dma_wait3A_64 = tpu.memref_slice %arg5[%multiple_of3A_63] : memref<327680xi32, #tpu.memory_space<hbm>> -> memref<128xi32, #tpu.memory_space<hbm>>
    %dma_wait3A_65 = tpu.memref_slice %arg5[%multiple_of3A_63] : memref<327680xi32, #tpu.memory_space<hbm>> -> memref<128xi32, #tpu.memory_space<hbm>>
    tpu.wait_dma2 semaphore(%arg16 : memref<!tpu.dma_semaphore, #tpu.memory_space<semaphore_mem>>) src(%dma_wait3A_65 : memref<128xi32, #tpu.memory_space<hbm>>) dst(%arg8 : memref<128xi32, #tpu.memory_space<vmem>>)
    %run_scoped3A = arith.constant 0 : i32
    "tpu.region"() ({
      %run_scoped3A_85 = tpu.sem_alloc : memref<!tpu.dma_semaphore, #tpu.memory_space<semaphore_mem>>
      %dma_start3A_86 = arith.constant 0 : i32
      %dma_start3A_87 = arith.constant 0 : i32
      %dma_start3A_88 = tpu.memref_slice %arg10[%run_scoped3A, %dma_start3A_86, %dma_start3A_87] : memref<2x128x128xf32, #tpu.memory_space<vmem>> -> memref<1x128x128xf32, #tpu.memory_space<vmem>>
      %dma_start3A_89 = tpu.memref_squeeze %dma_start3A_88 : memref<1x128x128xf32, #tpu.memory_space<vmem>> -> memref<128x128xf32, #tpu.memory_space<vmem>>
      %dma_start3A_90 = arith.constant 0 : i32
      %dma_start3A_91 = arith.constant 0 : i32
      %dma_start3A_92 = tpu.memref_slice %arg11[%dma_start3A_90, %dma_start3A_91] : memref<10240x128xf32, #tpu.memory_space<vmem_shared>> -> memref<10240x128xf32, #tpu.memory_space<vmem_shared>>
      tpu.enqueue_indirect_dma source(%dma_start3A_89 : memref<128x128xf32, #tpu.memory_space<vmem>>) target(%dma_start3A_92 : memref<10240x128xf32, #tpu.memory_space<vmem_shared>>) offsets(%arg8 : memref<128xi32, #tpu.memory_space<vmem>>) semaphore(%run_scoped3A_85 : memref<!tpu.dma_semaphore, #tpu.memory_space<semaphore_mem>>) {add = true}
      %dma_wait3A_93 = arith.constant 0 : i32
      %dma_wait3A_94 = arith.constant 0 : i32
      %dma_wait3A_95 = tpu.memref_slice %arg10[%run_scoped3A, %dma_wait3A_93, %dma_wait3A_94] : memref<2x128x128xf32, #tpu.memory_space<vmem>> -> memref<1x128x128xf32, #tpu.memory_space<vmem>>
      %dma_wait3A_96 = tpu.memref_squeeze %dma_wait3A_95 : memref<1x128x128xf32, #tpu.memory_space<vmem>> -> memref<128x128xf32, #tpu.memory_space<vmem>>
      %dma_wait3A_97 = arith.constant 0 : i32
      %dma_wait3A_98 = arith.constant 0 : i32
      %dma_wait3A_99 = tpu.memref_slice %arg11[%dma_wait3A_97, %dma_wait3A_98] : memref<10240x128xf32, #tpu.memory_space<vmem_shared>> -> memref<10240x128xf32, #tpu.memory_space<vmem_shared>>
      tpu.wait_indirect_dma semaphore(%run_scoped3A_85 : memref<!tpu.dma_semaphore, #tpu.memory_space<semaphore_mem>>) src(%dma_wait3A_96 : memref<128x128xf32, #tpu.memory_space<vmem>>) dst(%dma_wait3A_99 : memref<10240x128xf32, #tpu.memory_space<vmem_shared>>)
      tpu.yield
    }) : () -> ()
    %dma_wait3A_66 = arith.constant 79 : i32
    %dma_wait3A_67 = arith.constant 1 : i32
    %dma_wait3A_68 = arith.constant 0 : i32
    %dma_wait3A_69 = arith.constant 0 : i32
    %dma_wait3A_70 = tpu.memref_slice %arg10[%dma_wait3A_67, %dma_wait3A_68, %dma_wait3A_69] : memref<2x128x128xf32, #tpu.memory_space<vmem>> -> memref<1x128x128xf32, #tpu.memory_space<vmem>>
    %dma_wait3A_71 = tpu.memref_squeeze %dma_wait3A_70 : memref<1x128x128xf32, #tpu.memory_space<vmem>> -> memref<128x128xf32, #tpu.memory_space<vmem>>
    %dma_wait3A_72 = arith.constant 0 : i32
    %dma_wait3A_73 = tpu.memref_slice %arg7[%dma_wait3A_66, %dma_wait3A_72] : memref<80x128xi32, #tpu.memory_space<vmem>> -> memref<1x128xi32, #tpu.memory_space<vmem>>
    %dma_wait3A_74 = tpu.memref_squeeze %dma_wait3A_73 : memref<1x128xi32, #tpu.memory_space<vmem>> -> memref<128xi32, #tpu.memory_space<vmem>>
    %dma_wait3A_75 = arith.constant 0 : i32
    %dma_wait3A_76 = arith.constant 0 : i32
    %dma_wait3A_77 = tpu.memref_slice %arg2[%dma_wait3A_75, %dma_wait3A_76] : memref<10240x128xf32, #tpu.memory_space<hbm>> -> memref<10240x128xf32, #tpu.memory_space<hbm>>
    tpu.wait_indirect_dma semaphore(%arg13 : memref<!tpu.dma_semaphore, #tpu.memory_space<semaphore_mem>>) src(%dma_wait3A_77 : memref<10240x128xf32, #tpu.memory_space<hbm>>) dst(%dma_wait3A_71 : memref<128x128xf32, #tpu.memory_space<vmem>>)
    %add3A_78 = arith.constant 10112 : i32
    %add3A_79 = arith.addi %mul3A_6, %add3A_78 : i32
    %multiple_of3A_80 = tpu.assume_multiple %add3A_79, 128 : i32
    %dma_wait3A_81 = tpu.memref_slice %arg5[%multiple_of3A_80] : memref<327680xi32, #tpu.memory_space<hbm>> -> memref<128xi32, #tpu.memory_space<hbm>>
    %dma_wait3A_82 = tpu.memref_slice %arg5[%multiple_of3A_80] : memref<327680xi32, #tpu.memory_space<hbm>> -> memref<128xi32, #tpu.memory_space<hbm>>
    tpu.wait_dma2 semaphore(%arg17 : memref<!tpu.dma_semaphore, #tpu.memory_space<semaphore_mem>>) src(%dma_wait3A_82 : memref<128xi32, #tpu.memory_space<hbm>>) dst(%arg9 : memref<128xi32, #tpu.memory_space<vmem>>)
    %run_scoped3A_83 = arith.constant 1 : i32
    "tpu.region"() ({
      %run_scoped3A_85 = tpu.sem_alloc : memref<!tpu.dma_semaphore, #tpu.memory_space<semaphore_mem>>
      %dma_start3A_86 = arith.constant 0 : i32
      %dma_start3A_87 = arith.constant 0 : i32
      %dma_start3A_88 = tpu.memref_slice %arg10[%run_scoped3A_83, %dma_start3A_86, %dma_start3A_87] : memref<2x128x128xf32, #tpu.memory_space<vmem>> -> memref<1x128x128xf32, #tpu.memory_space<vmem>>
      %dma_start3A_89 = tpu.memref_squeeze %dma_start3A_88 : memref<1x128x128xf32, #tpu.memory_space<vmem>> -> memref<128x128xf32, #tpu.memory_space<vmem>>
      %dma_start3A_90 = arith.constant 0 : i32
      %dma_start3A_91 = arith.constant 0 : i32
      %dma_start3A_92 = tpu.memref_slice %arg11[%dma_start3A_90, %dma_start3A_91] : memref<10240x128xf32, #tpu.memory_space<vmem_shared>> -> memref<10240x128xf32, #tpu.memory_space<vmem_shared>>
      tpu.enqueue_indirect_dma source(%dma_start3A_89 : memref<128x128xf32, #tpu.memory_space<vmem>>) target(%dma_start3A_92 : memref<10240x128xf32, #tpu.memory_space<vmem_shared>>) offsets(%arg9 : memref<128xi32, #tpu.memory_space<vmem>>) semaphore(%run_scoped3A_85 : memref<!tpu.dma_semaphore, #tpu.memory_space<semaphore_mem>>) {add = true}
      %dma_wait3A_93 = arith.constant 0 : i32
      %dma_wait3A_94 = arith.constant 0 : i32
      %dma_wait3A_95 = tpu.memref_slice %arg10[%run_scoped3A_83, %dma_wait3A_93, %dma_wait3A_94] : memref<2x128x128xf32, #tpu.memory_space<vmem>> -> memref<1x128x128xf32, #tpu.memory_space<vmem>>
      %dma_wait3A_96 = tpu.memref_squeeze %dma_wait3A_95 : memref<1x128x128xf32, #tpu.memory_space<vmem>> -> memref<128x128xf32, #tpu.memory_space<vmem>>
      %dma_wait3A_97 = arith.constant 0 : i32
      %dma_wait3A_98 = arith.constant 0 : i32
      %dma_wait3A_99 = tpu.memref_slice %arg11[%dma_wait3A_97, %dma_wait3A_98] : memref<10240x128xf32, #tpu.memory_space<vmem_shared>> -> memref<10240x128xf32, #tpu.memory_space<vmem_shared>>
      tpu.wait_indirect_dma semaphore(%run_scoped3A_85 : memref<!tpu.dma_semaphore, #tpu.memory_space<semaphore_mem>>) src(%dma_wait3A_96 : memref<128x128xf32, #tpu.memory_space<vmem>>) dst(%dma_wait3A_99 : memref<10240x128xf32, #tpu.memory_space<vmem_shared>>)
      tpu.yield
    }) : () -> ()
    %barrier3A_84 = arith.constant 0 : index
    tpu.barrier barrier_id(%barrier3A_84)
    "tpu.region"() ({
      %run_scoped3A_85 = tpu.sem_alloc : memref<!tpu.dma_semaphore, #tpu.memory_space<semaphore_mem>>
      %dma_start3A_86 = arith.constant 0 : i32
      %dma_start3A_87 = tpu.memref_slice %arg6[%arg0, %mul3A_2, %dma_start3A_86] : memref<2x10240x128xf32, #tpu.memory_space<hbm>> -> memref<1x640x128xf32, #tpu.memory_space<hbm>>
      %dma_start3A_88 = tpu.memref_squeeze %dma_start3A_87 : memref<1x640x128xf32, #tpu.memory_space<hbm>> -> memref<640x128xf32, #tpu.memory_space<hbm>>
      %dma_start3A_89 = arith.constant 0 : i32
      %dma_start3A_90 = tpu.memref_slice %arg11[%mul3A_2, %dma_start3A_89] : memref<10240x128xf32, #tpu.memory_space<vmem_shared>> -> memref<640x128xf32, #tpu.memory_space<vmem_shared>>
      tpu.enqueue_dma source(%dma_start3A_90 : memref<640x128xf32, #tpu.memory_space<vmem_shared>>) target(%dma_start3A_88 : memref<640x128xf32, #tpu.memory_space<hbm>>) target_semaphore(%run_scoped3A_85 : memref<!tpu.dma_semaphore, #tpu.memory_space<semaphore_mem>>)
      %dma_wait3A_91 = arith.constant 0 : i32
      %dma_wait3A_92 = tpu.memref_slice %arg6[%arg0, %mul3A_2, %dma_wait3A_91] : memref<2x10240x128xf32, #tpu.memory_space<hbm>> -> memref<1x640x128xf32, #tpu.memory_space<hbm>>
      %dma_wait3A_93 = tpu.memref_squeeze %dma_wait3A_92 : memref<1x640x128xf32, #tpu.memory_space<hbm>> -> memref<640x128xf32, #tpu.memory_space<hbm>>
      %dma_wait3A_94 = arith.constant 0 : i32
      %dma_wait3A_95 = tpu.memref_slice %arg11[%mul3A_2, %dma_wait3A_94] : memref<10240x128xf32, #tpu.memory_space<vmem_shared>> -> memref<640x128xf32, #tpu.memory_space<vmem_shared>>
      tpu.wait_dma2 semaphore(%run_scoped3A_85 : memref<!tpu.dma_semaphore, #tpu.memory_space<semaphore_mem>>) src(%dma_wait3A_95 : memref<640x128xf32, #tpu.memory_space<vmem_shared>>) dst(%dma_wait3A_93 : memref<640x128xf32, #tpu.memory_space<hbm>>)
      tpu.yield
    }) : () -> ()
    return
  }
}

#map = affine_map<(d0, d1) -> (0, 0)>
#map1 = affine_map<(d0, d1) -> (0, 0, 0)>
module attributes {stable_mosaic.version = 14 : i64} {
  func.func @gcn_sc_degree(%arg0: i32, %arg1: i32, %arg2: memref<2560x128xi32, #tpu.memory_space<hbm>>, %arg3: memref<2x16x10240xf32, #tpu.memory_space<hbm>>, %arg4: memref<80x128xi32, #tpu.memory_space<vmem>>, %arg5: memref<10240xf32, #tpu.memory_space<vmem>>) attributes {dimension_semantics = [#tpu.dimension_semantics<core_parallel>, #tpu.dimension_semantics<subcore_parallel>], iteration_bounds = array<i64: 2, 16>, scalar_prefetch = 0 : i64, scratch_operands = 2 : i64, tpu.core_type = #tpu.core_type<sc_vector_subcore>, window_params = [{transform_indices = #map}, {transform_indices = #map1}]} {
    %mul3A = arith.constant 16 : i32
    %mul3A_0 = arith.muli %arg0, %mul3A : i32
    %add3A = arith.addi %mul3A_0, %arg1 : i32
    %mul3A_1 = arith.constant 80 : i32
    %mul3A_2 = arith.muli %add3A, %mul3A_1 : i32
    "tpu.region"() ({
      %run_scoped3A = tpu.sem_alloc : memref<!tpu.dma_semaphore, #tpu.memory_space<semaphore_mem>>
      %dma_start3A = arith.constant 0 : i32
      %dma_start3A_15 = tpu.memref_slice %arg2[%mul3A_2, %dma_start3A] : memref<2560x128xi32, #tpu.memory_space<hbm>> -> memref<80x128xi32, #tpu.memory_space<hbm>>
      %dma_start3A_16 = arith.constant 0 : i32
      %dma_start3A_17 = tpu.memref_slice %arg2[%mul3A_2, %dma_start3A_16] : memref<2560x128xi32, #tpu.memory_space<hbm>> -> memref<80x128xi32, #tpu.memory_space<hbm>>
      tpu.enqueue_dma source(%dma_start3A_17 : memref<80x128xi32, #tpu.memory_space<hbm>>) target(%arg4 : memref<80x128xi32, #tpu.memory_space<vmem>>) target_semaphore(%run_scoped3A : memref<!tpu.dma_semaphore, #tpu.memory_space<semaphore_mem>>)
      %dma_wait3A = arith.constant 0 : i32
      %dma_wait3A_18 = tpu.memref_slice %arg2[%mul3A_2, %dma_wait3A] : memref<2560x128xi32, #tpu.memory_space<hbm>> -> memref<80x128xi32, #tpu.memory_space<hbm>>
      %dma_wait3A_19 = arith.constant 0 : i32
      %dma_wait3A_20 = tpu.memref_slice %arg2[%mul3A_2, %dma_wait3A_19] : memref<2560x128xi32, #tpu.memory_space<hbm>> -> memref<80x128xi32, #tpu.memory_space<hbm>>
      tpu.wait_dma2 semaphore(%run_scoped3A : memref<!tpu.dma_semaphore, #tpu.memory_space<semaphore_mem>>) src(%dma_wait3A_20 : memref<80x128xi32, #tpu.memory_space<hbm>>) dst(%arg4 : memref<80x128xi32, #tpu.memory_space<vmem>>)
      tpu.yield
    }) : () -> ()
    %scan3A = arith.constant 0 : i32
    %scan3A_3 = arith.constant 0 : i32
    %scan3A_4 = arith.constant 640 : i32
    %scan3A_5 = arith.addi %scan3A_3, %scan3A_4 : i32
    %scan3A_6 = arith.constant 1 : i32
    scf.for %scan3A_15 = %scan3A_3 to %scan3A_5 step %scan3A_6  : i32 {
      %broadcast_in_dim3A_16 = arith.constant 0.000000e+00 : f32
      %broadcast_in_dim3A_17 = vector.broadcast %broadcast_in_dim3A_16 : f32 to vector<16xf32>
      %mul3A_18 = arith.constant 16 : i32
      %mul3A_19 = arith.muli %scan3A_15, %mul3A_18 : i32
      %swap3A = arith.index_cast %mul3A_19 : i32 to index
      %swap3A_20 = tpu.vector_load %arg5[%swap3A] {strides = array<i32>} : memref<10240xf32, #tpu.memory_space<vmem>>, vector<16xf32>,
      tpu.vector_store %arg5[%swap3A], %broadcast_in_dim3A_17 {strides = array<i32>} : memref<10240xf32, #tpu.memory_space<vmem>>, vector<16xf32>,
    }
    %scan3A_7 = arith.constant 640 : i32
    %broadcast_in_dim3A = arith.constant 1.000000e+00 : f32
    %broadcast_in_dim3A_8 = vector.broadcast %broadcast_in_dim3A : f32 to vector<16xf32>
    %scan3A_9 = arith.constant 0 : i32
    %scan3A_10 = arith.constant 0 : i32
    %scan3A_11 = arith.constant 80 : i32
    %scan3A_12 = arith.addi %scan3A_10, %scan3A_11 : i32
    %scan3A_13 = arith.constant 1 : i32
    scf.for %scan3A_15 = %scan3A_10 to %scan3A_12 step %scan3A_13  : i32 {
      %get3A = arith.index_cast %scan3A_15 : i32 to index
      %get3A_16 = arith.constant 0 : index
      %get3A_17 = tpu.vector_load %arg4[%get3A, %get3A_16] {strides = array<i32>} : memref<80x128xi32, #tpu.memory_space<vmem>>, vector<16xi32>,
      tpu.vector_store_idx %arg5[%get3A_17], %broadcast_in_dim3A_8 {add = true} : memref<10240xf32, #tpu.memory_space<vmem>>[vector<16xi32>], vector<16xf32>,
      %get3A_18 = arith.index_cast %scan3A_15 : i32 to index
      %get3A_19 = arith.constant 16 : index
      %get3A_20 = tpu.vector_load %arg4[%get3A_18, %get3A_19] {strides = array<i32>} : memref<80x128xi32, #tpu.memory_space<vmem>>, vector<16xi32>,
      tpu.vector_store_idx %arg5[%get3A_20], %broadcast_in_dim3A_8 {add = true} : memref<10240xf32, #tpu.memory_space<vmem>>[vector<16xi32>], vector<16xf32>,
      %get3A_21 = arith.index_cast %scan3A_15 : i32 to index
      %get3A_22 = arith.constant 32 : index
      %get3A_23 = tpu.vector_load %arg4[%get3A_21, %get3A_22] {strides = array<i32>} : memref<80x128xi32, #tpu.memory_space<vmem>>, vector<16xi32>,
      tpu.vector_store_idx %arg5[%get3A_23], %broadcast_in_dim3A_8 {add = true} : memref<10240xf32, #tpu.memory_space<vmem>>[vector<16xi32>], vector<16xf32>,
      %get3A_24 = arith.index_cast %scan3A_15 : i32 to index
      %get3A_25 = arith.constant 48 : index
      %get3A_26 = tpu.vector_load %arg4[%get3A_24, %get3A_25] {strides = array<i32>} : memref<80x128xi32, #tpu.memory_space<vmem>>, vector<16xi32>,
      tpu.vector_store_idx %arg5[%get3A_26], %broadcast_in_dim3A_8 {add = true} : memref<10240xf32, #tpu.memory_space<vmem>>[vector<16xi32>], vector<16xf32>,
      %get3A_27 = arith.index_cast %scan3A_15 : i32 to index
      %get3A_28 = arith.constant 64 : index
      %get3A_29 = tpu.vector_load %arg4[%get3A_27, %get3A_28] {strides = array<i32>} : memref<80x128xi32, #tpu.memory_space<vmem>>, vector<16xi32>,
      tpu.vector_store_idx %arg5[%get3A_29], %broadcast_in_dim3A_8 {add = true} : memref<10240xf32, #tpu.memory_space<vmem>>[vector<16xi32>], vector<16xf32>,
      %get3A_30 = arith.index_cast %scan3A_15 : i32 to index
      %get3A_31 = arith.constant 80 : index
      %get3A_32 = tpu.vector_load %arg4[%get3A_30, %get3A_31] {strides = array<i32>} : memref<80x128xi32, #tpu.memory_space<vmem>>, vector<16xi32>,
      tpu.vector_store_idx %arg5[%get3A_32], %broadcast_in_dim3A_8 {add = true} : memref<10240xf32, #tpu.memory_space<vmem>>[vector<16xi32>], vector<16xf32>,
      %get3A_33 = arith.index_cast %scan3A_15 : i32 to index
      %get3A_34 = arith.constant 96 : index
      %get3A_35 = tpu.vector_load %arg4[%get3A_33, %get3A_34] {strides = array<i32>} : memref<80x128xi32, #tpu.memory_space<vmem>>, vector<16xi32>,
      tpu.vector_store_idx %arg5[%get3A_35], %broadcast_in_dim3A_8 {add = true} : memref<10240xf32, #tpu.memory_space<vmem>>[vector<16xi32>], vector<16xf32>,
      %get3A_36 = arith.index_cast %scan3A_15 : i32 to index
      %get3A_37 = arith.constant 112 : index
      %get3A_38 = tpu.vector_load %arg4[%get3A_36, %get3A_37] {strides = array<i32>} : memref<80x128xi32, #tpu.memory_space<vmem>>, vector<16xi32>,
      tpu.vector_store_idx %arg5[%get3A_38], %broadcast_in_dim3A_8 {add = true} : memref<10240xf32, #tpu.memory_space<vmem>>[vector<16xi32>], vector<16xf32>,
    }
    %scan3A_14 = arith.constant 80 : i32
    "tpu.region"() ({
      %run_scoped3A = tpu.sem_alloc : memref<!tpu.dma_semaphore, #tpu.memory_space<semaphore_mem>>
      %dma_start3A = arith.constant 0 : i32
      %dma_start3A_15 = tpu.memref_slice %arg3[%arg0, %arg1, %dma_start3A] : memref<2x16x10240xf32, #tpu.memory_space<hbm>> -> memref<1x1x10240xf32, #tpu.memory_space<hbm>>
      %dma_start3A_16 = tpu.memref_squeeze %dma_start3A_15 : memref<1x1x10240xf32, #tpu.memory_space<hbm>> -> memref<10240xf32, #tpu.memory_space<hbm>>
      %dma_start3A_17 = arith.constant 0 : i32
      %dma_start3A_18 = tpu.memref_slice %arg3[%arg0, %arg1, %dma_start3A_17] : memref<2x16x10240xf32, #tpu.memory_space<hbm>> -> memref<1x1x10240xf32, #tpu.memory_space<hbm>>
      %dma_start3A_19 = tpu.memref_squeeze %dma_start3A_18 : memref<1x1x10240xf32, #tpu.memory_space<hbm>> -> memref<10240xf32, #tpu.memory_space<hbm>>
      tpu.enqueue_dma source(%arg5 : memref<10240xf32, #tpu.memory_space<vmem>>) target(%dma_start3A_19 : memref<10240xf32, #tpu.memory_space<hbm>>) target_semaphore(%run_scoped3A : memref<!tpu.dma_semaphore, #tpu.memory_space<semaphore_mem>>)
      %dma_wait3A = arith.constant 0 : i32
      %dma_wait3A_20 = tpu.memref_slice %arg3[%arg0, %arg1, %dma_wait3A] : memref<2x16x10240xf32, #tpu.memory_space<hbm>> -> memref<1x1x10240xf32, #tpu.memory_space<hbm>>
      %dma_wait3A_21 = tpu.memref_squeeze %dma_wait3A_20 : memref<1x1x10240xf32, #tpu.memory_space<hbm>> -> memref<10240xf32, #tpu.memory_space<hbm>>
      %dma_wait3A_22 = arith.constant 0 : i32
      %dma_wait3A_23 = tpu.memref_slice %arg3[%arg0, %arg1, %dma_wait3A_22] : memref<2x16x10240xf32, #tpu.memory_space<hbm>> -> memref<1x1x10240xf32, #tpu.memory_space<hbm>>
      %dma_wait3A_24 = tpu.memref_squeeze %dma_wait3A_23 : memref<1x1x10240xf32, #tpu.memory_space<hbm>> -> memref<10240xf32, #tpu.memory_space<hbm>>
      tpu.wait_dma2 semaphore(%run_scoped3A : memref<!tpu.dma_semaphore, #tpu.memory_space<semaphore_mem>>) src(%arg5 : memref<10240xf32, #tpu.memory_space<vmem>>) dst(%dma_wait3A_24 : memref<10240xf32, #tpu.memory_space<hbm>>)
      tpu.yield
    }) : () -> ()
    return
  }
}

#map = affine_map<(d0, d1) -> (0, 0)>
#map1 = affine_map<(d0, d1) -> (0)>
#map2 = affine_map<(d0, d1) -> (0, 0, 0)>
module attributes {stable_mosaic.version = 14 : i64} {
  func.func @gcn_sc_aggregate(%arg0: i32, %arg1: i32, %arg2: memref<10240x128xf32, #tpu.memory_space<hbm>>, %arg3: memref<10240x128xf32, #tpu.memory_space<hbm>>, %arg4: memref<2560x128xi32, #tpu.memory_space<hbm>>, %arg5: memref<327680xi32, #tpu.memory_space<hbm>>, %arg6: memref<2x10240x128xf32, #tpu.memory_space<hbm>>, %arg7: memref<80x128xi32, #tpu.memory_space<vmem>>, %arg8: memref<128xi32, #tpu.memory_space<vmem>>, %arg9: memref<128xi32, #tpu.memory_space<vmem>>, %arg10: memref<2x128x128xf32, #tpu.memory_space<vmem>>, %arg11: memref<10240x128xf32, #tpu.memory_space<vmem_shared>>, %arg12: memref<!tpu.dma_semaphore, #tpu.memory_space<semaphore_mem>>, %arg13: memref<!tpu.dma_semaphore, #tpu.memory_space<semaphore_mem>>, %arg14: memref<!tpu.dma_semaphore, #tpu.memory_space<semaphore_mem>>, %arg15: memref<!tpu.dma_semaphore, #tpu.memory_space<semaphore_mem>>, %arg16: memref<!tpu.dma_semaphore, #tpu.memory_space<semaphore_mem>>, %arg17: memref<!tpu.dma_semaphore, #tpu.memory_space<semaphore_mem>>) attributes {dimension_semantics = [#tpu.dimension_semantics<core_parallel>, #tpu.dimension_semantics<subcore_parallel>], iteration_bounds = array<i64: 2, 16>, scalar_prefetch = 0 : i64, scratch_operands = 11 : i64, tpu.core_type = #tpu.core_type<sc_vector_subcore>, window_params = [{transform_indices = #map}, {transform_indices = #map}, {transform_indices = #map}, {transform_indices = #map1}, {transform_indices = #map2}]} {
    %mul3A = arith.constant 16 : i32
    %mul3A_0 = arith.muli %arg0, %mul3A : i32
    %add3A = arith.addi %mul3A_0, %arg1 : i32
    %mul3A_1 = arith.constant 640 : i32
    %mul3A_2 = arith.muli %arg1, %mul3A_1 : i32
    %mul3A_3 = arith.constant 80 : i32
    %mul3A_4 = arith.muli %add3A, %mul3A_3 : i32
    "tpu.region"() ({
      %run_scoped3A_85 = tpu.sem_alloc : memref<!tpu.dma_semaphore, #tpu.memory_space<semaphore_mem>>
      %dma_start3A_86 = arith.constant 0 : i32
      %dma_start3A_87 = tpu.memref_slice %arg4[%mul3A_4, %dma_start3A_86] : memref<2560x128xi32, #tpu.memory_space<hbm>> -> memref<80x128xi32, #tpu.memory_space<hbm>>
      %dma_start3A_88 = arith.constant 0 : i32
      %dma_start3A_89 = tpu.memref_slice %arg4[%mul3A_4, %dma_start3A_88] : memref<2560x128xi32, #tpu.memory_space<hbm>> -> memref<80x128xi32, #tpu.memory_space<hbm>>
      tpu.enqueue_dma source(%dma_start3A_89 : memref<80x128xi32, #tpu.memory_space<hbm>>) target(%arg7 : memref<80x128xi32, #tpu.memory_space<vmem>>) target_semaphore(%run_scoped3A_85 : memref<!tpu.dma_semaphore, #tpu.memory_space<semaphore_mem>>)
      %dma_wait3A_90 = arith.constant 0 : i32
      %dma_wait3A_91 = tpu.memref_slice %arg4[%mul3A_4, %dma_wait3A_90] : memref<2560x128xi32, #tpu.memory_space<hbm>> -> memref<80x128xi32, #tpu.memory_space<hbm>>
      %dma_wait3A_92 = arith.constant 0 : i32
      %dma_wait3A_93 = tpu.memref_slice %arg4[%mul3A_4, %dma_wait3A_92] : memref<2560x128xi32, #tpu.memory_space<hbm>> -> memref<80x128xi32, #tpu.memory_space<hbm>>
      tpu.wait_dma2 semaphore(%run_scoped3A_85 : memref<!tpu.dma_semaphore, #tpu.memory_space<semaphore_mem>>) src(%dma_wait3A_93 : memref<80x128xi32, #tpu.memory_space<hbm>>) dst(%arg7 : memref<80x128xi32, #tpu.memory_space<vmem>>)
      tpu.yield
    }) : () -> ()
    %mul3A_5 = arith.constant 10240 : i32
    %mul3A_6 = arith.muli %add3A, %mul3A_5 : i32
    %add3A_7 = arith.constant 0 : i32
    %add3A_8 = arith.addi %mul3A_6, %add3A_7 : i32
    %multiple_of3A = tpu.assume_multiple %add3A_8, 128 : i32
    %dma_start3A = tpu.memref_slice %arg5[%multiple_of3A] : memref<327680xi32, #tpu.memory_space<hbm>> -> memref<128xi32, #tpu.memory_space<hbm>>
    %dma_start3A_9 = tpu.memref_slice %arg5[%multiple_of3A] : memref<327680xi32, #tpu.memory_space<hbm>> -> memref<128xi32, #tpu.memory_space<hbm>>
    tpu.enqueue_dma source(%dma_start3A_9 : memref<128xi32, #tpu.memory_space<hbm>>) target(%arg8 : memref<128xi32, #tpu.memory_space<vmem>>) target_semaphore(%arg16 : memref<!tpu.dma_semaphore, #tpu.memory_space<semaphore_mem>>)
    %dma_start3A_10 = arith.constant 0 : i32
    %dma_start3A_11 = arith.constant 0 : i32
    %dma_start3A_12 = arith.constant 0 : i32
    %dma_start3A_13 = arith.constant 0 : i32
    %dma_start3A_14 = tpu.memref_slice %arg10[%dma_start3A_11, %dma_start3A_12, %dma_start3A_13] : memref<2x128x128xf32, #tpu.memory_space<vmem>> -> memref<1x128x128xf32, #tpu.memory_space<vmem>>
    %dma_start3A_15 = tpu.memref_squeeze %dma_start3A_14 : memref<1x128x128xf32, #tpu.memory_space<vmem>> -> memref<128x128xf32, #tpu.memory_space<vmem>>
    %dma_start3A_16 = arith.constant 0 : i32
    %dma_start3A_17 = tpu.memref_slice %arg7[%dma_start3A_10, %dma_start3A_16] : memref<80x128xi32, #tpu.memory_space<vmem>> -> memref<1x128xi32, #tpu.memory_space<vmem>>
    %dma_start3A_18 = tpu.memref_squeeze %dma_start3A_17 : memref<1x128xi32, #tpu.memory_space<vmem>> -> memref<128xi32, #tpu.memory_space<vmem>>
    %dma_start3A_19 = arith.constant 0 : i32
    %dma_start3A_20 = arith.constant 0 : i32
    %dma_start3A_21 = tpu.memref_slice %arg2[%dma_start3A_19, %dma_start3A_20] : memref<10240x128xf32, #tpu.memory_space<hbm>> -> memref<10240x128xf32, #tpu.memory_space<hbm>>
    tpu.enqueue_indirect_dma source(%dma_start3A_21 : memref<10240x128xf32, #tpu.memory_space<hbm>>) target(%dma_start3A_15 : memref<128x128xf32, #tpu.memory_space<vmem>>) offsets(%dma_start3A_18 : memref<128xi32, #tpu.memory_space<vmem>>) semaphore(%arg12 : memref<!tpu.dma_semaphore, #tpu.memory_space<semaphore_mem>>)
    %add3A_22 = arith.constant 128 : i32
    %add3A_23 = arith.addi %mul3A_6, %add3A_22 : i32
    %multiple_of3A_24 = tpu.assume_multiple %add3A_23, 128 : i32
    %dma_start3A_25 = tpu.memref_slice %arg5[%multiple_of3A_24] : memref<327680xi32, #tpu.memory_space<hbm>> -> memref<128xi32, #tpu.memory_space<hbm>>
    %dma_start3A_26 = tpu.memref_slice %arg5[%multiple_of3A_24] : memref<327680xi32, #tpu.memory_space<hbm>> -> memref<128xi32, #tpu.memory_space<hbm>>
    tpu.enqueue_dma source(%dma_start3A_26 : memref<128xi32, #tpu.memory_space<hbm>>) target(%arg9 : memref<128xi32, #tpu.memory_space<vmem>>) target_semaphore(%arg17 : memref<!tpu.dma_semaphore, #tpu.memory_space<semaphore_mem>>)
    %dma_start3A_27 = arith.constant 1 : i32
    %dma_start3A_28 = arith.constant 1 : i32
    %dma_start3A_29 = arith.constant 0 : i32
    %dma_start3A_30 = arith.constant 0 : i32
    %dma_start3A_31 = tpu.memref_slice %arg10[%dma_start3A_28, %dma_start3A_29, %dma_start3A_30] : memref<2x128x128xf32, #tpu.memory_space<vmem>> -> memref<1x128x128xf32, #tpu.memory_space<vmem>>
    %dma_start3A_32 = tpu.memref_squeeze %dma_start3A_31 : memref<1x128x128xf32, #tpu.memory_space<vmem>> -> memref<128x128xf32, #tpu.memory_space<vmem>>
    %dma_start3A_33 = arith.constant 0 : i32
    %dma_start3A_34 = tpu.memref_slice %arg7[%dma_start3A_27, %dma_start3A_33] : memref<80x128xi32, #tpu.memory_space<vmem>> -> memref<1x128xi32, #tpu.memory_space<vmem>>
    %dma_start3A_35 = tpu.memref_squeeze %dma_start3A_34 : memref<1x128xi32, #tpu.memory_space<vmem>> -> memref<128xi32, #tpu.memory_space<vmem>>
    %dma_start3A_36 = arith.constant 0 : i32
    %dma_start3A_37 = arith.constant 0 : i32
    %dma_start3A_38 = tpu.memref_slice %arg2[%dma_start3A_36, %dma_start3A_37] : memref<10240x128xf32, #tpu.memory_space<hbm>> -> memref<10240x128xf32, #tpu.memory_space<hbm>>
    tpu.enqueue_indirect_dma source(%dma_start3A_38 : memref<10240x128xf32, #tpu.memory_space<hbm>>) target(%dma_start3A_32 : memref<128x128xf32, #tpu.memory_space<vmem>>) offsets(%dma_start3A_35 : memref<128xi32, #tpu.memory_space<vmem>>) semaphore(%arg13 : memref<!tpu.dma_semaphore, #tpu.memory_space<semaphore_mem>>)
    %eq3A = arith.constant 0 : i32
    %eq3A_39 = arith.cmpi eq, %arg0, %eq3A : i32
    %convert_element_type3A = arith.extui %eq3A_39 : i1 to i32
    %cond3A = arith.constant 0 : i32
    %cond3A_40 = arith.cmpi ne, %convert_element_type3A, %cond3A : i32
    scf.if %cond3A_40 {
      "tpu.region"() ({
        %run_scoped3A_85 = tpu.sem_alloc : memref<!tpu.dma_semaphore, #tpu.memory_space<semaphore_mem>>
        %dma_start3A_86 = arith.constant 0 : i32
        %dma_start3A_87 = tpu.memref_slice %arg11[%mul3A_2, %dma_start3A_86] : memref<10240x128xf32, #tpu.memory_space<vmem_shared>> -> memref<640x128xf32, #tpu.memory_space<vmem_shared>>
        %dma_start3A_88 = arith.constant 0 : i32
        %dma_start3A_89 = tpu.memref_slice %arg2[%mul3A_2, %dma_start3A_88] : memref<10240x128xf32, #tpu.memory_space<hbm>> -> memref<640x128xf32, #tpu.memory_space<hbm>>
        tpu.enqueue_dma source(%dma_start3A_89 : memref<640x128xf32, #tpu.memory_space<hbm>>) target(%dma_start3A_87 : memref<640x128xf32, #tpu.memory_space<vmem_shared>>) target_semaphore(%run_scoped3A_85 : memref<!tpu.dma_semaphore, #tpu.memory_space<semaphore_mem>>)
        %dma_wait3A_90 = arith.constant 0 : i32
        %dma_wait3A_91 = tpu.memref_slice %arg11[%mul3A_2, %dma_wait3A_90] : memref<10240x128xf32, #tpu.memory_space<vmem_shared>> -> memref<640x128xf32, #tpu.memory_space<vmem_shared>>
        %dma_wait3A_92 = arith.constant 0 : i32
        %dma_wait3A_93 = tpu.memref_slice %arg2[%mul3A_2, %dma_wait3A_92] : memref<10240x128xf32, #tpu.memory_space<hbm>> -> memref<640x128xf32, #tpu.memory_space<hbm>>
        tpu.wait_dma2 semaphore(%run_scoped3A_85 : memref<!tpu.dma_semaphore, #tpu.memory_space<semaphore_mem>>) src(%dma_wait3A_93 : memref<640x128xf32, #tpu.memory_space<hbm>>) dst(%dma_wait3A_91 : memref<640x128xf32, #tpu.memory_space<vmem_shared>>)
        tpu.yield
      }) : () -> ()
    } else {
    }
    %ne3A = arith.constant 0 : i32
    %ne3A_41 = arith.cmpi ne, %arg0, %ne3A : i32
    %convert_element_type3A_42 = arith.extui %ne3A_41 : i1 to i32
    %cond3A_43 = arith.constant 0 : i32
    %cond3A_44 = arith.cmpi ne, %convert_element_type3A_42, %cond3A_43 : i32
    scf.if %cond3A_44 {
      "tpu.region"() ({
        %run_scoped3A_85 = tpu.sem_alloc : memref<!tpu.dma_semaphore, #tpu.memory_space<semaphore_mem>>
        %dma_start3A_86 = arith.constant 0 : i32
        %dma_start3A_87 = tpu.memref_slice %arg11[%mul3A_2, %dma_start3A_86] : memref<10240x128xf32, #tpu.memory_space<vmem_shared>> -> memref<640x128xf32, #tpu.memory_space<vmem_shared>>
        %dma_start3A_88 = arith.constant 0 : i32
        %dma_start3A_89 = tpu.memref_slice %arg3[%mul3A_2, %dma_start3A_88] : memref<10240x128xf32, #tpu.memory_space<hbm>> -> memref<640x128xf32, #tpu.memory_space<hbm>>
        tpu.enqueue_dma source(%dma_start3A_89 : memref<640x128xf32, #tpu.memory_space<hbm>>) target(%dma_start3A_87 : memref<640x128xf32, #tpu.memory_space<vmem_shared>>) target_semaphore(%run_scoped3A_85 : memref<!tpu.dma_semaphore, #tpu.memory_space<semaphore_mem>>)
        %dma_wait3A_90 = arith.constant 0 : i32
        %dma_wait3A_91 = tpu.memref_slice %arg11[%mul3A_2, %dma_wait3A_90] : memref<10240x128xf32, #tpu.memory_space<vmem_shared>> -> memref<640x128xf32, #tpu.memory_space<vmem_shared>>
        %dma_wait3A_92 = arith.constant 0 : i32
        %dma_wait3A_93 = tpu.memref_slice %arg3[%mul3A_2, %dma_wait3A_92] : memref<10240x128xf32, #tpu.memory_space<hbm>> -> memref<640x128xf32, #tpu.memory_space<hbm>>
        tpu.wait_dma2 semaphore(%run_scoped3A_85 : memref<!tpu.dma_semaphore, #tpu.memory_space<semaphore_mem>>) src(%dma_wait3A_93 : memref<640x128xf32, #tpu.memory_space<hbm>>) dst(%dma_wait3A_91 : memref<640x128xf32, #tpu.memory_space<vmem_shared>>)
        tpu.yield
      }) : () -> ()
    } else {
    }
    %barrier3A = arith.constant 0 : index
    tpu.barrier barrier_id(%barrier3A)
    %scan3A = arith.constant 0 : i32
    %scan3A_45 = arith.constant 1 : i32
    %scan3A_46 = arith.constant 39 : i32
    %scan3A_47 = arith.addi %scan3A_45, %scan3A_46 : i32
    %scan3A_48 = arith.constant 1 : i32
    scf.for %scan3A_85 = %scan3A_45 to %scan3A_47 step %scan3A_48  : i32 {
      %sub3A = arith.constant 1 : i32
      %sub3A_86 = arith.subi %scan3A_85, %sub3A : i32
      %mul3A_87 = arith.constant 2 : i32
      %mul3A_88 = arith.muli %sub3A_86, %mul3A_87 : i32
      %add3A_89 = arith.constant 0 : i32
      %add3A_90 = arith.addi %mul3A_88, %add3A_89 : i32
      %dma_wait3A_91 = arith.constant 0 : i32
      %dma_wait3A_92 = arith.constant 0 : i32
      %dma_wait3A_93 = arith.constant 0 : i32
      %dma_wait3A_94 = tpu.memref_slice %arg10[%dma_wait3A_91, %dma_wait3A_92, %dma_wait3A_93] : memref<2x128x128xf32, #tpu.memory_space<vmem>> -> memref<1x128x128xf32, #tpu.memory_space<vmem>>
      %dma_wait3A_95 = tpu.memref_squeeze %dma_wait3A_94 : memref<1x128x128xf32, #tpu.memory_space<vmem>> -> memref<128x128xf32, #tpu.memory_space<vmem>>
      %dma_wait3A_96 = arith.constant 0 : i32
      %dma_wait3A_97 = tpu.memref_slice %arg7[%add3A_90, %dma_wait3A_96] : memref<80x128xi32, #tpu.memory_space<vmem>> -> memref<1x128xi32, #tpu.memory_space<vmem>>
      %dma_wait3A_98 = tpu.memref_squeeze %dma_wait3A_97 : memref<1x128xi32, #tpu.memory_space<vmem>> -> memref<128xi32, #tpu.memory_space<vmem>>
      %dma_wait3A_99 = arith.constant 0 : i32
      %dma_wait3A_100 = arith.constant 0 : i32
      %dma_wait3A_101 = tpu.memref_slice %arg2[%dma_wait3A_99, %dma_wait3A_100] : memref<10240x128xf32, #tpu.memory_space<hbm>> -> memref<10240x128xf32, #tpu.memory_space<hbm>>
      tpu.wait_indirect_dma semaphore(%arg12 : memref<!tpu.dma_semaphore, #tpu.memory_space<semaphore_mem>>) src(%dma_wait3A_101 : memref<10240x128xf32, #tpu.memory_space<hbm>>) dst(%dma_wait3A_95 : memref<128x128xf32, #tpu.memory_space<vmem>>)
      %add3A_102 = arith.constant 0 : i32
      %add3A_103 = arith.addi %mul3A_88, %add3A_102 : i32
      %mul3A_104 = arith.constant 128 : i32
      %mul3A_105 = arith.muli %add3A_103, %mul3A_104 : i32
      %add3A_106 = arith.addi %mul3A_6, %mul3A_105 : i32
      %multiple_of3A_107 = tpu.assume_multiple %add3A_106, 128 : i32
      %dma_wait3A_108 = tpu.memref_slice %arg5[%multiple_of3A_107] : memref<327680xi32, #tpu.memory_space<hbm>> -> memref<128xi32, #tpu.memory_space<hbm>>
      %dma_wait3A_109 = tpu.memref_slice %arg5[%multiple_of3A_107] : memref<327680xi32, #tpu.memory_space<hbm>> -> memref<128xi32, #tpu.memory_space<hbm>>
      tpu.wait_dma2 semaphore(%arg16 : memref<!tpu.dma_semaphore, #tpu.memory_space<semaphore_mem>>) src(%dma_wait3A_109 : memref<128xi32, #tpu.memory_space<hbm>>) dst(%arg8 : memref<128xi32, #tpu.memory_space<vmem>>)
      %dma_start3A_110 = arith.constant 0 : i32
      %dma_start3A_111 = arith.constant 0 : i32
      %dma_start3A_112 = arith.constant 0 : i32
      %dma_start3A_113 = tpu.memref_slice %arg10[%dma_start3A_110, %dma_start3A_111, %dma_start3A_112] : memref<2x128x128xf32, #tpu.memory_space<vmem>> -> memref<1x128x128xf32, #tpu.memory_space<vmem>>
      %dma_start3A_114 = tpu.memref_squeeze %dma_start3A_113 : memref<1x128x128xf32, #tpu.memory_space<vmem>> -> memref<128x128xf32, #tpu.memory_space<vmem>>
      %dma_start3A_115 = arith.constant 0 : i32
      %dma_start3A_116 = arith.constant 0 : i32
      %dma_start3A_117 = tpu.memref_slice %arg11[%dma_start3A_115, %dma_start3A_116] : memref<10240x128xf32, #tpu.memory_space<vmem_shared>> -> memref<10240x128xf32, #tpu.memory_space<vmem_shared>>
      tpu.enqueue_indirect_dma source(%dma_start3A_114 : memref<128x128xf32, #tpu.memory_space<vmem>>) target(%dma_start3A_117 : memref<10240x128xf32, #tpu.memory_space<vmem_shared>>) offsets(%arg8 : memref<128xi32, #tpu.memory_space<vmem>>) semaphore(%arg14 : memref<!tpu.dma_semaphore, #tpu.memory_space<semaphore_mem>>) {add = true}
      %add3A_118 = arith.constant 1 : i32
      %add3A_119 = arith.addi %mul3A_88, %add3A_118 : i32
      %dma_wait3A_120 = arith.constant 1 : i32
      %dma_wait3A_121 = arith.constant 0 : i32
      %dma_wait3A_122 = arith.constant 0 : i32
      %dma_wait3A_123 = tpu.memref_slice %arg10[%dma_wait3A_120, %dma_wait3A_121, %dma_wait3A_122] : memref<2x128x128xf32, #tpu.memory_space<vmem>> -> memref<1x128x128xf32, #tpu.memory_space<vmem>>
      %dma_wait3A_124 = tpu.memref_squeeze %dma_wait3A_123 : memref<1x128x128xf32, #tpu.memory_space<vmem>> -> memref<128x128xf32, #tpu.memory_space<vmem>>
      %dma_wait3A_125 = arith.constant 0 : i32
      %dma_wait3A_126 = tpu.memref_slice %arg7[%add3A_119, %dma_wait3A_125] : memref<80x128xi32, #tpu.memory_space<vmem>> -> memref<1x128xi32, #tpu.memory_space<vmem>>
      %dma_wait3A_127 = tpu.memref_squeeze %dma_wait3A_126 : memref<1x128xi32, #tpu.memory_space<vmem>> -> memref<128xi32, #tpu.memory_space<vmem>>
      %dma_wait3A_128 = arith.constant 0 : i32
      %dma_wait3A_129 = arith.constant 0 : i32
      %dma_wait3A_130 = tpu.memref_slice %arg2[%dma_wait3A_128, %dma_wait3A_129] : memref<10240x128xf32, #tpu.memory_space<hbm>> -> memref<10240x128xf32, #tpu.memory_space<hbm>>
      tpu.wait_indirect_dma semaphore(%arg13 : memref<!tpu.dma_semaphore, #tpu.memory_space<semaphore_mem>>) src(%dma_wait3A_130 : memref<10240x128xf32, #tpu.memory_space<hbm>>) dst(%dma_wait3A_124 : memref<128x128xf32, #tpu.memory_space<vmem>>)
      %add3A_131 = arith.constant 1 : i32
      %add3A_132 = arith.addi %mul3A_88, %add3A_131 : i32
      %mul3A_133 = arith.constant 128 : i32
      %mul3A_134 = arith.muli %add3A_132, %mul3A_133 : i32
      %add3A_135 = arith.addi %mul3A_6, %mul3A_134 : i32
      %multiple_of3A_136 = tpu.assume_multiple %add3A_135, 128 : i32
      %dma_wait3A_137 = tpu.memref_slice %arg5[%multiple_of3A_136] : memref<327680xi32, #tpu.memory_space<hbm>> -> memref<128xi32, #tpu.memory_space<hbm>>
      %dma_wait3A_138 = tpu.memref_slice %arg5[%multiple_of3A_136] : memref<327680xi32, #tpu.memory_space<hbm>> -> memref<128xi32, #tpu.memory_space<hbm>>
      tpu.wait_dma2 semaphore(%arg17 : memref<!tpu.dma_semaphore, #tpu.memory_space<semaphore_mem>>) src(%dma_wait3A_138 : memref<128xi32, #tpu.memory_space<hbm>>) dst(%arg9 : memref<128xi32, #tpu.memory_space<vmem>>)
      %dma_start3A_139 = arith.constant 1 : i32
      %dma_start3A_140 = arith.constant 0 : i32
      %dma_start3A_141 = arith.constant 0 : i32
      %dma_start3A_142 = tpu.memref_slice %arg10[%dma_start3A_139, %dma_start3A_140, %dma_start3A_141] : memref<2x128x128xf32, #tpu.memory_space<vmem>> -> memref<1x128x128xf32, #tpu.memory_space<vmem>>
      %dma_start3A_143 = tpu.memref_squeeze %dma_start3A_142 : memref<1x128x128xf32, #tpu.memory_space<vmem>> -> memref<128x128xf32, #tpu.memory_space<vmem>>
      %dma_start3A_144 = arith.constant 0 : i32
      %dma_start3A_145 = arith.constant 0 : i32
      %dma_start3A_146 = tpu.memref_slice %arg11[%dma_start3A_144, %dma_start3A_145] : memref<10240x128xf32, #tpu.memory_space<vmem_shared>> -> memref<10240x128xf32, #tpu.memory_space<vmem_shared>>
      tpu.enqueue_indirect_dma source(%dma_start3A_143 : memref<128x128xf32, #tpu.memory_space<vmem>>) target(%dma_start3A_146 : memref<10240x128xf32, #tpu.memory_space<vmem_shared>>) offsets(%arg9 : memref<128xi32, #tpu.memory_space<vmem>>) semaphore(%arg15 : memref<!tpu.dma_semaphore, #tpu.memory_space<semaphore_mem>>) {add = true}
      %dma_wait3A_147 = arith.constant 0 : i32
      %dma_wait3A_148 = arith.constant 0 : i32
      %dma_wait3A_149 = arith.constant 0 : i32
      %dma_wait3A_150 = tpu.memref_slice %arg10[%dma_wait3A_147, %dma_wait3A_148, %dma_wait3A_149] : memref<2x128x128xf32, #tpu.memory_space<vmem>> -> memref<1x128x128xf32, #tpu.memory_space<vmem>>
      %dma_wait3A_151 = tpu.memref_squeeze %dma_wait3A_150 : memref<1x128x128xf32, #tpu.memory_space<vmem>> -> memref<128x128xf32, #tpu.memory_space<vmem>>
      %dma_wait3A_152 = arith.constant 0 : i32
      %dma_wait3A_153 = arith.constant 0 : i32
      %dma_wait3A_154 = tpu.memref_slice %arg11[%dma_wait3A_152, %dma_wait3A_153] : memref<10240x128xf32, #tpu.memory_space<vmem_shared>> -> memref<10240x128xf32, #tpu.memory_space<vmem_shared>>
      tpu.wait_indirect_dma semaphore(%arg14 : memref<!tpu.dma_semaphore, #tpu.memory_space<semaphore_mem>>) src(%dma_wait3A_151 : memref<128x128xf32, #tpu.memory_space<vmem>>) dst(%dma_wait3A_154 : memref<10240x128xf32, #tpu.memory_space<vmem_shared>>)
      %mul3A_155 = arith.constant 2 : i32
      %mul3A_156 = arith.muli %scan3A_85, %mul3A_155 : i32
      %add3A_157 = arith.constant 0 : i32
      %add3A_158 = arith.addi %mul3A_156, %add3A_157 : i32
      %mul3A_159 = arith.constant 128 : i32
      %mul3A_160 = arith.muli %add3A_158, %mul3A_159 : i32
      %add3A_161 = arith.addi %mul3A_6, %mul3A_160 : i32
      %multiple_of3A_162 = tpu.assume_multiple %add3A_161, 128 : i32
      %dma_start3A_163 = tpu.memref_slice %arg5[%multiple_of3A_162] : memref<327680xi32, #tpu.memory_space<hbm>> -> memref<128xi32, #tpu.memory_space<hbm>>
      %dma_start3A_164 = tpu.memref_slice %arg5[%multiple_of3A_162] : memref<327680xi32, #tpu.memory_space<hbm>> -> memref<128xi32, #tpu.memory_space<hbm>>
      tpu.enqueue_dma source(%dma_start3A_164 : memref<128xi32, #tpu.memory_space<hbm>>) target(%arg8 : memref<128xi32, #tpu.memory_space<vmem>>) target_semaphore(%arg16 : memref<!tpu.dma_semaphore, #tpu.memory_space<semaphore_mem>>)
      %dma_start3A_165 = arith.constant 0 : i32
      %dma_start3A_166 = arith.constant 0 : i32
      %dma_start3A_167 = arith.constant 0 : i32
      %dma_start3A_168 = tpu.memref_slice %arg10[%dma_start3A_165, %dma_start3A_166, %dma_start3A_167] : memref<2x128x128xf32, #tpu.memory_space<vmem>> -> memref<1x128x128xf32, #tpu.memory_space<vmem>>
      %dma_start3A_169 = tpu.memref_squeeze %dma_start3A_168 : memref<1x128x128xf32, #tpu.memory_space<vmem>> -> memref<128x128xf32, #tpu.memory_space<vmem>>
      %dma_start3A_170 = arith.constant 0 : i32
      %dma_start3A_171 = tpu.memref_slice %arg7[%add3A_158, %dma_start3A_170] : memref<80x128xi32, #tpu.memory_space<vmem>> -> memref<1x128xi32, #tpu.memory_space<vmem>>
      %dma_start3A_172 = tpu.memref_squeeze %dma_start3A_171 : memref<1x128xi32, #tpu.memory_space<vmem>> -> memref<128xi32, #tpu.memory_space<vmem>>
      %dma_start3A_173 = arith.constant 0 : i32
      %dma_start3A_174 = arith.constant 0 : i32
      %dma_start3A_175 = tpu.memref_slice %arg2[%dma_start3A_173, %dma_start3A_174] : memref<10240x128xf32, #tpu.memory_space<hbm>> -> memref<10240x128xf32, #tpu.memory_space<hbm>>
      tpu.enqueue_indirect_dma source(%dma_start3A_175 : memref<10240x128xf32, #tpu.memory_space<hbm>>) target(%dma_start3A_169 : memref<128x128xf32, #tpu.memory_space<vmem>>) offsets(%dma_start3A_172 : memref<128xi32, #tpu.memory_space<vmem>>) semaphore(%arg12 : memref<!tpu.dma_semaphore, #tpu.memory_space<semaphore_mem>>)
      %dma_wait3A_176 = arith.constant 1 : i32
      %dma_wait3A_177 = arith.constant 0 : i32
      %dma_wait3A_178 = arith.constant 0 : i32
      %dma_wait3A_179 = tpu.memref_slice %arg10[%dma_wait3A_176, %dma_wait3A_177, %dma_wait3A_178] : memref<2x128x128xf32, #tpu.memory_space<vmem>> -> memref<1x128x128xf32, #tpu.memory_space<vmem>>
      %dma_wait3A_180 = tpu.memref_squeeze %dma_wait3A_179 : memref<1x128x128xf32, #tpu.memory_space<vmem>> -> memref<128x128xf32, #tpu.memory_space<vmem>>
      %dma_wait3A_181 = arith.constant 0 : i32
      %dma_wait3A_182 = arith.constant 0 : i32
      %dma_wait3A_183 = tpu.memref_slice %arg11[%dma_wait3A_181, %dma_wait3A_182] : memref<10240x128xf32, #tpu.memory_space<vmem_shared>> -> memref<10240x128xf32, #tpu.memory_space<vmem_shared>>
      tpu.wait_indirect_dma semaphore(%arg15 : memref<!tpu.dma_semaphore, #tpu.memory_space<semaphore_mem>>) src(%dma_wait3A_180 : memref<128x128xf32, #tpu.memory_space<vmem>>) dst(%dma_wait3A_183 : memref<10240x128xf32, #tpu.memory_space<vmem_shared>>)
      %mul3A_184 = arith.constant 2 : i32
      %mul3A_185 = arith.muli %scan3A_85, %mul3A_184 : i32
      %add3A_186 = arith.constant 1 : i32
      %add3A_187 = arith.addi %mul3A_185, %add3A_186 : i32
      %mul3A_188 = arith.constant 128 : i32
      %mul3A_189 = arith.muli %add3A_187, %mul3A_188 : i32
      %add3A_190 = arith.addi %mul3A_6, %mul3A_189 : i32
      %multiple_of3A_191 = tpu.assume_multiple %add3A_190, 128 : i32
      %dma_start3A_192 = tpu.memref_slice %arg5[%multiple_of3A_191] : memref<327680xi32, #tpu.memory_space<hbm>> -> memref<128xi32, #tpu.memory_space<hbm>>
      %dma_start3A_193 = tpu.memref_slice %arg5[%multiple_of3A_191] : memref<327680xi32, #tpu.memory_space<hbm>> -> memref<128xi32, #tpu.memory_space<hbm>>
      tpu.enqueue_dma source(%dma_start3A_193 : memref<128xi32, #tpu.memory_space<hbm>>) target(%arg9 : memref<128xi32, #tpu.memory_space<vmem>>) target_semaphore(%arg17 : memref<!tpu.dma_semaphore, #tpu.memory_space<semaphore_mem>>)
      %dma_start3A_194 = arith.constant 1 : i32
      %dma_start3A_195 = arith.constant 0 : i32
      %dma_start3A_196 = arith.constant 0 : i32
      %dma_start3A_197 = tpu.memref_slice %arg10[%dma_start3A_194, %dma_start3A_195, %dma_start3A_196] : memref<2x128x128xf32, #tpu.memory_space<vmem>> -> memref<1x128x128xf32, #tpu.memory_space<vmem>>
      %dma_start3A_198 = tpu.memref_squeeze %dma_start3A_197 : memref<1x128x128xf32, #tpu.memory_space<vmem>> -> memref<128x128xf32, #tpu.memory_space<vmem>>
      %dma_start3A_199 = arith.constant 0 : i32
      %dma_start3A_200 = tpu.memref_slice %arg7[%add3A_187, %dma_start3A_199] : memref<80x128xi32, #tpu.memory_space<vmem>> -> memref<1x128xi32, #tpu.memory_space<vmem>>
      %dma_start3A_201 = tpu.memref_squeeze %dma_start3A_200 : memref<1x128xi32, #tpu.memory_space<vmem>> -> memref<128xi32, #tpu.memory_space<vmem>>
      %dma_start3A_202 = arith.constant 0 : i32
      %dma_start3A_203 = arith.constant 0 : i32
      %dma_start3A_204 = tpu.memref_slice %arg2[%dma_start3A_202, %dma_start3A_203] : memref<10240x128xf32, #tpu.memory_space<hbm>> -> memref<10240x128xf32, #tpu.memory_space<hbm>>
      tpu.enqueue_indirect_dma source(%dma_start3A_204 : memref<10240x128xf32, #tpu.memory_space<hbm>>) target(%dma_start3A_198 : memref<128x128xf32, #tpu.memory_space<vmem>>) offsets(%dma_start3A_201 : memref<128xi32, #tpu.memory_space<vmem>>) semaphore(%arg13 : memref<!tpu.dma_semaphore, #tpu.memory_space<semaphore_mem>>)
    }
    %scan3A_49 = arith.constant 39 : i32
    %dma_wait3A = arith.constant 78 : i32
    %dma_wait3A_50 = arith.constant 0 : i32
    %dma_wait3A_51 = arith.constant 0 : i32
    %dma_wait3A_52 = arith.constant 0 : i32
    %dma_wait3A_53 = tpu.memref_slice %arg10[%dma_wait3A_50, %dma_wait3A_51, %dma_wait3A_52] : memref<2x128x128xf32, #tpu.memory_space<vmem>> -> memref<1x128x128xf32, #tpu.memory_space<vmem>>
    %dma_wait3A_54 = tpu.memref_squeeze %dma_wait3A_53 : memref<1x128x128xf32, #tpu.memory_space<vmem>> -> memref<128x128xf32, #tpu.memory_space<vmem>>
    %dma_wait3A_55 = arith.constant 0 : i32
    %dma_wait3A_56 = tpu.memref_slice %arg7[%dma_wait3A, %dma_wait3A_55] : memref<80x128xi32, #tpu.memory_space<vmem>> -> memref<1x128xi32, #tpu.memory_space<vmem>>
    %dma_wait3A_57 = tpu.memref_squeeze %dma_wait3A_56 : memref<1x128xi32, #tpu.memory_space<vmem>> -> memref<128xi32, #tpu.memory_space<vmem>>
    %dma_wait3A_58 = arith.constant 0 : i32
    %dma_wait3A_59 = arith.constant 0 : i32
    %dma_wait3A_60 = tpu.memref_slice %arg2[%dma_wait3A_58, %dma_wait3A_59] : memref<10240x128xf32, #tpu.memory_space<hbm>> -> memref<10240x128xf32, #tpu.memory_space<hbm>>
    tpu.wait_indirect_dma semaphore(%arg12 : memref<!tpu.dma_semaphore, #tpu.memory_space<semaphore_mem>>) src(%dma_wait3A_60 : memref<10240x128xf32, #tpu.memory_space<hbm>>) dst(%dma_wait3A_54 : memref<128x128xf32, #tpu.memory_space<vmem>>)
    %add3A_61 = arith.constant 9984 : i32
    %add3A_62 = arith.addi %mul3A_6, %add3A_61 : i32
    %multiple_of3A_63 = tpu.assume_multiple %add3A_62, 128 : i32
    %dma_wait3A_64 = tpu.memref_slice %arg5[%multiple_of3A_63] : memref<327680xi32, #tpu.memory_space<hbm>> -> memref<128xi32, #tpu.memory_space<hbm>>
    %dma_wait3A_65 = tpu.memref_slice %arg5[%multiple_of3A_63] : memref<327680xi32, #tpu.memory_space<hbm>> -> memref<128xi32, #tpu.memory_space<hbm>>
    tpu.wait_dma2 semaphore(%arg16 : memref<!tpu.dma_semaphore, #tpu.memory_space<semaphore_mem>>) src(%dma_wait3A_65 : memref<128xi32, #tpu.memory_space<hbm>>) dst(%arg8 : memref<128xi32, #tpu.memory_space<vmem>>)
    %run_scoped3A = arith.constant 0 : i32
    "tpu.region"() ({
      %run_scoped3A_85 = tpu.sem_alloc : memref<!tpu.dma_semaphore, #tpu.memory_space<semaphore_mem>>
      %dma_start3A_86 = arith.constant 0 : i32
      %dma_start3A_87 = arith.constant 0 : i32
      %dma_start3A_88 = tpu.memref_slice %arg10[%run_scoped3A, %dma_start3A_86, %dma_start3A_87] : memref<2x128x128xf32, #tpu.memory_space<vmem>> -> memref<1x128x128xf32, #tpu.memory_space<vmem>>
      %dma_start3A_89 = tpu.memref_squeeze %dma_start3A_88 : memref<1x128x128xf32, #tpu.memory_space<vmem>> -> memref<128x128xf32, #tpu.memory_space<vmem>>
      %dma_start3A_90 = arith.constant 0 : i32
      %dma_start3A_91 = arith.constant 0 : i32
      %dma_start3A_92 = tpu.memref_slice %arg11[%dma_start3A_90, %dma_start3A_91] : memref<10240x128xf32, #tpu.memory_space<vmem_shared>> -> memref<10240x128xf32, #tpu.memory_space<vmem_shared>>
      tpu.enqueue_indirect_dma source(%dma_start3A_89 : memref<128x128xf32, #tpu.memory_space<vmem>>) target(%dma_start3A_92 : memref<10240x128xf32, #tpu.memory_space<vmem_shared>>) offsets(%arg8 : memref<128xi32, #tpu.memory_space<vmem>>) semaphore(%run_scoped3A_85 : memref<!tpu.dma_semaphore, #tpu.memory_space<semaphore_mem>>) {add = true}
      %dma_wait3A_93 = arith.constant 0 : i32
      %dma_wait3A_94 = arith.constant 0 : i32
      %dma_wait3A_95 = tpu.memref_slice %arg10[%run_scoped3A, %dma_wait3A_93, %dma_wait3A_94] : memref<2x128x128xf32, #tpu.memory_space<vmem>> -> memref<1x128x128xf32, #tpu.memory_space<vmem>>
      %dma_wait3A_96 = tpu.memref_squeeze %dma_wait3A_95 : memref<1x128x128xf32, #tpu.memory_space<vmem>> -> memref<128x128xf32, #tpu.memory_space<vmem>>
      %dma_wait3A_97 = arith.constant 0 : i32
      %dma_wait3A_98 = arith.constant 0 : i32
      %dma_wait3A_99 = tpu.memref_slice %arg11[%dma_wait3A_97, %dma_wait3A_98] : memref<10240x128xf32, #tpu.memory_space<vmem_shared>> -> memref<10240x128xf32, #tpu.memory_space<vmem_shared>>
      tpu.wait_indirect_dma semaphore(%run_scoped3A_85 : memref<!tpu.dma_semaphore, #tpu.memory_space<semaphore_mem>>) src(%dma_wait3A_96 : memref<128x128xf32, #tpu.memory_space<vmem>>) dst(%dma_wait3A_99 : memref<10240x128xf32, #tpu.memory_space<vmem_shared>>)
      tpu.yield
    }) : () -> ()
    %dma_wait3A_66 = arith.constant 79 : i32
    %dma_wait3A_67 = arith.constant 1 : i32
    %dma_wait3A_68 = arith.constant 0 : i32
    %dma_wait3A_69 = arith.constant 0 : i32
    %dma_wait3A_70 = tpu.memref_slice %arg10[%dma_wait3A_67, %dma_wait3A_68, %dma_wait3A_69] : memref<2x128x128xf32, #tpu.memory_space<vmem>> -> memref<1x128x128xf32, #tpu.memory_space<vmem>>
    %dma_wait3A_71 = tpu.memref_squeeze %dma_wait3A_70 : memref<1x128x128xf32, #tpu.memory_space<vmem>> -> memref<128x128xf32, #tpu.memory_space<vmem>>
    %dma_wait3A_72 = arith.constant 0 : i32
    %dma_wait3A_73 = tpu.memref_slice %arg7[%dma_wait3A_66, %dma_wait3A_72] : memref<80x128xi32, #tpu.memory_space<vmem>> -> memref<1x128xi32, #tpu.memory_space<vmem>>
    %dma_wait3A_74 = tpu.memref_squeeze %dma_wait3A_73 : memref<1x128xi32, #tpu.memory_space<vmem>> -> memref<128xi32, #tpu.memory_space<vmem>>
    %dma_wait3A_75 = arith.constant 0 : i32
    %dma_wait3A_76 = arith.constant 0 : i32
    %dma_wait3A_77 = tpu.memref_slice %arg2[%dma_wait3A_75, %dma_wait3A_76] : memref<10240x128xf32, #tpu.memory_space<hbm>> -> memref<10240x128xf32, #tpu.memory_space<hbm>>
    tpu.wait_indirect_dma semaphore(%arg13 : memref<!tpu.dma_semaphore, #tpu.memory_space<semaphore_mem>>) src(%dma_wait3A_77 : memref<10240x128xf32, #tpu.memory_space<hbm>>) dst(%dma_wait3A_71 : memref<128x128xf32, #tpu.memory_space<vmem>>)
    %add3A_78 = arith.constant 10112 : i32
    %add3A_79 = arith.addi %mul3A_6, %add3A_78 : i32
    %multiple_of3A_80 = tpu.assume_multiple %add3A_79, 128 : i32
    %dma_wait3A_81 = tpu.memref_slice %arg5[%multiple_of3A_80] : memref<327680xi32, #tpu.memory_space<hbm>> -> memref<128xi32, #tpu.memory_space<hbm>>
    %dma_wait3A_82 = tpu.memref_slice %arg5[%multiple_of3A_80] : memref<327680xi32, #tpu.memory_space<hbm>> -> memref<128xi32, #tpu.memory_space<hbm>>
    tpu.wait_dma2 semaphore(%arg17 : memref<!tpu.dma_semaphore, #tpu.memory_space<semaphore_mem>>) src(%dma_wait3A_82 : memref<128xi32, #tpu.memory_space<hbm>>) dst(%arg9 : memref<128xi32, #tpu.memory_space<vmem>>)
    %run_scoped3A_83 = arith.constant 1 : i32
    "tpu.region"() ({
      %run_scoped3A_85 = tpu.sem_alloc : memref<!tpu.dma_semaphore, #tpu.memory_space<semaphore_mem>>
      %dma_start3A_86 = arith.constant 0 : i32
      %dma_start3A_87 = arith.constant 0 : i32
      %dma_start3A_88 = tpu.memref_slice %arg10[%run_scoped3A_83, %dma_start3A_86, %dma_start3A_87] : memref<2x128x128xf32, #tpu.memory_space<vmem>> -> memref<1x128x128xf32, #tpu.memory_space<vmem>>
      %dma_start3A_89 = tpu.memref_squeeze %dma_start3A_88 : memref<1x128x128xf32, #tpu.memory_space<vmem>> -> memref<128x128xf32, #tpu.memory_space<vmem>>
      %dma_start3A_90 = arith.constant 0 : i32
      %dma_start3A_91 = arith.constant 0 : i32
      %dma_start3A_92 = tpu.memref_slice %arg11[%dma_start3A_90, %dma_start3A_91] : memref<10240x128xf32, #tpu.memory_space<vmem_shared>> -> memref<10240x128xf32, #tpu.memory_space<vmem_shared>>
      tpu.enqueue_indirect_dma source(%dma_start3A_89 : memref<128x128xf32, #tpu.memory_space<vmem>>) target(%dma_start3A_92 : memref<10240x128xf32, #tpu.memory_space<vmem_shared>>) offsets(%arg9 : memref<128xi32, #tpu.memory_space<vmem>>) semaphore(%run_scoped3A_85 : memref<!tpu.dma_semaphore, #tpu.memory_space<semaphore_mem>>) {add = true}
      %dma_wait3A_93 = arith.constant 0 : i32
      %dma_wait3A_94 = arith.constant 0 : i32
      %dma_wait3A_95 = tpu.memref_slice %arg10[%run_scoped3A_83, %dma_wait3A_93, %dma_wait3A_94] : memref<2x128x128xf32, #tpu.memory_space<vmem>> -> memref<1x128x128xf32, #tpu.memory_space<vmem>>
      %dma_wait3A_96 = tpu.memref_squeeze %dma_wait3A_95 : memref<1x128x128xf32, #tpu.memory_space<vmem>> -> memref<128x128xf32, #tpu.memory_space<vmem>>
      %dma_wait3A_97 = arith.constant 0 : i32
      %dma_wait3A_98 = arith.constant 0 : i32
      %dma_wait3A_99 = tpu.memref_slice %arg11[%dma_wait3A_97, %dma_wait3A_98] : memref<10240x128xf32, #tpu.memory_space<vmem_shared>> -> memref<10240x128xf32, #tpu.memory_space<vmem_shared>>
      tpu.wait_indirect_dma semaphore(%run_scoped3A_85 : memref<!tpu.dma_semaphore, #tpu.memory_space<semaphore_mem>>) src(%dma_wait3A_96 : memref<128x128xf32, #tpu.memory_space<vmem>>) dst(%dma_wait3A_99 : memref<10240x128xf32, #tpu.memory_space<vmem_shared>>)
      tpu.yield
    }) : () -> ()
    %barrier3A_84 = arith.constant 0 : index
    tpu.barrier barrier_id(%barrier3A_84)
    "tpu.region"() ({
      %run_scoped3A_85 = tpu.sem_alloc : memref<!tpu.dma_semaphore, #tpu.memory_space<semaphore_mem>>
      %dma_start3A_86 = arith.constant 0 : i32
      %dma_start3A_87 = tpu.memref_slice %arg6[%arg0, %mul3A_2, %dma_start3A_86] : memref<2x10240x128xf32, #tpu.memory_space<hbm>> -> memref<1x640x128xf32, #tpu.memory_space<hbm>>
      %dma_start3A_88 = tpu.memref_squeeze %dma_start3A_87 : memref<1x640x128xf32, #tpu.memory_space<hbm>> -> memref<640x128xf32, #tpu.memory_space<hbm>>
      %dma_start3A_89 = arith.constant 0 : i32
      %dma_start3A_90 = tpu.memref_slice %arg11[%mul3A_2, %dma_start3A_89] : memref<10240x128xf32, #tpu.memory_space<vmem_shared>> -> memref<640x128xf32, #tpu.memory_space<vmem_shared>>
      tpu.enqueue_dma source(%dma_start3A_90 : memref<640x128xf32, #tpu.memory_space<vmem_shared>>) target(%dma_start3A_88 : memref<640x128xf32, #tpu.memory_space<hbm>>) target_semaphore(%run_scoped3A_85 : memref<!tpu.dma_semaphore, #tpu.memory_space<semaphore_mem>>)
      %dma_wait3A_91 = arith.constant 0 : i32
      %dma_wait3A_92 = tpu.memref_slice %arg6[%arg0, %mul3A_2, %dma_wait3A_91] : memref<2x10240x128xf32, #tpu.memory_space<hbm>> -> memref<1x640x128xf32, #tpu.memory_space<hbm>>
      %dma_wait3A_93 = tpu.memref_squeeze %dma_wait3A_92 : memref<1x640x128xf32, #tpu.memory_space<hbm>> -> memref<640x128xf32, #tpu.memory_space<hbm>>
      %dma_wait3A_94 = arith.constant 0 : i32
      %dma_wait3A_95 = tpu.memref_slice %arg11[%mul3A_2, %dma_wait3A_94] : memref<10240x128xf32, #tpu.memory_space<vmem_shared>> -> memref<640x128xf32, #tpu.memory_space<vmem_shared>>
      tpu.wait_dma2 semaphore(%run_scoped3A_85 : memref<!tpu.dma_semaphore, #tpu.memory_space<semaphore_mem>>) src(%dma_wait3A_95 : memref<640x128xf32, #tpu.memory_space<vmem_shared>>) dst(%dma_wait3A_93 : memref<640x128xf32, #tpu.memory_space<hbm>>)
      tpu.yield
    }) : () -> ()
    return
  }
}

#map = affine_map<(d0, d1) -> (0, 0)>
#map1 = affine_map<(d0, d1) -> (0)>
#map2 = affine_map<(d0, d1) -> (0, 0, 0)>
module attributes {stable_mosaic.version = 14 : i64} {
  func.func @gcn_sc_aggregate(%arg0: i32, %arg1: i32, %arg2: memref<10240x128xf32, #tpu.memory_space<hbm>>, %arg3: memref<10240x128xf32, #tpu.memory_space<hbm>>, %arg4: memref<2560x128xi32, #tpu.memory_space<hbm>>, %arg5: memref<327680xi32, #tpu.memory_space<hbm>>, %arg6: memref<2x10240x128xf32, #tpu.memory_space<hbm>>, %arg7: memref<80x128xi32, #tpu.memory_space<vmem>>, %arg8: memref<128xi32, #tpu.memory_space<vmem>>, %arg9: memref<128xi32, #tpu.memory_space<vmem>>, %arg10: memref<2x128x128xf32, #tpu.memory_space<vmem>>, %arg11: memref<10240x128xf32, #tpu.memory_space<vmem_shared>>, %arg12: memref<!tpu.dma_semaphore, #tpu.memory_space<semaphore_mem>>, %arg13: memref<!tpu.dma_semaphore, #tpu.memory_space<semaphore_mem>>, %arg14: memref<!tpu.dma_semaphore, #tpu.memory_space<semaphore_mem>>, %arg15: memref<!tpu.dma_semaphore, #tpu.memory_space<semaphore_mem>>, %arg16: memref<!tpu.dma_semaphore, #tpu.memory_space<semaphore_mem>>, %arg17: memref<!tpu.dma_semaphore, #tpu.memory_space<semaphore_mem>>) attributes {dimension_semantics = [#tpu.dimension_semantics<core_parallel>, #tpu.dimension_semantics<subcore_parallel>], iteration_bounds = array<i64: 2, 16>, scalar_prefetch = 0 : i64, scratch_operands = 11 : i64, tpu.core_type = #tpu.core_type<sc_vector_subcore>, window_params = [{transform_indices = #map}, {transform_indices = #map}, {transform_indices = #map}, {transform_indices = #map1}, {transform_indices = #map2}]} {
    %mul3A = arith.constant 16 : i32
    %mul3A_0 = arith.muli %arg0, %mul3A : i32
    %add3A = arith.addi %mul3A_0, %arg1 : i32
    %mul3A_1 = arith.constant 640 : i32
    %mul3A_2 = arith.muli %arg1, %mul3A_1 : i32
    %mul3A_3 = arith.constant 80 : i32
    %mul3A_4 = arith.muli %add3A, %mul3A_3 : i32
    "tpu.region"() ({
      %run_scoped3A_85 = tpu.sem_alloc : memref<!tpu.dma_semaphore, #tpu.memory_space<semaphore_mem>>
      %dma_start3A_86 = arith.constant 0 : i32
      %dma_start3A_87 = tpu.memref_slice %arg4[%mul3A_4, %dma_start3A_86] : memref<2560x128xi32, #tpu.memory_space<hbm>> -> memref<80x128xi32, #tpu.memory_space<hbm>>
      %dma_start3A_88 = arith.constant 0 : i32
      %dma_start3A_89 = tpu.memref_slice %arg4[%mul3A_4, %dma_start3A_88] : memref<2560x128xi32, #tpu.memory_space<hbm>> -> memref<80x128xi32, #tpu.memory_space<hbm>>
      tpu.enqueue_dma source(%dma_start3A_89 : memref<80x128xi32, #tpu.memory_space<hbm>>) target(%arg7 : memref<80x128xi32, #tpu.memory_space<vmem>>) target_semaphore(%run_scoped3A_85 : memref<!tpu.dma_semaphore, #tpu.memory_space<semaphore_mem>>)
      %dma_wait3A_90 = arith.constant 0 : i32
      %dma_wait3A_91 = tpu.memref_slice %arg4[%mul3A_4, %dma_wait3A_90] : memref<2560x128xi32, #tpu.memory_space<hbm>> -> memref<80x128xi32, #tpu.memory_space<hbm>>
      %dma_wait3A_92 = arith.constant 0 : i32
      %dma_wait3A_93 = tpu.memref_slice %arg4[%mul3A_4, %dma_wait3A_92] : memref<2560x128xi32, #tpu.memory_space<hbm>> -> memref<80x128xi32, #tpu.memory_space<hbm>>
      tpu.wait_dma2 semaphore(%run_scoped3A_85 : memref<!tpu.dma_semaphore, #tpu.memory_space<semaphore_mem>>) src(%dma_wait3A_93 : memref<80x128xi32, #tpu.memory_space<hbm>>) dst(%arg7 : memref<80x128xi32, #tpu.memory_space<vmem>>)
      tpu.yield
    }) : () -> ()
    %mul3A_5 = arith.constant 10240 : i32
    %mul3A_6 = arith.muli %add3A, %mul3A_5 : i32
    %add3A_7 = arith.constant 0 : i32
    %add3A_8 = arith.addi %mul3A_6, %add3A_7 : i32
    %multiple_of3A = tpu.assume_multiple %add3A_8, 128 : i32
    %dma_start3A = tpu.memref_slice %arg5[%multiple_of3A] : memref<327680xi32, #tpu.memory_space<hbm>> -> memref<128xi32, #tpu.memory_space<hbm>>
    %dma_start3A_9 = tpu.memref_slice %arg5[%multiple_of3A] : memref<327680xi32, #tpu.memory_space<hbm>> -> memref<128xi32, #tpu.memory_space<hbm>>
    tpu.enqueue_dma source(%dma_start3A_9 : memref<128xi32, #tpu.memory_space<hbm>>) target(%arg8 : memref<128xi32, #tpu.memory_space<vmem>>) target_semaphore(%arg16 : memref<!tpu.dma_semaphore, #tpu.memory_space<semaphore_mem>>)
    %dma_start3A_10 = arith.constant 0 : i32
    %dma_start3A_11 = arith.constant 0 : i32
    %dma_start3A_12 = arith.constant 0 : i32
    %dma_start3A_13 = arith.constant 0 : i32
    %dma_start3A_14 = tpu.memref_slice %arg10[%dma_start3A_11, %dma_start3A_12, %dma_start3A_13] : memref<2x128x128xf32, #tpu.memory_space<vmem>> -> memref<1x128x128xf32, #tpu.memory_space<vmem>>
    %dma_start3A_15 = tpu.memref_squeeze %dma_start3A_14 : memref<1x128x128xf32, #tpu.memory_space<vmem>> -> memref<128x128xf32, #tpu.memory_space<vmem>>
    %dma_start3A_16 = arith.constant 0 : i32
    %dma_start3A_17 = tpu.memref_slice %arg7[%dma_start3A_10, %dma_start3A_16] : memref<80x128xi32, #tpu.memory_space<vmem>> -> memref<1x128xi32, #tpu.memory_space<vmem>>
    %dma_start3A_18 = tpu.memref_squeeze %dma_start3A_17 : memref<1x128xi32, #tpu.memory_space<vmem>> -> memref<128xi32, #tpu.memory_space<vmem>>
    %dma_start3A_19 = arith.constant 0 : i32
    %dma_start3A_20 = arith.constant 0 : i32
    %dma_start3A_21 = tpu.memref_slice %arg2[%dma_start3A_19, %dma_start3A_20] : memref<10240x128xf32, #tpu.memory_space<hbm>> -> memref<10240x128xf32, #tpu.memory_space<hbm>>
    tpu.enqueue_indirect_dma source(%dma_start3A_21 : memref<10240x128xf32, #tpu.memory_space<hbm>>) target(%dma_start3A_15 : memref<128x128xf32, #tpu.memory_space<vmem>>) offsets(%dma_start3A_18 : memref<128xi32, #tpu.memory_space<vmem>>) semaphore(%arg12 : memref<!tpu.dma_semaphore, #tpu.memory_space<semaphore_mem>>)
    %add3A_22 = arith.constant 128 : i32
    %add3A_23 = arith.addi %mul3A_6, %add3A_22 : i32
    %multiple_of3A_24 = tpu.assume_multiple %add3A_23, 128 : i32
    %dma_start3A_25 = tpu.memref_slice %arg5[%multiple_of3A_24] : memref<327680xi32, #tpu.memory_space<hbm>> -> memref<128xi32, #tpu.memory_space<hbm>>
    %dma_start3A_26 = tpu.memref_slice %arg5[%multiple_of3A_24] : memref<327680xi32, #tpu.memory_space<hbm>> -> memref<128xi32, #tpu.memory_space<hbm>>
    tpu.enqueue_dma source(%dma_start3A_26 : memref<128xi32, #tpu.memory_space<hbm>>) target(%arg9 : memref<128xi32, #tpu.memory_space<vmem>>) target_semaphore(%arg17 : memref<!tpu.dma_semaphore, #tpu.memory_space<semaphore_mem>>)
    %dma_start3A_27 = arith.constant 1 : i32
    %dma_start3A_28 = arith.constant 1 : i32
    %dma_start3A_29 = arith.constant 0 : i32
    %dma_start3A_30 = arith.constant 0 : i32
    %dma_start3A_31 = tpu.memref_slice %arg10[%dma_start3A_28, %dma_start3A_29, %dma_start3A_30] : memref<2x128x128xf32, #tpu.memory_space<vmem>> -> memref<1x128x128xf32, #tpu.memory_space<vmem>>
    %dma_start3A_32 = tpu.memref_squeeze %dma_start3A_31 : memref<1x128x128xf32, #tpu.memory_space<vmem>> -> memref<128x128xf32, #tpu.memory_space<vmem>>
    %dma_start3A_33 = arith.constant 0 : i32
    %dma_start3A_34 = tpu.memref_slice %arg7[%dma_start3A_27, %dma_start3A_33] : memref<80x128xi32, #tpu.memory_space<vmem>> -> memref<1x128xi32, #tpu.memory_space<vmem>>
    %dma_start3A_35 = tpu.memref_squeeze %dma_start3A_34 : memref<1x128xi32, #tpu.memory_space<vmem>> -> memref<128xi32, #tpu.memory_space<vmem>>
    %dma_start3A_36 = arith.constant 0 : i32
    %dma_start3A_37 = arith.constant 0 : i32
    %dma_start3A_38 = tpu.memref_slice %arg2[%dma_start3A_36, %dma_start3A_37] : memref<10240x128xf32, #tpu.memory_space<hbm>> -> memref<10240x128xf32, #tpu.memory_space<hbm>>
    tpu.enqueue_indirect_dma source(%dma_start3A_38 : memref<10240x128xf32, #tpu.memory_space<hbm>>) target(%dma_start3A_32 : memref<128x128xf32, #tpu.memory_space<vmem>>) offsets(%dma_start3A_35 : memref<128xi32, #tpu.memory_space<vmem>>) semaphore(%arg13 : memref<!tpu.dma_semaphore, #tpu.memory_space<semaphore_mem>>)
    %eq3A = arith.constant 0 : i32
    %eq3A_39 = arith.cmpi eq, %arg0, %eq3A : i32
    %convert_element_type3A = arith.extui %eq3A_39 : i1 to i32
    %cond3A = arith.constant 0 : i32
    %cond3A_40 = arith.cmpi ne, %convert_element_type3A, %cond3A : i32
    scf.if %cond3A_40 {
      "tpu.region"() ({
        %run_scoped3A_85 = tpu.sem_alloc : memref<!tpu.dma_semaphore, #tpu.memory_space<semaphore_mem>>
        %dma_start3A_86 = arith.constant 0 : i32
        %dma_start3A_87 = tpu.memref_slice %arg11[%mul3A_2, %dma_start3A_86] : memref<10240x128xf32, #tpu.memory_space<vmem_shared>> -> memref<640x128xf32, #tpu.memory_space<vmem_shared>>
        %dma_start3A_88 = arith.constant 0 : i32
        %dma_start3A_89 = tpu.memref_slice %arg2[%mul3A_2, %dma_start3A_88] : memref<10240x128xf32, #tpu.memory_space<hbm>> -> memref<640x128xf32, #tpu.memory_space<hbm>>
        tpu.enqueue_dma source(%dma_start3A_89 : memref<640x128xf32, #tpu.memory_space<hbm>>) target(%dma_start3A_87 : memref<640x128xf32, #tpu.memory_space<vmem_shared>>) target_semaphore(%run_scoped3A_85 : memref<!tpu.dma_semaphore, #tpu.memory_space<semaphore_mem>>)
        %dma_wait3A_90 = arith.constant 0 : i32
        %dma_wait3A_91 = tpu.memref_slice %arg11[%mul3A_2, %dma_wait3A_90] : memref<10240x128xf32, #tpu.memory_space<vmem_shared>> -> memref<640x128xf32, #tpu.memory_space<vmem_shared>>
        %dma_wait3A_92 = arith.constant 0 : i32
        %dma_wait3A_93 = tpu.memref_slice %arg2[%mul3A_2, %dma_wait3A_92] : memref<10240x128xf32, #tpu.memory_space<hbm>> -> memref<640x128xf32, #tpu.memory_space<hbm>>
        tpu.wait_dma2 semaphore(%run_scoped3A_85 : memref<!tpu.dma_semaphore, #tpu.memory_space<semaphore_mem>>) src(%dma_wait3A_93 : memref<640x128xf32, #tpu.memory_space<hbm>>) dst(%dma_wait3A_91 : memref<640x128xf32, #tpu.memory_space<vmem_shared>>)
        tpu.yield
      }) : () -> ()
    } else {
    }
    %ne3A = arith.constant 0 : i32
    %ne3A_41 = arith.cmpi ne, %arg0, %ne3A : i32
    %convert_element_type3A_42 = arith.extui %ne3A_41 : i1 to i32
    %cond3A_43 = arith.constant 0 : i32
    %cond3A_44 = arith.cmpi ne, %convert_element_type3A_42, %cond3A_43 : i32
    scf.if %cond3A_44 {
      "tpu.region"() ({
        %run_scoped3A_85 = tpu.sem_alloc : memref<!tpu.dma_semaphore, #tpu.memory_space<semaphore_mem>>
        %dma_start3A_86 = arith.constant 0 : i32
        %dma_start3A_87 = tpu.memref_slice %arg11[%mul3A_2, %dma_start3A_86] : memref<10240x128xf32, #tpu.memory_space<vmem_shared>> -> memref<640x128xf32, #tpu.memory_space<vmem_shared>>
        %dma_start3A_88 = arith.constant 0 : i32
        %dma_start3A_89 = tpu.memref_slice %arg3[%mul3A_2, %dma_start3A_88] : memref<10240x128xf32, #tpu.memory_space<hbm>> -> memref<640x128xf32, #tpu.memory_space<hbm>>
        tpu.enqueue_dma source(%dma_start3A_89 : memref<640x128xf32, #tpu.memory_space<hbm>>) target(%dma_start3A_87 : memref<640x128xf32, #tpu.memory_space<vmem_shared>>) target_semaphore(%run_scoped3A_85 : memref<!tpu.dma_semaphore, #tpu.memory_space<semaphore_mem>>)
        %dma_wait3A_90 = arith.constant 0 : i32
        %dma_wait3A_91 = tpu.memref_slice %arg11[%mul3A_2, %dma_wait3A_90] : memref<10240x128xf32, #tpu.memory_space<vmem_shared>> -> memref<640x128xf32, #tpu.memory_space<vmem_shared>>
        %dma_wait3A_92 = arith.constant 0 : i32
        %dma_wait3A_93 = tpu.memref_slice %arg3[%mul3A_2, %dma_wait3A_92] : memref<10240x128xf32, #tpu.memory_space<hbm>> -> memref<640x128xf32, #tpu.memory_space<hbm>>
        tpu.wait_dma2 semaphore(%run_scoped3A_85 : memref<!tpu.dma_semaphore, #tpu.memory_space<semaphore_mem>>) src(%dma_wait3A_93 : memref<640x128xf32, #tpu.memory_space<hbm>>) dst(%dma_wait3A_91 : memref<640x128xf32, #tpu.memory_space<vmem_shared>>)
        tpu.yield
      }) : () -> ()
    } else {
    }
    %barrier3A = arith.constant 0 : index
    tpu.barrier barrier_id(%barrier3A)
    %scan3A = arith.constant 0 : i32
    %scan3A_45 = arith.constant 1 : i32
    %scan3A_46 = arith.constant 39 : i32
    %scan3A_47 = arith.addi %scan3A_45, %scan3A_46 : i32
    %scan3A_48 = arith.constant 1 : i32
    scf.for %scan3A_85 = %scan3A_45 to %scan3A_47 step %scan3A_48  : i32 {
      %sub3A = arith.constant 1 : i32
      %sub3A_86 = arith.subi %scan3A_85, %sub3A : i32
      %mul3A_87 = arith.constant 2 : i32
      %mul3A_88 = arith.muli %sub3A_86, %mul3A_87 : i32
      %add3A_89 = arith.constant 0 : i32
      %add3A_90 = arith.addi %mul3A_88, %add3A_89 : i32
      %dma_wait3A_91 = arith.constant 0 : i32
      %dma_wait3A_92 = arith.constant 0 : i32
      %dma_wait3A_93 = arith.constant 0 : i32
      %dma_wait3A_94 = tpu.memref_slice %arg10[%dma_wait3A_91, %dma_wait3A_92, %dma_wait3A_93] : memref<2x128x128xf32, #tpu.memory_space<vmem>> -> memref<1x128x128xf32, #tpu.memory_space<vmem>>
      %dma_wait3A_95 = tpu.memref_squeeze %dma_wait3A_94 : memref<1x128x128xf32, #tpu.memory_space<vmem>> -> memref<128x128xf32, #tpu.memory_space<vmem>>
      %dma_wait3A_96 = arith.constant 0 : i32
      %dma_wait3A_97 = tpu.memref_slice %arg7[%add3A_90, %dma_wait3A_96] : memref<80x128xi32, #tpu.memory_space<vmem>> -> memref<1x128xi32, #tpu.memory_space<vmem>>
      %dma_wait3A_98 = tpu.memref_squeeze %dma_wait3A_97 : memref<1x128xi32, #tpu.memory_space<vmem>> -> memref<128xi32, #tpu.memory_space<vmem>>
      %dma_wait3A_99 = arith.constant 0 : i32
      %dma_wait3A_100 = arith.constant 0 : i32
      %dma_wait3A_101 = tpu.memref_slice %arg2[%dma_wait3A_99, %dma_wait3A_100] : memref<10240x128xf32, #tpu.memory_space<hbm>> -> memref<10240x128xf32, #tpu.memory_space<hbm>>
      tpu.wait_indirect_dma semaphore(%arg12 : memref<!tpu.dma_semaphore, #tpu.memory_space<semaphore_mem>>) src(%dma_wait3A_101 : memref<10240x128xf32, #tpu.memory_space<hbm>>) dst(%dma_wait3A_95 : memref<128x128xf32, #tpu.memory_space<vmem>>)
      %add3A_102 = arith.constant 0 : i32
      %add3A_103 = arith.addi %mul3A_88, %add3A_102 : i32
      %mul3A_104 = arith.constant 128 : i32
      %mul3A_105 = arith.muli %add3A_103, %mul3A_104 : i32
      %add3A_106 = arith.addi %mul3A_6, %mul3A_105 : i32
      %multiple_of3A_107 = tpu.assume_multiple %add3A_106, 128 : i32
      %dma_wait3A_108 = tpu.memref_slice %arg5[%multiple_of3A_107] : memref<327680xi32, #tpu.memory_space<hbm>> -> memref<128xi32, #tpu.memory_space<hbm>>
      %dma_wait3A_109 = tpu.memref_slice %arg5[%multiple_of3A_107] : memref<327680xi32, #tpu.memory_space<hbm>> -> memref<128xi32, #tpu.memory_space<hbm>>
      tpu.wait_dma2 semaphore(%arg16 : memref<!tpu.dma_semaphore, #tpu.memory_space<semaphore_mem>>) src(%dma_wait3A_109 : memref<128xi32, #tpu.memory_space<hbm>>) dst(%arg8 : memref<128xi32, #tpu.memory_space<vmem>>)
      %dma_start3A_110 = arith.constant 0 : i32
      %dma_start3A_111 = arith.constant 0 : i32
      %dma_start3A_112 = arith.constant 0 : i32
      %dma_start3A_113 = tpu.memref_slice %arg10[%dma_start3A_110, %dma_start3A_111, %dma_start3A_112] : memref<2x128x128xf32, #tpu.memory_space<vmem>> -> memref<1x128x128xf32, #tpu.memory_space<vmem>>
      %dma_start3A_114 = tpu.memref_squeeze %dma_start3A_113 : memref<1x128x128xf32, #tpu.memory_space<vmem>> -> memref<128x128xf32, #tpu.memory_space<vmem>>
      %dma_start3A_115 = arith.constant 0 : i32
      %dma_start3A_116 = arith.constant 0 : i32
      %dma_start3A_117 = tpu.memref_slice %arg11[%dma_start3A_115, %dma_start3A_116] : memref<10240x128xf32, #tpu.memory_space<vmem_shared>> -> memref<10240x128xf32, #tpu.memory_space<vmem_shared>>
      tpu.enqueue_indirect_dma source(%dma_start3A_114 : memref<128x128xf32, #tpu.memory_space<vmem>>) target(%dma_start3A_117 : memref<10240x128xf32, #tpu.memory_space<vmem_shared>>) offsets(%arg8 : memref<128xi32, #tpu.memory_space<vmem>>) semaphore(%arg14 : memref<!tpu.dma_semaphore, #tpu.memory_space<semaphore_mem>>) {add = true}
      %add3A_118 = arith.constant 1 : i32
      %add3A_119 = arith.addi %mul3A_88, %add3A_118 : i32
      %dma_wait3A_120 = arith.constant 1 : i32
      %dma_wait3A_121 = arith.constant 0 : i32
      %dma_wait3A_122 = arith.constant 0 : i32
      %dma_wait3A_123 = tpu.memref_slice %arg10[%dma_wait3A_120, %dma_wait3A_121, %dma_wait3A_122] : memref<2x128x128xf32, #tpu.memory_space<vmem>> -> memref<1x128x128xf32, #tpu.memory_space<vmem>>
      %dma_wait3A_124 = tpu.memref_squeeze %dma_wait3A_123 : memref<1x128x128xf32, #tpu.memory_space<vmem>> -> memref<128x128xf32, #tpu.memory_space<vmem>>
      %dma_wait3A_125 = arith.constant 0 : i32
      %dma_wait3A_126 = tpu.memref_slice %arg7[%add3A_119, %dma_wait3A_125] : memref<80x128xi32, #tpu.memory_space<vmem>> -> memref<1x128xi32, #tpu.memory_space<vmem>>
      %dma_wait3A_127 = tpu.memref_squeeze %dma_wait3A_126 : memref<1x128xi32, #tpu.memory_space<vmem>> -> memref<128xi32, #tpu.memory_space<vmem>>
      %dma_wait3A_128 = arith.constant 0 : i32
      %dma_wait3A_129 = arith.constant 0 : i32
      %dma_wait3A_130 = tpu.memref_slice %arg2[%dma_wait3A_128, %dma_wait3A_129] : memref<10240x128xf32, #tpu.memory_space<hbm>> -> memref<10240x128xf32, #tpu.memory_space<hbm>>
      tpu.wait_indirect_dma semaphore(%arg13 : memref<!tpu.dma_semaphore, #tpu.memory_space<semaphore_mem>>) src(%dma_wait3A_130 : memref<10240x128xf32, #tpu.memory_space<hbm>>) dst(%dma_wait3A_124 : memref<128x128xf32, #tpu.memory_space<vmem>>)
      %add3A_131 = arith.constant 1 : i32
      %add3A_132 = arith.addi %mul3A_88, %add3A_131 : i32
      %mul3A_133 = arith.constant 128 : i32
      %mul3A_134 = arith.muli %add3A_132, %mul3A_133 : i32
      %add3A_135 = arith.addi %mul3A_6, %mul3A_134 : i32
      %multiple_of3A_136 = tpu.assume_multiple %add3A_135, 128 : i32
      %dma_wait3A_137 = tpu.memref_slice %arg5[%multiple_of3A_136] : memref<327680xi32, #tpu.memory_space<hbm>> -> memref<128xi32, #tpu.memory_space<hbm>>
      %dma_wait3A_138 = tpu.memref_slice %arg5[%multiple_of3A_136] : memref<327680xi32, #tpu.memory_space<hbm>> -> memref<128xi32, #tpu.memory_space<hbm>>
      tpu.wait_dma2 semaphore(%arg17 : memref<!tpu.dma_semaphore, #tpu.memory_space<semaphore_mem>>) src(%dma_wait3A_138 : memref<128xi32, #tpu.memory_space<hbm>>) dst(%arg9 : memref<128xi32, #tpu.memory_space<vmem>>)
      %dma_start3A_139 = arith.constant 1 : i32
      %dma_start3A_140 = arith.constant 0 : i32
      %dma_start3A_141 = arith.constant 0 : i32
      %dma_start3A_142 = tpu.memref_slice %arg10[%dma_start3A_139, %dma_start3A_140, %dma_start3A_141] : memref<2x128x128xf32, #tpu.memory_space<vmem>> -> memref<1x128x128xf32, #tpu.memory_space<vmem>>
      %dma_start3A_143 = tpu.memref_squeeze %dma_start3A_142 : memref<1x128x128xf32, #tpu.memory_space<vmem>> -> memref<128x128xf32, #tpu.memory_space<vmem>>
      %dma_start3A_144 = arith.constant 0 : i32
      %dma_start3A_145 = arith.constant 0 : i32
      %dma_start3A_146 = tpu.memref_slice %arg11[%dma_start3A_144, %dma_start3A_145] : memref<10240x128xf32, #tpu.memory_space<vmem_shared>> -> memref<10240x128xf32, #tpu.memory_space<vmem_shared>>
      tpu.enqueue_indirect_dma source(%dma_start3A_143 : memref<128x128xf32, #tpu.memory_space<vmem>>) target(%dma_start3A_146 : memref<10240x128xf32, #tpu.memory_space<vmem_shared>>) offsets(%arg9 : memref<128xi32, #tpu.memory_space<vmem>>) semaphore(%arg15 : memref<!tpu.dma_semaphore, #tpu.memory_space<semaphore_mem>>) {add = true}
      %dma_wait3A_147 = arith.constant 0 : i32
      %dma_wait3A_148 = arith.constant 0 : i32
      %dma_wait3A_149 = arith.constant 0 : i32
      %dma_wait3A_150 = tpu.memref_slice %arg10[%dma_wait3A_147, %dma_wait3A_148, %dma_wait3A_149] : memref<2x128x128xf32, #tpu.memory_space<vmem>> -> memref<1x128x128xf32, #tpu.memory_space<vmem>>
      %dma_wait3A_151 = tpu.memref_squeeze %dma_wait3A_150 : memref<1x128x128xf32, #tpu.memory_space<vmem>> -> memref<128x128xf32, #tpu.memory_space<vmem>>
      %dma_wait3A_152 = arith.constant 0 : i32
      %dma_wait3A_153 = arith.constant 0 : i32
      %dma_wait3A_154 = tpu.memref_slice %arg11[%dma_wait3A_152, %dma_wait3A_153] : memref<10240x128xf32, #tpu.memory_space<vmem_shared>> -> memref<10240x128xf32, #tpu.memory_space<vmem_shared>>
      tpu.wait_indirect_dma semaphore(%arg14 : memref<!tpu.dma_semaphore, #tpu.memory_space<semaphore_mem>>) src(%dma_wait3A_151 : memref<128x128xf32, #tpu.memory_space<vmem>>) dst(%dma_wait3A_154 : memref<10240x128xf32, #tpu.memory_space<vmem_shared>>)
      %mul3A_155 = arith.constant 2 : i32
      %mul3A_156 = arith.muli %scan3A_85, %mul3A_155 : i32
      %add3A_157 = arith.constant 0 : i32
      %add3A_158 = arith.addi %mul3A_156, %add3A_157 : i32
      %mul3A_159 = arith.constant 128 : i32
      %mul3A_160 = arith.muli %add3A_158, %mul3A_159 : i32
      %add3A_161 = arith.addi %mul3A_6, %mul3A_160 : i32
      %multiple_of3A_162 = tpu.assume_multiple %add3A_161, 128 : i32
      %dma_start3A_163 = tpu.memref_slice %arg5[%multiple_of3A_162] : memref<327680xi32, #tpu.memory_space<hbm>> -> memref<128xi32, #tpu.memory_space<hbm>>
      %dma_start3A_164 = tpu.memref_slice %arg5[%multiple_of3A_162] : memref<327680xi32, #tpu.memory_space<hbm>> -> memref<128xi32, #tpu.memory_space<hbm>>
      tpu.enqueue_dma source(%dma_start3A_164 : memref<128xi32, #tpu.memory_space<hbm>>) target(%arg8 : memref<128xi32, #tpu.memory_space<vmem>>) target_semaphore(%arg16 : memref<!tpu.dma_semaphore, #tpu.memory_space<semaphore_mem>>)
      %dma_start3A_165 = arith.constant 0 : i32
      %dma_start3A_166 = arith.constant 0 : i32
      %dma_start3A_167 = arith.constant 0 : i32
      %dma_start3A_168 = tpu.memref_slice %arg10[%dma_start3A_165, %dma_start3A_166, %dma_start3A_167] : memref<2x128x128xf32, #tpu.memory_space<vmem>> -> memref<1x128x128xf32, #tpu.memory_space<vmem>>
      %dma_start3A_169 = tpu.memref_squeeze %dma_start3A_168 : memref<1x128x128xf32, #tpu.memory_space<vmem>> -> memref<128x128xf32, #tpu.memory_space<vmem>>
      %dma_start3A_170 = arith.constant 0 : i32
      %dma_start3A_171 = tpu.memref_slice %arg7[%add3A_158, %dma_start3A_170] : memref<80x128xi32, #tpu.memory_space<vmem>> -> memref<1x128xi32, #tpu.memory_space<vmem>>
      %dma_start3A_172 = tpu.memref_squeeze %dma_start3A_171 : memref<1x128xi32, #tpu.memory_space<vmem>> -> memref<128xi32, #tpu.memory_space<vmem>>
      %dma_start3A_173 = arith.constant 0 : i32
      %dma_start3A_174 = arith.constant 0 : i32
      %dma_start3A_175 = tpu.memref_slice %arg2[%dma_start3A_173, %dma_start3A_174] : memref<10240x128xf32, #tpu.memory_space<hbm>> -> memref<10240x128xf32, #tpu.memory_space<hbm>>
      tpu.enqueue_indirect_dma source(%dma_start3A_175 : memref<10240x128xf32, #tpu.memory_space<hbm>>) target(%dma_start3A_169 : memref<128x128xf32, #tpu.memory_space<vmem>>) offsets(%dma_start3A_172 : memref<128xi32, #tpu.memory_space<vmem>>) semaphore(%arg12 : memref<!tpu.dma_semaphore, #tpu.memory_space<semaphore_mem>>)
      %dma_wait3A_176 = arith.constant 1 : i32
      %dma_wait3A_177 = arith.constant 0 : i32
      %dma_wait3A_178 = arith.constant 0 : i32
      %dma_wait3A_179 = tpu.memref_slice %arg10[%dma_wait3A_176, %dma_wait3A_177, %dma_wait3A_178] : memref<2x128x128xf32, #tpu.memory_space<vmem>> -> memref<1x128x128xf32, #tpu.memory_space<vmem>>
      %dma_wait3A_180 = tpu.memref_squeeze %dma_wait3A_179 : memref<1x128x128xf32, #tpu.memory_space<vmem>> -> memref<128x128xf32, #tpu.memory_space<vmem>>
      %dma_wait3A_181 = arith.constant 0 : i32
      %dma_wait3A_182 = arith.constant 0 : i32
      %dma_wait3A_183 = tpu.memref_slice %arg11[%dma_wait3A_181, %dma_wait3A_182] : memref<10240x128xf32, #tpu.memory_space<vmem_shared>> -> memref<10240x128xf32, #tpu.memory_space<vmem_shared>>
      tpu.wait_indirect_dma semaphore(%arg15 : memref<!tpu.dma_semaphore, #tpu.memory_space<semaphore_mem>>) src(%dma_wait3A_180 : memref<128x128xf32, #tpu.memory_space<vmem>>) dst(%dma_wait3A_183 : memref<10240x128xf32, #tpu.memory_space<vmem_shared>>)
      %mul3A_184 = arith.constant 2 : i32
      %mul3A_185 = arith.muli %scan3A_85, %mul3A_184 : i32
      %add3A_186 = arith.constant 1 : i32
      %add3A_187 = arith.addi %mul3A_185, %add3A_186 : i32
      %mul3A_188 = arith.constant 128 : i32
      %mul3A_189 = arith.muli %add3A_187, %mul3A_188 : i32
      %add3A_190 = arith.addi %mul3A_6, %mul3A_189 : i32
      %multiple_of3A_191 = tpu.assume_multiple %add3A_190, 128 : i32
      %dma_start3A_192 = tpu.memref_slice %arg5[%multiple_of3A_191] : memref<327680xi32, #tpu.memory_space<hbm>> -> memref<128xi32, #tpu.memory_space<hbm>>
      %dma_start3A_193 = tpu.memref_slice %arg5[%multiple_of3A_191] : memref<327680xi32, #tpu.memory_space<hbm>> -> memref<128xi32, #tpu.memory_space<hbm>>
      tpu.enqueue_dma source(%dma_start3A_193 : memref<128xi32, #tpu.memory_space<hbm>>) target(%arg9 : memref<128xi32, #tpu.memory_space<vmem>>) target_semaphore(%arg17 : memref<!tpu.dma_semaphore, #tpu.memory_space<semaphore_mem>>)
      %dma_start3A_194 = arith.constant 1 : i32
      %dma_start3A_195 = arith.constant 0 : i32
      %dma_start3A_196 = arith.constant 0 : i32
      %dma_start3A_197 = tpu.memref_slice %arg10[%dma_start3A_194, %dma_start3A_195, %dma_start3A_196] : memref<2x128x128xf32, #tpu.memory_space<vmem>> -> memref<1x128x128xf32, #tpu.memory_space<vmem>>
      %dma_start3A_198 = tpu.memref_squeeze %dma_start3A_197 : memref<1x128x128xf32, #tpu.memory_space<vmem>> -> memref<128x128xf32, #tpu.memory_space<vmem>>
      %dma_start3A_199 = arith.constant 0 : i32
      %dma_start3A_200 = tpu.memref_slice %arg7[%add3A_187, %dma_start3A_199] : memref<80x128xi32, #tpu.memory_space<vmem>> -> memref<1x128xi32, #tpu.memory_space<vmem>>
      %dma_start3A_201 = tpu.memref_squeeze %dma_start3A_200 : memref<1x128xi32, #tpu.memory_space<vmem>> -> memref<128xi32, #tpu.memory_space<vmem>>
      %dma_start3A_202 = arith.constant 0 : i32
      %dma_start3A_203 = arith.constant 0 : i32
      %dma_start3A_204 = tpu.memref_slice %arg2[%dma_start3A_202, %dma_start3A_203] : memref<10240x128xf32, #tpu.memory_space<hbm>> -> memref<10240x128xf32, #tpu.memory_space<hbm>>
      tpu.enqueue_indirect_dma source(%dma_start3A_204 : memref<10240x128xf32, #tpu.memory_space<hbm>>) target(%dma_start3A_198 : memref<128x128xf32, #tpu.memory_space<vmem>>) offsets(%dma_start3A_201 : memref<128xi32, #tpu.memory_space<vmem>>) semaphore(%arg13 : memref<!tpu.dma_semaphore, #tpu.memory_space<semaphore_mem>>)
    }
    %scan3A_49 = arith.constant 39 : i32
    %dma_wait3A = arith.constant 78 : i32
    %dma_wait3A_50 = arith.constant 0 : i32
    %dma_wait3A_51 = arith.constant 0 : i32
    %dma_wait3A_52 = arith.constant 0 : i32
    %dma_wait3A_53 = tpu.memref_slice %arg10[%dma_wait3A_50, %dma_wait3A_51, %dma_wait3A_52] : memref<2x128x128xf32, #tpu.memory_space<vmem>> -> memref<1x128x128xf32, #tpu.memory_space<vmem>>
    %dma_wait3A_54 = tpu.memref_squeeze %dma_wait3A_53 : memref<1x128x128xf32, #tpu.memory_space<vmem>> -> memref<128x128xf32, #tpu.memory_space<vmem>>
    %dma_wait3A_55 = arith.constant 0 : i32
    %dma_wait3A_56 = tpu.memref_slice %arg7[%dma_wait3A, %dma_wait3A_55] : memref<80x128xi32, #tpu.memory_space<vmem>> -> memref<1x128xi32, #tpu.memory_space<vmem>>
    %dma_wait3A_57 = tpu.memref_squeeze %dma_wait3A_56 : memref<1x128xi32, #tpu.memory_space<vmem>> -> memref<128xi32, #tpu.memory_space<vmem>>
    %dma_wait3A_58 = arith.constant 0 : i32
    %dma_wait3A_59 = arith.constant 0 : i32
    %dma_wait3A_60 = tpu.memref_slice %arg2[%dma_wait3A_58, %dma_wait3A_59] : memref<10240x128xf32, #tpu.memory_space<hbm>> -> memref<10240x128xf32, #tpu.memory_space<hbm>>
    tpu.wait_indirect_dma semaphore(%arg12 : memref<!tpu.dma_semaphore, #tpu.memory_space<semaphore_mem>>) src(%dma_wait3A_60 : memref<10240x128xf32, #tpu.memory_space<hbm>>) dst(%dma_wait3A_54 : memref<128x128xf32, #tpu.memory_space<vmem>>)
    %add3A_61 = arith.constant 9984 : i32
    %add3A_62 = arith.addi %mul3A_6, %add3A_61 : i32
    %multiple_of3A_63 = tpu.assume_multiple %add3A_62, 128 : i32
    %dma_wait3A_64 = tpu.memref_slice %arg5[%multiple_of3A_63] : memref<327680xi32, #tpu.memory_space<hbm>> -> memref<128xi32, #tpu.memory_space<hbm>>
    %dma_wait3A_65 = tpu.memref_slice %arg5[%multiple_of3A_63] : memref<327680xi32, #tpu.memory_space<hbm>> -> memref<128xi32, #tpu.memory_space<hbm>>
    tpu.wait_dma2 semaphore(%arg16 : memref<!tpu.dma_semaphore, #tpu.memory_space<semaphore_mem>>) src(%dma_wait3A_65 : memref<128xi32, #tpu.memory_space<hbm>>) dst(%arg8 : memref<128xi32, #tpu.memory_space<vmem>>)
    %run_scoped3A = arith.constant 0 : i32
    "tpu.region"() ({
      %run_scoped3A_85 = tpu.sem_alloc : memref<!tpu.dma_semaphore, #tpu.memory_space<semaphore_mem>>
      %dma_start3A_86 = arith.constant 0 : i32
      %dma_start3A_87 = arith.constant 0 : i32
      %dma_start3A_88 = tpu.memref_slice %arg10[%run_scoped3A, %dma_start3A_86, %dma_start3A_87] : memref<2x128x128xf32, #tpu.memory_space<vmem>> -> memref<1x128x128xf32, #tpu.memory_space<vmem>>
      %dma_start3A_89 = tpu.memref_squeeze %dma_start3A_88 : memref<1x128x128xf32, #tpu.memory_space<vmem>> -> memref<128x128xf32, #tpu.memory_space<vmem>>
      %dma_start3A_90 = arith.constant 0 : i32
      %dma_start3A_91 = arith.constant 0 : i32
      %dma_start3A_92 = tpu.memref_slice %arg11[%dma_start3A_90, %dma_start3A_91] : memref<10240x128xf32, #tpu.memory_space<vmem_shared>> -> memref<10240x128xf32, #tpu.memory_space<vmem_shared>>
      tpu.enqueue_indirect_dma source(%dma_start3A_89 : memref<128x128xf32, #tpu.memory_space<vmem>>) target(%dma_start3A_92 : memref<10240x128xf32, #tpu.memory_space<vmem_shared>>) offsets(%arg8 : memref<128xi32, #tpu.memory_space<vmem>>) semaphore(%run_scoped3A_85 : memref<!tpu.dma_semaphore, #tpu.memory_space<semaphore_mem>>) {add = true}
      %dma_wait3A_93 = arith.constant 0 : i32
      %dma_wait3A_94 = arith.constant 0 : i32
      %dma_wait3A_95 = tpu.memref_slice %arg10[%run_scoped3A, %dma_wait3A_93, %dma_wait3A_94] : memref<2x128x128xf32, #tpu.memory_space<vmem>> -> memref<1x128x128xf32, #tpu.memory_space<vmem>>
      %dma_wait3A_96 = tpu.memref_squeeze %dma_wait3A_95 : memref<1x128x128xf32, #tpu.memory_space<vmem>> -> memref<128x128xf32, #tpu.memory_space<vmem>>
      %dma_wait3A_97 = arith.constant 0 : i32
      %dma_wait3A_98 = arith.constant 0 : i32
      %dma_wait3A_99 = tpu.memref_slice %arg11[%dma_wait3A_97, %dma_wait3A_98] : memref<10240x128xf32, #tpu.memory_space<vmem_shared>> -> memref<10240x128xf32, #tpu.memory_space<vmem_shared>>
      tpu.wait_indirect_dma semaphore(%run_scoped3A_85 : memref<!tpu.dma_semaphore, #tpu.memory_space<semaphore_mem>>) src(%dma_wait3A_96 : memref<128x128xf32, #tpu.memory_space<vmem>>) dst(%dma_wait3A_99 : memref<10240x128xf32, #tpu.memory_space<vmem_shared>>)
      tpu.yield
    }) : () -> ()
    %dma_wait3A_66 = arith.constant 79 : i32
    %dma_wait3A_67 = arith.constant 1 : i32
    %dma_wait3A_68 = arith.constant 0 : i32
    %dma_wait3A_69 = arith.constant 0 : i32
    %dma_wait3A_70 = tpu.memref_slice %arg10[%dma_wait3A_67, %dma_wait3A_68, %dma_wait3A_69] : memref<2x128x128xf32, #tpu.memory_space<vmem>> -> memref<1x128x128xf32, #tpu.memory_space<vmem>>
    %dma_wait3A_71 = tpu.memref_squeeze %dma_wait3A_70 : memref<1x128x128xf32, #tpu.memory_space<vmem>> -> memref<128x128xf32, #tpu.memory_space<vmem>>
    %dma_wait3A_72 = arith.constant 0 : i32
    %dma_wait3A_73 = tpu.memref_slice %arg7[%dma_wait3A_66, %dma_wait3A_72] : memref<80x128xi32, #tpu.memory_space<vmem>> -> memref<1x128xi32, #tpu.memory_space<vmem>>
    %dma_wait3A_74 = tpu.memref_squeeze %dma_wait3A_73 : memref<1x128xi32, #tpu.memory_space<vmem>> -> memref<128xi32, #tpu.memory_space<vmem>>
    %dma_wait3A_75 = arith.constant 0 : i32
    %dma_wait3A_76 = arith.constant 0 : i32
    %dma_wait3A_77 = tpu.memref_slice %arg2[%dma_wait3A_75, %dma_wait3A_76] : memref<10240x128xf32, #tpu.memory_space<hbm>> -> memref<10240x128xf32, #tpu.memory_space<hbm>>
    tpu.wait_indirect_dma semaphore(%arg13 : memref<!tpu.dma_semaphore, #tpu.memory_space<semaphore_mem>>) src(%dma_wait3A_77 : memref<10240x128xf32, #tpu.memory_space<hbm>>) dst(%dma_wait3A_71 : memref<128x128xf32, #tpu.memory_space<vmem>>)
    %add3A_78 = arith.constant 10112 : i32
    %add3A_79 = arith.addi %mul3A_6, %add3A_78 : i32
    %multiple_of3A_80 = tpu.assume_multiple %add3A_79, 128 : i32
    %dma_wait3A_81 = tpu.memref_slice %arg5[%multiple_of3A_80] : memref<327680xi32, #tpu.memory_space<hbm>> -> memref<128xi32, #tpu.memory_space<hbm>>
    %dma_wait3A_82 = tpu.memref_slice %arg5[%multiple_of3A_80] : memref<327680xi32, #tpu.memory_space<hbm>> -> memref<128xi32, #tpu.memory_space<hbm>>
    tpu.wait_dma2 semaphore(%arg17 : memref<!tpu.dma_semaphore, #tpu.memory_space<semaphore_mem>>) src(%dma_wait3A_82 : memref<128xi32, #tpu.memory_space<hbm>>) dst(%arg9 : memref<128xi32, #tpu.memory_space<vmem>>)
    %run_scoped3A_83 = arith.constant 1 : i32
    "tpu.region"() ({
      %run_scoped3A_85 = tpu.sem_alloc : memref<!tpu.dma_semaphore, #tpu.memory_space<semaphore_mem>>
      %dma_start3A_86 = arith.constant 0 : i32
      %dma_start3A_87 = arith.constant 0 : i32
      %dma_start3A_88 = tpu.memref_slice %arg10[%run_scoped3A_83, %dma_start3A_86, %dma_start3A_87] : memref<2x128x128xf32, #tpu.memory_space<vmem>> -> memref<1x128x128xf32, #tpu.memory_space<vmem>>
      %dma_start3A_89 = tpu.memref_squeeze %dma_start3A_88 : memref<1x128x128xf32, #tpu.memory_space<vmem>> -> memref<128x128xf32, #tpu.memory_space<vmem>>
      %dma_start3A_90 = arith.constant 0 : i32
      %dma_start3A_91 = arith.constant 0 : i32
      %dma_start3A_92 = tpu.memref_slice %arg11[%dma_start3A_90, %dma_start3A_91] : memref<10240x128xf32, #tpu.memory_space<vmem_shared>> -> memref<10240x128xf32, #tpu.memory_space<vmem_shared>>
      tpu.enqueue_indirect_dma source(%dma_start3A_89 : memref<128x128xf32, #tpu.memory_space<vmem>>) target(%dma_start3A_92 : memref<10240x128xf32, #tpu.memory_space<vmem_shared>>) offsets(%arg9 : memref<128xi32, #tpu.memory_space<vmem>>) semaphore(%run_scoped3A_85 : memref<!tpu.dma_semaphore, #tpu.memory_space<semaphore_mem>>) {add = true}
      %dma_wait3A_93 = arith.constant 0 : i32
      %dma_wait3A_94 = arith.constant 0 : i32
      %dma_wait3A_95 = tpu.memref_slice %arg10[%run_scoped3A_83, %dma_wait3A_93, %dma_wait3A_94] : memref<2x128x128xf32, #tpu.memory_space<vmem>> -> memref<1x128x128xf32, #tpu.memory_space<vmem>>
      %dma_wait3A_96 = tpu.memref_squeeze %dma_wait3A_95 : memref<1x128x128xf32, #tpu.memory_space<vmem>> -> memref<128x128xf32, #tpu.memory_space<vmem>>
      %dma_wait3A_97 = arith.constant 0 : i32
      %dma_wait3A_98 = arith.constant 0 : i32
      %dma_wait3A_99 = tpu.memref_slice %arg11[%dma_wait3A_97, %dma_wait3A_98] : memref<10240x128xf32, #tpu.memory_space<vmem_shared>> -> memref<10240x128xf32, #tpu.memory_space<vmem_shared>>
      tpu.wait_indirect_dma semaphore(%run_scoped3A_85 : memref<!tpu.dma_semaphore, #tpu.memory_space<semaphore_mem>>) src(%dma_wait3A_96 : memref<128x128xf32, #tpu.memory_space<vmem>>) dst(%dma_wait3A_99 : memref<10240x128xf32, #tpu.memory_space<vmem_shared>>)
      tpu.yield
    }) : () -> ()
    %barrier3A_84 = arith.constant 0 : index
    tpu.barrier barrier_id(%barrier3A_84)
    "tpu.region"() ({
      %run_scoped3A_85 = tpu.sem_alloc : memref<!tpu.dma_semaphore, #tpu.memory_space<semaphore_mem>>
      %dma_start3A_86 = arith.constant 0 : i32
      %dma_start3A_87 = tpu.memref_slice %arg6[%arg0, %mul3A_2, %dma_start3A_86] : memref<2x10240x128xf32, #tpu.memory_space<hbm>> -> memref<1x640x128xf32, #tpu.memory_space<hbm>>
      %dma_start3A_88 = tpu.memref_squeeze %dma_start3A_87 : memref<1x640x128xf32, #tpu.memory_space<hbm>> -> memref<640x128xf32, #tpu.memory_space<hbm>>
      %dma_start3A_89 = arith.constant 0 : i32
      %dma_start3A_90 = tpu.memref_slice %arg11[%mul3A_2, %dma_start3A_89] : memref<10240x128xf32, #tpu.memory_space<vmem_shared>> -> memref<640x128xf32, #tpu.memory_space<vmem_shared>>
      tpu.enqueue_dma source(%dma_start3A_90 : memref<640x128xf32, #tpu.memory_space<vmem_shared>>) target(%dma_start3A_88 : memref<640x128xf32, #tpu.memory_space<hbm>>) target_semaphore(%run_scoped3A_85 : memref<!tpu.dma_semaphore, #tpu.memory_space<semaphore_mem>>)
      %dma_wait3A_91 = arith.constant 0 : i32
      %dma_wait3A_92 = tpu.memref_slice %arg6[%arg0, %mul3A_2, %dma_wait3A_91] : memref<2x10240x128xf32, #tpu.memory_space<hbm>> -> memref<1x640x128xf32, #tpu.memory_space<hbm>>
      %dma_wait3A_93 = tpu.memref_squeeze %dma_wait3A_92 : memref<1x640x128xf32, #tpu.memory_space<hbm>> -> memref<640x128xf32, #tpu.memory_space<hbm>>
      %dma_wait3A_94 = arith.constant 0 : i32
      %dma_wait3A_95 = tpu.memref_slice %arg11[%mul3A_2, %dma_wait3A_94] : memref<10240x128xf32, #tpu.memory_space<vmem_shared>> -> memref<640x128xf32, #tpu.memory_space<vmem_shared>>
      tpu.wait_dma2 semaphore(%run_scoped3A_85 : memref<!tpu.dma_semaphore, #tpu.memory_space<semaphore_mem>>) src(%dma_wait3A_95 : memref<640x128xf32, #tpu.memory_space<vmem_shared>>) dst(%dma_wait3A_93 : memref<640x128xf32, #tpu.memory_space<hbm>>)
      tpu.yield
    }) : () -> ()
    return
  }
}

module attributes {stable_mosaic.version = 14 : i64} {
  func.func @body(%arg0: i32, %arg1: memref<2048x128xf32, #tpu.memory_space<vmem>>, %arg2: memref<128x128xf32, #tpu.memory_space<vmem>>, %arg3: memref<2048x32xf32, #tpu.memory_space<vmem>>, %arg4: memref<2048x128xf32, #tpu.memory_space<vmem>>) attributes {dimension_semantics = [#tpu.dimension_semantics<arbitrary>], iteration_bounds = array<i64: 5>, scalar_prefetch = 0 : i64, scratch_operands = 0 : i64, tpu.core_type = #tpu.core_type<tc>, window_params = [{transform_indices = @transform_0, window_bounds = array<i64: 2048, 128>}, {pipeline_mode = #tpu.pipeline_mode<synchronous>, transform_indices = @transform_1, window_bounds = array<i64: 128, 128>}, {transform_indices = @transform_2, window_bounds = array<i64: 2048, 32>}, {transform_indices = @transform_3, window_bounds = array<i64: 2048, 128>}]} {
    %get3A = arith.constant 0 : index
    %get3A_0 = arith.constant 0 : index
    %get3A_1 = vector.load %arg3[%get3A, %get3A_0] : memref<2048x32xf32, #tpu.memory_space<vmem>>, vector<2048x32xf32>
    %reduce_sum3A = arith.constant dense<0.000000e+00> : vector<2048xf32>
    %reduce_sum3A_2 = vector.multi_reduction <add>, %get3A_1, %reduce_sum3A [1] : vector<2048x32xf32> to vector<2048xf32>
    %broadcast_in_dim3A = vector.shape_cast %reduce_sum3A_2 : vector<2048xf32> to vector<2048x1xf32>
    %add3A = arith.constant 1.000000e+00 : f32
    %add3A_3 = vector.broadcast %add3A : f32 to vector<2048x1xf32>
    %add3A_4 = arith.addf %broadcast_in_dim3A, %add3A_3 : vector<2048x1xf32>
    %rsqrt3A = math.rsqrt %add3A_4 : vector<2048x1xf32>
    %get3A_5 = arith.constant 0 : index
    %get3A_6 = arith.constant 0 : index
    %get3A_7 = vector.load %arg1[%get3A_5, %get3A_6] : memref<2048x128xf32, #tpu.memory_space<vmem>>, vector<2048x128xf32>
    %get3A_8 = arith.constant 0 : index
    %get3A_9 = arith.constant 0 : index
    %get3A_10 = vector.load %arg2[%get3A_8, %get3A_9] : memref<128x128xf32, #tpu.memory_space<vmem>>, vector<128x128xf32>
    %dot_general3A = arith.constant dense<0.000000e+00> : vector<2048x128xf32>
    %dot_general3A_11 = tpu.matmul %get3A_7, %get3A_10, %dot_general3A {dimension_numbers = #tpu.dot_dimension_numbers<[1], [0], [0], [1], [0, 0, 1, 1], [], []>, transpose_lhs_hint = false} : vector<2048x128xf32>, vector<128x128xf32>, vector<2048x128xf32> -> vector<2048x128xf32>
    %mul3A = vector.broadcast %rsqrt3A : vector<2048x1xf32> to vector<2048x128xf32>
    %mul3A_12 = arith.mulf %dot_general3A_11, %mul3A : vector<2048x128xf32>
    %swap3A = arith.constant 0 : index
    %swap3A_13 = arith.constant 0 : index
    %swap3A_14 = vector.load %arg4[%swap3A, %swap3A_13] : memref<2048x128xf32, #tpu.memory_space<vmem>>, vector<2048x128xf32>
    tpu.vector_store %arg4[%swap3A, %swap3A_13], %mul3A_12 {strides = array<i32>} : memref<2048x128xf32, #tpu.memory_space<vmem>>, vector<2048x128xf32>,
    return
  }
  func.func @transform_0(%arg0: i32) -> (i32, i32) {
    %c0_i32 = arith.constant 0 : i32
    %c0_i32_0 = arith.constant 0 : i32
    return %arg0, %c0_i32 : i32, i32
  }
  func.func @transform_1(%arg0: i32) -> (i32, i32) {
    %c0_i32 = arith.constant 0 : i32
    %c0_i32_0 = arith.constant 0 : i32
    %c0_i32_1 = arith.constant 0 : i32
    return %c0_i32, %c0_i32_0 : i32, i32
  }
  func.func @transform_2(%arg0: i32) -> (i32, i32) {
    %c0_i32 = arith.constant 0 : i32
    %c0_i32_0 = arith.constant 0 : i32
    return %arg0, %c0_i32 : i32, i32
  }
  func.func @transform_3(%arg0: i32) -> (i32, i32) {
    %c0_i32 = arith.constant 0 : i32
    %c0_i32_0 = arith.constant 0 : i32
    return %arg0, %c0_i32 : i32, i32
  }
}

module attributes {stable_mosaic.version = 14 : i64} {
  func.func @body(%arg0: i32, %arg1: memref<1x2048x128xf32, #tpu.memory_space<vmem>>, %arg2: memref<1x2048x128xf32, #tpu.memory_space<vmem>>, %arg3: memref<2048x32xf32, #tpu.memory_space<vmem>>, %arg4: memref<1x128xf32, #tpu.memory_space<vmem>>, %arg5: memref<128x128xf32, #tpu.memory_space<vmem>>, %arg6: memref<2048x128xf32, #tpu.memory_space<vmem>>) attributes {dimension_semantics = [#tpu.dimension_semantics<arbitrary>], iteration_bounds = array<i64: 5>, scalar_prefetch = 0 : i64, scratch_operands = 0 : i64, tpu.core_type = #tpu.core_type<tc>, window_params = [{transform_indices = @transform_0, window_bounds = array<i64: 1, 2048, 128>}, {transform_indices = @transform_1, window_bounds = array<i64: 1, 2048, 128>}, {transform_indices = @transform_2, window_bounds = array<i64: 2048, 32>}, {pipeline_mode = #tpu.pipeline_mode<synchronous>, transform_indices = @transform_3, window_bounds = array<i64: 1, 128>}, {pipeline_mode = #tpu.pipeline_mode<synchronous>, transform_indices = @transform_4, window_bounds = array<i64: 128, 128>}, {transform_indices = @transform_5, window_bounds = array<i64: 2048, 128>}]} {
    %get3A = arith.constant 0 : index
    %get3A_0 = arith.constant 0 : index
    %get3A_1 = vector.load %arg3[%get3A, %get3A_0] : memref<2048x32xf32, #tpu.memory_space<vmem>>, vector<2048x32xf32>
    %reduce_sum3A = arith.constant dense<0.000000e+00> : vector<2048xf32>
    %reduce_sum3A_2 = vector.multi_reduction <add>, %get3A_1, %reduce_sum3A [1] : vector<2048x32xf32> to vector<2048xf32>
    %broadcast_in_dim3A = vector.shape_cast %reduce_sum3A_2 : vector<2048xf32> to vector<2048x1xf32>
    %add3A = arith.constant 1.000000e+00 : f32
    %add3A_3 = vector.broadcast %add3A : f32 to vector<2048x1xf32>
    %add3A_4 = arith.addf %broadcast_in_dim3A, %add3A_3 : vector<2048x1xf32>
    %rsqrt3A = math.rsqrt %add3A_4 : vector<2048x1xf32>
    %get3A_5 = arith.constant 0 : index
    %get3A_6 = arith.constant 0 : index
    %get3A_7 = arith.constant 0 : index
    %get3A_8 = vector.load %arg1[%get3A_5, %get3A_6, %get3A_7] : memref<1x2048x128xf32, #tpu.memory_space<vmem>>, vector<1x2048x128xf32>
    %get3A_9 = vector.shape_cast %get3A_8 : vector<1x2048x128xf32> to vector<2048x128xf32>
    %get3A_10 = arith.constant 0 : index
    %get3A_11 = arith.constant 0 : index
    %get3A_12 = arith.constant 0 : index
    %get3A_13 = vector.load %arg2[%get3A_10, %get3A_11, %get3A_12] : memref<1x2048x128xf32, #tpu.memory_space<vmem>>, vector<1x2048x128xf32>
    %get3A_14 = vector.shape_cast %get3A_13 : vector<1x2048x128xf32> to vector<2048x128xf32>
    %add3A_15 = arith.addf %get3A_9, %get3A_14 : vector<2048x128xf32>
    %mul3A = vector.broadcast %rsqrt3A : vector<2048x1xf32> to vector<2048x128xf32>
    %mul3A_16 = arith.mulf %add3A_15, %mul3A : vector<2048x128xf32>
    %get3A_17 = arith.constant 0 : index
    %get3A_18 = arith.constant 0 : index
    %get3A_19 = vector.load %arg4[%get3A_17, %get3A_18] : memref<1x128xf32, #tpu.memory_space<vmem>>, vector<1x128xf32>
    %add3A_20 = vector.broadcast %get3A_19 : vector<1x128xf32> to vector<2048x128xf32>
    %add3A_21 = arith.addf %mul3A_16, %add3A_20 : vector<2048x128xf32>
    %mul3A_22 = arith.constant 5.000000e-01 : f32
    %mul3A_23 = vector.broadcast %mul3A_22 : f32 to vector<2048x128xf32>
    %mul3A_24 = arith.mulf %mul3A_23, %add3A_21 : vector<2048x128xf32>
    %mul3A_25 = arith.constant 0.707106769 : f32
    %mul3A_26 = vector.broadcast %mul3A_25 : f32 to vector<2048x128xf32>
    %mul3A_27 = arith.mulf %add3A_21, %mul3A_26 : vector<2048x128xf32>
    %erf3A = math.erf %mul3A_27 : vector<2048x128xf32>
    %add3A_28 = arith.constant 1.000000e+00 : f32
    %add3A_29 = vector.broadcast %add3A_28 : f32 to vector<2048x128xf32>
    %add3A_30 = arith.addf %add3A_29, %erf3A : vector<2048x128xf32>
    %mul3A_31 = arith.mulf %mul3A_24, %add3A_30 : vector<2048x128xf32>
    %get3A_32 = arith.constant 0 : index
    %get3A_33 = arith.constant 0 : index
    %get3A_34 = vector.load %arg5[%get3A_32, %get3A_33] : memref<128x128xf32, #tpu.memory_space<vmem>>, vector<128x128xf32>
    %dot_general3A = arith.constant dense<0.000000e+00> : vector<2048x128xf32>
    %dot_general3A_35 = tpu.matmul %mul3A_31, %get3A_34, %dot_general3A {dimension_numbers = #tpu.dot_dimension_numbers<[1], [0], [0], [1], [0, 0, 1, 1], [], []>, transpose_lhs_hint = false} : vector<2048x128xf32>, vector<128x128xf32>, vector<2048x128xf32> -> vector<2048x128xf32>
    %mul3A_36 = vector.broadcast %rsqrt3A : vector<2048x1xf32> to vector<2048x128xf32>
    %mul3A_37 = arith.mulf %dot_general3A_35, %mul3A_36 : vector<2048x128xf32>
    %swap3A = arith.constant 0 : index
    %swap3A_38 = arith.constant 0 : index
    %swap3A_39 = vector.load %arg6[%swap3A, %swap3A_38] : memref<2048x128xf32, #tpu.memory_space<vmem>>, vector<2048x128xf32>
    tpu.vector_store %arg6[%swap3A, %swap3A_38], %mul3A_37 {strides = array<i32>} : memref<2048x128xf32, #tpu.memory_space<vmem>>, vector<2048x128xf32>,
    return
  }
  func.func @transform_0(%arg0: i32) -> (i32, i32, i32) {
    %c0_i32 = arith.constant 0 : i32
    %c0_i32_0 = arith.constant 0 : i32
    %c0_i32_1 = arith.constant 0 : i32
    return %c0_i32, %arg0, %c0_i32_0 : i32, i32, i32
  }
  func.func @transform_1(%arg0: i32) -> (i32, i32, i32) {
    %c1_i32 = arith.constant 1 : i32
    %c0_i32 = arith.constant 0 : i32
    %c0_i32_0 = arith.constant 0 : i32
    return %c1_i32, %arg0, %c0_i32 : i32, i32, i32
  }
  func.func @transform_2(%arg0: i32) -> (i32, i32) {
    %c0_i32 = arith.constant 0 : i32
    %c0_i32_0 = arith.constant 0 : i32
    return %arg0, %c0_i32 : i32, i32
  }
  func.func @transform_3(%arg0: i32) -> (i32, i32) {
    %c0_i32 = arith.constant 0 : i32
    %c0_i32_0 = arith.constant 0 : i32
    %c0_i32_1 = arith.constant 0 : i32
    return %c0_i32, %c0_i32_0 : i32, i32
  }
  func.func @transform_4(%arg0: i32) -> (i32, i32) {
    %c0_i32 = arith.constant 0 : i32
    %c0_i32_0 = arith.constant 0 : i32
    %c0_i32_1 = arith.constant 0 : i32
    return %c0_i32, %c0_i32_0 : i32, i32
  }
  func.func @transform_5(%arg0: i32) -> (i32, i32) {
    %c0_i32 = arith.constant 0 : i32
    %c0_i32_0 = arith.constant 0 : i32
    return %arg0, %c0_i32 : i32, i32
  }
}

module attributes {stable_mosaic.version = 14 : i64} {
  func.func @body(%arg0: i32, %arg1: memref<1x2000x128xf32, #tpu.memory_space<vmem>>, %arg2: memref<1x2000x128xf32, #tpu.memory_space<vmem>>, %arg3: memref<2000x32xf32, #tpu.memory_space<vmem>>, %arg4: memref<1x128xf32, #tpu.memory_space<vmem>>, %arg5: memref<2000x128xf32, #tpu.memory_space<vmem>>) attributes {dimension_semantics = [#tpu.dimension_semantics<arbitrary>], iteration_bounds = array<i64: 5>, scalar_prefetch = 0 : i64, scratch_operands = 0 : i64, tpu.core_type = #tpu.core_type<tc>, window_params = [{transform_indices = @transform_0, window_bounds = array<i64: 1, 2000, 128>}, {transform_indices = @transform_1, window_bounds = array<i64: 1, 2000, 128>}, {transform_indices = @transform_2, window_bounds = array<i64: 2000, 32>}, {pipeline_mode = #tpu.pipeline_mode<synchronous>, transform_indices = @transform_3, window_bounds = array<i64: 1, 128>}, {transform_indices = @transform_4, window_bounds = array<i64: 2000, 128>}]} {
    %get3A = arith.constant 0 : index
    %get3A_0 = arith.constant 0 : index
    %get3A_1 = vector.load %arg3[%get3A, %get3A_0] : memref<2000x32xf32, #tpu.memory_space<vmem>>, vector<2000x32xf32>
    %reduce_sum3A = arith.constant dense<0.000000e+00> : vector<2000xf32>
    %reduce_sum3A_2 = vector.multi_reduction <add>, %get3A_1, %reduce_sum3A [1] : vector<2000x32xf32> to vector<2000xf32>
    %broadcast_in_dim3A = vector.shape_cast %reduce_sum3A_2 : vector<2000xf32> to vector<2000x1xf32>
    %add3A = arith.constant 1.000000e+00 : f32
    %add3A_3 = vector.broadcast %add3A : f32 to vector<2000x1xf32>
    %add3A_4 = arith.addf %broadcast_in_dim3A, %add3A_3 : vector<2000x1xf32>
    %rsqrt3A = math.rsqrt %add3A_4 : vector<2000x1xf32>
    %get3A_5 = arith.constant 0 : index
    %get3A_6 = arith.constant 0 : index
    %get3A_7 = arith.constant 0 : index
    %get3A_8 = vector.load %arg1[%get3A_5, %get3A_6, %get3A_7] : memref<1x2000x128xf32, #tpu.memory_space<vmem>>, vector<1x2000x128xf32>
    %get3A_9 = vector.shape_cast %get3A_8 : vector<1x2000x128xf32> to vector<2000x128xf32>
    %get3A_10 = arith.constant 0 : index
    %get3A_11 = arith.constant 0 : index
    %get3A_12 = arith.constant 0 : index
    %get3A_13 = vector.load %arg2[%get3A_10, %get3A_11, %get3A_12] : memref<1x2000x128xf32, #tpu.memory_space<vmem>>, vector<1x2000x128xf32>
    %get3A_14 = vector.shape_cast %get3A_13 : vector<1x2000x128xf32> to vector<2000x128xf32>
    %add3A_15 = arith.addf %get3A_9, %get3A_14 : vector<2000x128xf32>
    %mul3A = vector.broadcast %rsqrt3A : vector<2000x1xf32> to vector<2000x128xf32>
    %mul3A_16 = arith.mulf %add3A_15, %mul3A : vector<2000x128xf32>
    %get3A_17 = arith.constant 0 : index
    %get3A_18 = arith.constant 0 : index
    %get3A_19 = vector.load %arg4[%get3A_17, %get3A_18] : memref<1x128xf32, #tpu.memory_space<vmem>>, vector<1x128xf32>
    %add3A_20 = vector.broadcast %get3A_19 : vector<1x128xf32> to vector<2000x128xf32>
    %add3A_21 = arith.addf %mul3A_16, %add3A_20 : vector<2000x128xf32>
    %swap3A = arith.constant 0 : index
    %swap3A_22 = arith.constant 0 : index
    %swap3A_23 = vector.load %arg5[%swap3A, %swap3A_22] : memref<2000x128xf32, #tpu.memory_space<vmem>>, vector<2000x128xf32>
    tpu.vector_store %arg5[%swap3A, %swap3A_22], %add3A_21 {strides = array<i32>} : memref<2000x128xf32, #tpu.memory_space<vmem>>, vector<2000x128xf32>,
    return
  }
  func.func @transform_0(%arg0: i32) -> (i32, i32, i32) {
    %c0_i32 = arith.constant 0 : i32
    %c0_i32_0 = arith.constant 0 : i32
    %c0_i32_1 = arith.constant 0 : i32
    return %c0_i32, %arg0, %c0_i32_0 : i32, i32, i32
  }
  func.func @transform_1(%arg0: i32) -> (i32, i32, i32) {
    %c1_i32 = arith.constant 1 : i32
    %c0_i32 = arith.constant 0 : i32
    %c0_i32_0 = arith.constant 0 : i32
    return %c1_i32, %arg0, %c0_i32 : i32, i32, i32
  }
  func.func @transform_2(%arg0: i32) -> (i32, i32) {
    %c0_i32 = arith.constant 0 : i32
    %c0_i32_0 = arith.constant 0 : i32
    return %arg0, %c0_i32 : i32, i32
  }
  func.func @transform_3(%arg0: i32) -> (i32, i32) {
    %c0_i32 = arith.constant 0 : i32
    %c0_i32_0 = arith.constant 0 : i32
    %c0_i32_1 = arith.constant 0 : i32
    return %c0_i32, %c0_i32_0 : i32, i32
  }
  func.func @transform_4(%arg0: i32) -> (i32, i32) {
    %c0_i32 = arith.constant 0 : i32
    %c0_i32_0 = arith.constant 0 : i32
    return %arg0, %c0_i32 : i32, i32
  }
}

</mosaic_0001>

<sc_bundles>
// kernel: gcn_sc_aggregate.11.cloned.1.call-start
scs
__scs_entry_jumppad:
0x0: {  	(pc) =	sbr.rel $0x88, $3  }
0x1: {  	(tag) =	ssettag $0x0;
	lr =	simm.s32 $0x1  }
0x2: {  	[smem:$0x3F99] =	sst lr;
	_ =	strace $0xD0000000  }
0x3: {  	_ = 	snop  }
0x4: {  	_ = 	snop  }
0x5: {  	_ = 	snop  }
0x6: {  	_ = 	snop  }
0x7: {  	_ = 	snop  }
__scs_overlays_trampoline_lowered:
0x8: {  	[smem:$0x3FA8] =	sst s0  }
0x9: {  	[smem:$0x3FA9] =	sst s1  }
0xa: {  	[smem:$0x3FAA] =	sst s2  }
0xb: {  	[smem:$0x3FAB] =	sst s3  }
0xc: {  	[smem:$0x3FAC] =	sst s4  }
0xd: {  	[smem:$0x3FAD] =	sst s5  }
0xe: {  	[smem:$0x3FAE] =	sst s6  }
0xf: {  	[smem:$0x3FAF] =	sst s7  }
0x10: {  	[smem:$0x3FB0] =	sst s8  }
0x11: {  	[smem:$0x3FB1] =	sst s9;
	s0 =	simm.s32 @!p0 $0x0  }
0x12: {  	s1 =	sld [smem:$0x3F97];
	s0 =	simm.s32 @p0 $0x1  }
0x13: {  	[smem:$0x3FB2] =	sst s0;
	s0 =	simm.s32 @!p1 $0x0  }
0x14: {  	s2 =	sld [smem:$0x3F96];
	s0 =	simm.s32 @p1 $0x1  }
0x15: {  	[smem:$0x3FB3] =	sst s0;
	s0 =	simm.s32 @!p2 $0x0  }
0x16: {  	s3 =	sld [smem:$0x3FDB];
	s0 =	simm.s32 @p2 $0x1  }
0x17: {  	s4 =	simm.s32 $0x1BF5;
	[smem:$0x3FB5] =	sst s0  }
0x18: {  	s0 =	sld [smem:$0x3F98];
	_ =	swait.ge [sflag:s4], $0x0  }
0x19: {  	s7 =	sld [smem:$0x3F99]  }
0x1a: {  	s8 =	sadd.s32 $0xFFFFE003, lr  }
0x1b: {  	s9 =	sadd.s32 $0xFFFFFEF7, lr;
	s5 =	simm.s32 $0xFFFFFFFF;
	p2 =	slt.u32 s8, $0xFFFFF086  }
0x1c: {  	p1 =	slt.u32 s9, $0xF7A;
	s5 =	simm.s32 @!p2 $0x0  }
0x1d: {  	s5 =	simm.s32 @p1 $0x1;
	p0 =	seq.s32 s7, s2  }
0x1e: {  	s7 =	smul.u32 @!p0 $0xF7A, s2;
	p2 =	seq.s32 @!p0 s5, $0x0  }
0x1f: {  	s9 =	smul.u32 $0xF7A, s1;
	s8 =	simm.s32 @!p0 $0x1BF5;
	p2 =	por !p2, p0  }
0x20: {  	[sflag:s8] =	ssyncset.s32 @!p0 $0xFFFFF086;
	s6 =	sadd.s32 @!p0 s3, s7;
	s7 =	simm.s32 @!p0 $0x108  }
0x21: {  	s3 =	sadd.s32 s3, s9;
	s6 =	sadd.s32 @!p0 $0x88, s6;
	s7 =	simm.s32 @p2 $0x1082  }
0x22: {  	[simem:s7], [sflag:s8] =	dma.local @!p0 [hbm:s6], $0xF7A  }
0x23: {  	s9 =	sor.u32 $0xD0000000, s2;
	s6 =	simm.s32 $0x108;
	_ =	swait.ge @!p0 [sflag:s8], $0x0  }
0x24: {  	s3 =	sadd.s32 $0x88, s3;
	s6 =	simm.s32 @!p1 $0x1082;
	[sflag:s4] =	ssyncset.s32 $0xFFFFF086  }
0x25: {  	[simem:s6], [sflag:s4] =	dma.local [hbm:s3], $0xF7A  }
0x26: {  	[smem:$0x3F99] =	sst s1;
	(tag) =	ssettag s2;
	_ =	strace s9  }
0x27: {  	s1 =	sld [smem:$0x3FA9]  }
0x28: {  	s2 =	sld [smem:$0x3FAA]  }
0x29: {  	s4 =	sld [smem:$0x3FAC]  }
0x2a: {  	p0 =	seq.s32 s5, $0x0;
	s5 =	sld [smem:$0x3FAD]  }
0x2b: {  	s6 =	sld [smem:$0x3FAE]  }
0x2c: {  	s7 =	sld [smem:$0x3FAF]  }
0x2d: {  	s3 =	simm.s32 $0x108;
	s8 =	sld [smem:$0x3FB0]  }
0x2e: {  	s3 =	simm.s32 @!p0 $0x1082;
	s9 =	sld [smem:$0x3FB1]  }
0x2f: {  	lr =	sadd.s32 s0, s3;
	s0 =	sld [smem:$0x3FA8]  }
0x30: {  	s3 =	sld [smem:$0x3FAB]  }
0x31: {  	[smem:$0x3FB4] =	sst s10  }
0x32: {  	s10 =	sld [smem:$0x3FB2];
	_ =	sdelay $0x3  }
0x33: {  	p0 =	seq.s32 s10, $0x1;
	s10 =	sld [smem:$0x3FB4];
	_ =	sdelay $0x3  }
0x34: {  	[smem:$0x3FB4] =	sst s10  }
0x35: {  	s10 =	sld [smem:$0x3FB3];
	_ =	sdelay $0x3  }
0x36: {  	p1 =	seq.s32 s10, $0x1;
	s10 =	sld [smem:$0x3FB4];
	_ =	sdelay $0x3  }
0x37: {  	[smem:$0x3FB4] =	sst s10  }
0x38: {  	s10 =	sld [smem:$0x3FB5]  }
0x39: {  	_ = 	snop;
	(pc) =	sbr.ind lr, $3  }
0x3a: {  	_ = 	snop  }
0x3b: {  	_ = 	snop  }
0x3c: {  	p2 =	seq.s32 s10, $0x1;
	s10 =	sld [smem:$0x3FB4]  }
0x3d: {  	_ =	shalt  }
0x3e: {  	_ =	shalt  }
0x3f: {  	_ =	shalt  }
0x40: {  	_ =	shalt  }
0x41: {  	_ =	shalt  }
0x42: {  	_ =	shalt  }
0x43: {  	_ =	shalt  }
0x44: {  	_ =	shalt  }
0x45: {  	_ =	shalt  }
0x46: {  	_ =	shalt  }
0x47: {  	_ =	shalt  }
0x48: {  	_ =	shalt  }
0x49: {  	_ =	shalt  }
0x4a: {  	_ =	shalt  }
0x4b: {  	_ =	shalt  }
0x4c: {  	_ =	shalt  }
0x4d: {  	_ =	shalt  }
0x4e: {  	_ =	shalt  }
0x4f: {  	_ =	shalt  }
0x50: {  	_ =	shalt  }
0x51: {  	_ =	shalt  }
0x52: {  	_ =	shalt  }
0x53: {  	_ =	shalt  }
0x54: {  	_ =	shalt  }
0x55: {  	_ =	shalt  }
0x56: {  	_ =	shalt  }
0x57: {  	_ =	shalt  }
0x58: {  	_ =	shalt  }
0x59: {  	_ =	shalt  }
0x5a: {  	_ =	shalt  }
0x5b: {  	_ =	shalt  }
0x5c: {  	_ =	shalt  }
0x5d: {  	_ =	shalt  }
0x5e: {  	_ =	shalt  }
0x5f: {  	_ =	shalt  }
0x60: {  	_ =	shalt  }
0x61: {  	_ =	shalt  }
0x62: {  	_ =	shalt  }
0x63: {  	_ =	shalt  }
0x64: {  	_ =	shalt  }
0x65: {  	_ =	shalt  }
0x66: {  	_ =	shalt  }
0x67: {  	_ =	shalt  }
0x68: {  	_ =	shalt  }
0x69: {  	_ =	shalt  }
0x6a: {  	_ =	shalt  }
0x6b: {  	_ =	shalt  }
0x6c: {  	_ =	shalt  }
0x6d: {  	_ =	shalt  }
0x6e: {  	_ =	shalt  }
0x6f: {  	_ =	shalt  }
0x70: {  	_ =	shalt  }
0x71: {  	_ =	shalt  }
0x72: {  	_ =	shalt  }
0x73: {  	_ =	shalt  }
0x74: {  	_ =	shalt  }
0x75: {  	_ =	shalt  }
0x76: {  	_ =	shalt  }
0x77: {  	_ =	shalt  }
0x78: {  	_ =	shalt  }
0x79: {  	_ =	shalt  }
0x7a: {  	_ =	shalt  }
0x7b: {  	_ =	shalt  }
0x7c: {  	_ =	shalt  }
0x7d: {  	_ =	shalt  }
0x7e: {  	_ =	shalt  }
0x7f: {  	_ =	shalt  }
0x80: {  	_ =	shalt  }
0x81: {  	_ =	shalt  }
0x82: {  	_ =	shalt  }
0x83: {  	_ =	shalt  }
0x84: {  	_ =	shalt  }
0x85: {  	_ =	shalt  }
0x86: {  	_ =	shalt  }
0x87: {  	_ =	shalt  }
.Lfunc_end0:
.L_simem_size_0:
called_computation.3_lowered:
.L_overlay_start_0:
0x88: {  	s2 =	sld [smem:$0x3FD9]  }
0x89: {  	s3 =	sld [smem:$0x3FFE];
	_ =	sdelay $0x1  }
0x8a: {  	s1 =	srdreg.scid  }
0x8b: {  	s0 =	sand.u32 $0x1, s1  }
0x8c: {  	s17 =	sshll.u32 s0, $0xA;
	s2 =	sadd.s32 s3, s2  }
0x8d: {  	s2 =	sadd.s32 s2, s17  }
0x8e: {  	[smem:$0x3FC0] =	sst s2  }
0x8f: {  	_ = 	snop  }
0x90: {  	s2 =	sld [smem:$0x3FD0];
	(tm) =	ssettm $0x1  }
0x91: {  	s18 =	sld [smem:$0x3FFB];
	_ =	sdelay $0x3  }
0x92: {  	_ =	strace s18  }
0x93: {  	s3 =	sld [smem:$0x3FFC];
	_ =	sdelay $0x3  }
0x94: {  	_ =	strace s3  }
0x95: {  	s3 =	sld [smem:$0x3FFD];
	_ =	sdelay $0x3  }
0x96: {  	_ =	strace s3  }
0x97: {  	_ =	strace $0x8FFFFFFF  }
0x98: {  	s19 =	sld [smem:$0x3FDB];
	_ =	sdelay $0x1  }
0x99: {  	s4 =	simm.s32 $_scs_section_size  }
0x9a: {  	s5 =	simm.s32 $_size__tile_overlayer_lowered;
	s6 =	simm.s32 $_tile_overlayer_lowered  }
0x9b: {  	s22 =	simm.s32 $0x1BFF;
	s21 =	sshll.u32 s6, $0x1;
	s3 =	sadd.s32 s4, s19  }
0x9c: {  	s7 =	simm.s32 $0x0;
	s20 =	sshll.u32 s5, $0x1;
	s5 =	sadd.s32 s21, s3  }
0x9d: {  	[timem:s7], [sflag:s22] =	dma.local [hbm:s5], s20  }
0x9e: {  	_ =	swait.ge [sflag:s22], s20  }
0x9f: {  	s4 =	ssub.s32 $0x0, s20;
	[sflag:s22] =	ssyncset.done $0x0  }
0xa0: {  	[sflag:s22] =	ssyncadd.s32 s4;
	_ =	sdelay $0x1  }
0xa1: {  	s23 =	simm.s32 $0x1B8B  }
0xa2: {  	_ =	swait.ge [sflag:s23], $0x1  }
0xa3: {  	[sflag:s23] =	ssyncset.done $0x0  }
0xa4: {  	s25 =	simm.s32 $0x1B8E;
	s24 =	sld [smem:$0x3FFE];
	[sflag:s23] =	ssyncadd.s32 $0xFFFFFFFF  }
0xa5: {  	s26 =	simm.s32 $execute0_lowered;
	[smem:$0x3FD2] =	sst s25  }
0xa6: {  	s5 =	sshll.u32 s26, $0x1;
	_ =	strace $0x8000004F;
	[dreg:$0x1] =	wrdreg $0xFFFFFFFF  }
0xa7: {  	s28 =	simm.s32 $_size_execute0_lowered;
	s3 =	sadd.s32 s3, s5;
	[dreg:$0x0] =	wrdreg $0x0  }
0xa8: {  	s5 =	sshll.u32 s28, $0x1;
	[dreg:$0x2] =	wrdreg s3  }
0xa9: {  	[dreg:$0x3] =	wrdreg s5  }
0xaa: {  	[dreg:$0x4] =	wrdreg $0xC0  }
0xab: {  	_ =	task [dreg:s7], $0x5FFFF  }
0xac: {  	[dreg:$0x1] =	wrdreg $0xFFFFFFFF  }
0xad: {  	[dreg:$0x0] =	wrdreg $0x60  }
0xae: {  	[dreg:$0x2] =	wrdreg s24  }
0xaf: {  	[dreg:$0x3] =	wrdreg s2  }
0xb0: {  	[dreg:$0x4] =	wrdreg $0xA9000  }
0xb1: {  	[dreg:$0x5] =	wrdreg $0x9  }
0xb2: {  	_ =	task.clear_ibuf [dreg:s7], $0x6FFFF;
	_ =	strace $0x9000004F  }
0xb3: {  	s29 =	simm.s32 $0x9;
	_ =	strace $0x80000051  }
0xb4: {  	_ =	swait.ge [sflag:s29], $0x1  }
0xb5: {  	[sflag:s29] =	ssyncadd.s32 $0xFFFFFFFF  }
0xb6: {  	_ =	strace $0x90000051  }
0xb7: {  	_ =	sfence  }
0xb8: {  	s30 =	sld [smem:$0x0];
	_ =	sdelay $0x2  }
0xb9: {  	s31 =	sshll.u32 s1, $0xD;
	s1 =	sshrl.u32 s1, $0x2  }
0xba: {  	s3 =	sand.u32 $0x4000, s31;
	s1 =	sadd.s32 s1, s30  }
0xbb: {  	s0 =	sor.u32 s3, s0;
	s1 =	sshll.u32 s1, $0x11  }
0xbc: {  	s0 =	sor.u32 s1, s0  }
0xbd: {  	s0 =	sadd.s32 $0x8F2B, s0  }
0xbe: {  	[sflag:s0] =	ssyncadd.remote.s32 $0x1  }
0xbf: {  	_ =	sfence.sel $0xFFFF  }
0xc0: {  	[dreg:$0x0] =	wrdreg $0xFFFFFFFF;
	(pc) =	sbr.abs _section_cstart, $3  }
0xc1: {  	[dreg:$0x1] =	wrdreg $0xFFFFFFFF  }
0xc2: {  	_ =	task.clear_ibuf [dreg:s7], $0x2FFFF;
	_ =	strace $0x9FFFFFFF  }
0xc3: {  	(tm) =	ssettm $0x7FFFFFFF  }
tec
execute0_lowered:
.L_overlay_start_1:
0x0: {  	(tag) =	ssettag $0x1  }
0x1: {  	s5 =	rddreg [dreg:$0x0]  }
0x2: {  	s6 =	rddreg [dreg:$0x1]  }
0x3: {  	s1 =	rddreg [dreg:$0x2];
	s2 =	simm.s32 $0x0  }
0x4: {  	s3 =	srdreg.scid;
	s16 =	simm.s32 $0x2900;
	s17 =	simm.s32 $0x2880  }
0x5: {  	s18 =	simm.s32 $0x6900;
	s21 =	simm.s32 $0x1;
	s8 =	sand.u32 $0x1, s3  }
0x6: {  	s28 =	simm.s32 $0x0;
	s3 =	stileid.u32;
	s7 =	smul.u32 $0x140000, s8  }
0x7: {  	[smem:$0x7FF] =	sst s2;
	s4 =	sadd.s32 $0xCA00, s5;
	s9 =	smul.u32 $0x14000, s3  }
0x8: {  	s11 =	sadd.s32 $0x34A00, s5;
	s12 =	sadd.s32 $0x2A00, s5;
	s23 =	smul.u32 $0x50000, s3  }
0x9: {  	_ =	strace $0x80000050;
	s10 =	sshll.u32 s8, $0x4;
	s25 =	smul.u32 $0x2800, s3  }
0xa: {  	s22 =	ssub.s32 $0x2, s8;
	s29 =	smul.u32 $0x28000, s8;
	p0 =	seq.s32 s8, $0x0  }
0xb: {  	s19 =	sshll.u32 s3, $0x6;
	s10 =	sor.u32 s3, s10;
	s14 =	sshrl.u32 s22, $0x1  }
0xc: {  	s11 =	smov.u32 @p0 s4;
	s19 =	sor.u32 $0x1C07, s19;
	s13 =	smul.u32 $0x500, s10  }
0xd: {  	s7 =	sadd.s32 s9, s7;
	s10 =	smul.u32 $0x2800, s10;
	s9 =	ssub.s32 s22, s14  }
0xe: {  	s26 =	sshrl.u32 s23, $0x2;
	s30 =	sadd.s32 s25, s29;
	s22 =	simm.s32 $0x5  }
0xf: {  	s23 =	simm.s32 $0x2;
	s7 =	sshrl.u32 s7, $0x3;
	s20 =	sadd.s32 s26, s1  }
0x10: {  	s9 =	smax.u32 s9, $0x1;
	s14 =	sor.u32 $0x180, s30;
	s26 =	simm.s32 $0x4  }
0x11: {  	s15 =	sadd.s32 s7, s5;
	s5 =	sadd.s32 s6, s13;
	s24 =	sshrl.u32 s10, $0x3  }
0x12: {  	s13 =	sor.u32 $0x100, s30;
	s10 =	sadd.s32 s11, s25;
	s31 =	sshrl.u32 s14, $0x3  }
0x13: {  	s14 =	simm.s32 $0x2800;
	s20 =	sshrl.u32 s20, $0x3;
	s25 =	simm.s32 $0x3  }
0x14: {  	s6 =	sadd.s32 s12, s24;
	s8 =	sadd.s32 $0x5CA00, s15;
	s13 =	sshrl.u32 s13, $0x3  }
0x15: {  	s11 =	sadd.s32 s31, s12;
	s15 =	simm.s32 $0x80;
	s24 =	simm.s32 $0x6  }
0x16: {  	s7 =	sadd.s32 $0x10, s6;
	s12 =	sadd.s32 s13, s12;
	s13 =	simm.s32 $0x7  }
.LBB2_1:
0x17: {  	[tilespmem:s2], [sflag:$0x7] =	stream.linear.gather [hbm4b:s5+s2], $0x2800, $0x38;
	[tilespmem:$0x1E900] =	vst v63  }
0x18: {  	_ =	swait.ge [sflag:s13], $0x2800  }
0x19: {  	[sflag:s13] =	ssyncset.done $0x0  }
0x1a: {  	[sflag:s13] =	ssyncadd.s32 $0xFFFFD800  }
0x1b: {  	[tilespmem:s14], [sflag:$0x5] =	stream.linear.gather [hbm4b:s6+s2], $0x80, $0x38;
	[tilespmem:$0x1E900] =	vst v63  }
0x1c: {  	_ = 	snop  }
0x1d: {  	[tilespmem:s16], [sflag:$0x1] =	stream.indirect.gather [hbm4b:s4+s15], $0x80, s2, s15, $0xb8;
	[tilespmem:$0x1E900] =	vst v63  }
0x1e: {  	_ = 	snop  }
0x1f: {  	[tilespmem:s17], [sflag:$0x6] =	stream.linear.gather [hbm4b:s7+s2], $0x80, $0x38;
	[tilespmem:$0x1E900] =	vst v63  }
0x20: {  	_ = 	snop  }
0x21: {  	[tilespmem:s18], [sflag:$0x2] =	stream.indirect.gather [hbm4b:s4+s15], $0x80, s15, s15, $0xb8;
	[tilespmem:$0x1E900] =	vst v63  }
0x22: {  	[spmem:s20], [sflag:s19] =	dma.local [hbm:s10], $0x2800  }
0x23: {  	_ =	swait.ge [sflag:s13], $0x2800  }
0x24: {  	[sflag:s13] =	ssyncset.done $0x0  }
0x25: {  	[sflag:s13] =	ssyncadd.s32 $0xFFFFD800  }
0x26: {  	[bflag:$0x0] =	sbarrier.arrive $0xFFFF  }
0x27: {  	_ =	swait.ge [sflag:s21], $0x4000  }
0x28: {  	[sflag:s21] =	ssyncset.done $0x0  }
0x29: {  	[sflag:s21] =	ssyncadd.s32 $0xFFFFC000  }
0x2a: {  	_ =	swait.ge [sflag:s22], $0x80  }
0x2b: {  	[sflag:s22] =	ssyncset.done $0x0  }
0x2c: {  	[sflag:s22] =	ssyncadd.s32 $0xFFFFFF80  }
0x2d: {  	[spmem:s1] =	stream.indirect.scatter.add.f32 [tilespmem:s16], [sflag:$0x3], $0x80, s14, s15, $0xb8;
	[tilespmem:$0x1E900] =	vst v63  }
0x2e: {  	_ =	swait.ge [sflag:s23], $0x4000  }
0x2f: {  	[sflag:s23] =	ssyncset.done $0x0  }
0x30: {  	[sflag:s23] =	ssyncadd.s32 $0xFFFFC000  }
0x31: {  	_ =	swait.ge [sflag:s24], $0x80  }
0x32: {  	[sflag:s24] =	ssyncset.done $0x0  }
0x33: {  	[sflag:s24] =	ssyncadd.s32 $0xFFFFFF80  }
0x34: {  	[spmem:s1] =	stream.indirect.scatter.add.f32 [tilespmem:s18], [sflag:$0x4], $0x80, s17, s15, $0xb8;
	[tilespmem:$0x1E900] =	vst v63  }
0x35: {  	_ =	swait.ge [sflag:s25], $0x4000  }
0x36: {  	[sflag:s25] =	ssyncset.done $0x0  }
0x37: {  	s29 =	sadd.s32 $0x0, s12;
	[sflag:s25] =	ssyncadd.s32 $0xFFFFC000  }
0x38: {  	[tilespmem:s14], [sflag:$0x5] =	stream.linear.gather [hbm4b:s29+s2], $0x80, $0x38;
	[tilespmem:$0x1E900] =	vst v63  }
0x39: {  	s29 =	simm.s32 $0x100  }
0x3a: {  	[tilespmem:s16], [sflag:$0x1] =	stream.indirect.gather [hbm4b:s4+s15], $0x80, s29, s15, $0xb8;
	[tilespmem:$0x1E900] =	vst v63  }
0x3b: {  	_ =	swait.ge [sflag:s26], $0x4000  }
0x3c: {  	[sflag:s26] =	ssyncset.done $0x0  }
0x3d: {  	s29 =	sadd.s32 $0x0, s11;
	[sflag:s26] =	ssyncadd.s32 $0xFFFFC000  }
0x3e: {  	[tilespmem:s17], [sflag:$0x6] =	stream.linear.gather [hbm4b:s29+s2], $0x80, $0x38;
	[tilespmem:$0x1E900] =	vst v63  }
0x3f: {  	s31 =	simm.s32 $0x180;
	s30 =	simm.s32 $0x200;
	s29 =	simm.s32 $0x20  }
.LBB2_2:
0x40: {  	[tilespmem:s18], [sflag:$0x2] =	stream.indirect.gather [hbm4b:s4+s15], $0x80, s31, s15, $0xb8;
	[tilespmem:$0x1E900] =	vst v63  }
0x41: {  	s31 =	smov.u32 s29  }
0x42: {  	p0 =	sne.s32 s29, $0x4C0;
	s29 =	sadd.s32 $0x20, s29;
	_ =	swait.ge [sflag:s21], $0x4000  }
0x43: {  	[sflag:s21] =	ssyncset.done $0x0  }
0x44: {  	[sflag:s21] =	ssyncadd.s32 $0xFFFFC000  }
0x45: {  	_ =	swait.ge [sflag:s22], $0x80  }
0x46: {  	[sflag:s22] =	ssyncset.done $0x0  }
0x47: {  	[sflag:s22] =	ssyncadd.s32 $0xFFFFFF80  }
0x48: {  	[spmem:s1] =	stream.indirect.scatter.add.f32 [tilespmem:s16], [sflag:$0x3], $0x80, s14, s15, $0xb8;
	[tilespmem:$0x1E900] =	vst v63  }
0x49: {  	_ =	swait.ge [sflag:s23], $0x4000  }
0x4a: {  	[sflag:s23] =	ssyncset.done $0x0  }
0x4b: {  	[sflag:s23] =	ssyncadd.s32 $0xFFFFC000  }
0x4c: {  	_ =	swait.ge [sflag:s24], $0x80  }
0x4d: {  	[sflag:s24] =	ssyncset.done $0x0  }
0x4e: {  	[sflag:s24] =	ssyncadd.s32 $0xFFFFFF80  }
0x4f: {  	[spmem:s1] =	stream.indirect.scatter.add.f32 [tilespmem:s18], [sflag:$0x4], $0x80, s17, s15, $0xb8;
	[tilespmem:$0x1E900] =	vst v63  }
0x50: {  	_ =	swait.ge [sflag:s25], $0x4000  }
0x51: {  	[sflag:s25] =	ssyncset.done $0x0  }
0x52: {  	s0 =	sadd.s32 s31, s12;
	[sflag:s25] =	ssyncadd.s32 $0xFFFFC000  }
0x53: {  	[tilespmem:s14], [sflag:$0x5] =	stream.linear.gather [hbm4b:s0+s2], $0x80, $0x38;
	[tilespmem:$0x1E900] =	vst v63  }
0x54: {  	_ = 	snop  }
0x55: {  	[tilespmem:s16], [sflag:$0x1] =	stream.indirect.gather [hbm4b:s4+s15], $0x80, s30, s15, $0xb8;
	[tilespmem:$0x1E900] =	vst v63  }
.Ltmp0:
0x56: {  	_ =	swait.ge [sflag:s26], $0x4000;
	(pc) =	sbr.rel @p0 .LBB2_2-.Ltmp0, $4  }
0x57: {  	[sflag:s26] =	ssyncset.done $0x0  }
0x58: {  	s0 =	sadd.s32 s31, s11;
	[sflag:s26] =	ssyncadd.s32 $0xFFFFC000  }
0x59: {  	[tilespmem:s17], [sflag:$0x6] =	stream.linear.gather [hbm4b:s0+s2], $0x80, $0x38;
	[tilespmem:$0x1E900] =	vst v63  }
0x5a: {  	s31 =	sadd.s32 $0x80, s30;
	s30 =	sadd.s32 $0x100, s30  }
0x5b: {  	[tilespmem:s18], [sflag:$0x2] =	stream.indirect.gather [hbm4b:s4+s15], $0x80, s31, s15, $0xb8;
	[tilespmem:$0x1E900] =	vst v63  }
0x5c: {  	_ =	swait.ge [sflag:s21], $0x4000  }
0x5d: {  	[sflag:s21] =	ssyncset.done $0x0  }
0x5e: {  	[sflag:s21] =	ssyncadd.s32 $0xFFFFC000  }
0x5f: {  	_ =	swait.ge [sflag:s22], $0x80  }
0x60: {  	[sflag:s22] =	ssyncset.done $0x0  }
0x61: {  	[sflag:s22] =	ssyncadd.s32 $0xFFFFFF80  }
0x62: {  	[spmem:s1] =	stream.indirect.scatter.add.f32 [tilespmem:s16], [sflag:$0x7], $0x80, s14, s15, $0xb8;
	[tilespmem:$0x1E900] =	vst v63  }
0x63: {  	_ =	swait.ge [sflag:s13], $0x4000  }
0x64: {  	[sflag:s13] =	ssyncset.done $0x0  }
0x65: {  	[sflag:s13] =	ssyncadd.s32 $0xFFFFC000  }
0x66: {  	_ =	swait.ge [sflag:s23], $0x4000  }
0x67: {  	[sflag:s23] =	ssyncset.done $0x0  }
0x68: {  	[sflag:s23] =	ssyncadd.s32 $0xFFFFC000  }
0x69: {  	_ =	swait.ge [sflag:s24], $0x80  }
0x6a: {  	[sflag:s24] =	ssyncset.done $0x0  }
0x6b: {  	[sflag:s24] =	ssyncadd.s32 $0xFFFFFF80  }
0x6c: {  	[spmem:s1] =	stream.indirect.scatter.add.f32 [tilespmem:s18], [sflag:$0x7], $0x80, s17, s15, $0xb8;
	[tilespmem:$0x1E900] =	vst v63  }
0x6d: {  	_ =	swait.ge [sflag:s13], $0x4000  }
0x6e: {  	s28 =	sadd.s32 $0x1, s28;
	[sflag:s13] =	ssyncset.done $0x0  }
0x6f: {  	p0 =	sne.s32 s28, s9;
	[sflag:s13] =	ssyncadd.s32 $0xFFFFC000  }
.Ltmp1:
0x70: {  	[bflag:$0x0] =	sbarrier.arrive $0xFFFF;
	(pc) =	sbr.rel @p0 .LBB2_1-.Ltmp1, $4  }
0x71: {  	[hbm:s8], [sflag:s19] =	dma.local [spmem:s20], $0x2800  }
0x72: {  	_ =	swait.ge [sflag:s13], $0x2800  }
0x73: {  	[sflag:s13] =	ssyncset.done $0x0  }
0x74: {  	[sflag:s13] =	ssyncadd.s32 $0xFFFFD800  }
0x75: {  	_ =	sfence.sel $0x180000  }
0x76: {  	[bflag:$0x0] =	sbarrier.arrive $0xFFFF  }
0x77: {  	_ =	strace $0x90000050  }
0x78: {  	[bflag:$0x2] =	sbarrier.arrive $0xFFFF  }
0x79: {  	p0 =	sne.s32 s3, $0x0;
	s0 =	rddreg [dreg:$0x3]  }
0x7a: {  	s0 =	sadd.s32 @!p0 $0x100000, s0  }
0x7b: {  	[sflag:s0] =	ssyncadd.tile.s32 @!p0 $0x1;
	_ =	shalt  }
.Lfunc_end2:
_tile_overlayer_lowered:
.L_overlay_start_2:
0x7c: {  	(tag) =	ssettag $0x2  }
0x7d: {  	s0 =	rddreg [dreg:$0x0];
	s2 =	stileid.u32  }
0x7e: {  	s1 =	rddreg [dreg:$0x1];
	p0 =	sne.s32 s2, $0x0  }
0x7f: {  	s3 =	rddreg [dreg:$0x2];
	[bflag:$0x3] =	sbarrier.arrive $0xFFFF;
	s2 =	simm.s32 @!p0 $0x1C07  }
0x80: {  	[timem:s3], [sflag:s2] =	dma.local @!p0 [hbm:s0], s1  }
0x81: {  	s0 =	simm.s32 @!p0 $0x7  }
0x82: {  	_ =	swait.ge @!p0 [sflag:s0], s1  }
0x83: {  	s1 =	ssub.s32 @!p0 $0x0, s1;
	[sflag:s0] =	ssyncset.done @!p0 $0x0  }
0x84: {  	[sflag:s0] =	ssyncadd.s32 @!p0 s1  }
0x85: {  	[bflag:$0x3] =	sbarrier.arrive $0xFFFF  }
0x86: {  	_ =	shalt  }

// kernel: gcn_sc_aggregate.5.cloned.1.call-start
scs
__scs_entry_jumppad:
0x0: {  	(pc) =	sbr.rel $0x88, $3  }
0x1: {  	(tag) =	ssettag $0x0;
	lr =	simm.s32 $0x1  }
0x2: {  	[smem:$0x3F99] =	sst lr;
	_ =	strace $0xD0000000  }
0x3: {  	_ = 	snop  }
0x4: {  	_ = 	snop  }
0x5: {  	_ = 	snop  }
0x6: {  	_ = 	snop  }
0x7: {  	_ = 	snop  }
__scs_overlays_trampoline_lowered:
0x8: {  	[smem:$0x3FA8] =	sst s0  }
0x9: {  	[smem:$0x3FA9] =	sst s1  }
0xa: {  	[smem:$0x3FAA] =	sst s2  }
0xb: {  	[smem:$0x3FAB] =	sst s3  }
0xc: {  	[smem:$0x3FAC] =	sst s4  }
0xd: {  	[smem:$0x3FAD] =	sst s5  }
0xe: {  	[smem:$0x3FAE] =	sst s6  }
0xf: {  	[smem:$0x3FAF] =	sst s7  }
0x10: {  	[smem:$0x3FB0] =	sst s8  }
0x11: {  	[smem:$0x3FB1] =	sst s9;
	s0 =	simm.s32 @!p0 $0x0  }
0x12: {  	s1 =	sld [smem:$0x3F97];
	s0 =	simm.s32 @p0 $0x1  }
0x13: {  	[smem:$0x3FB2] =	sst s0;
	s0 =	simm.s32 @!p1 $0x0  }
0x14: {  	s2 =	sld [smem:$0x3F96];
	s0 =	simm.s32 @p1 $0x1  }
0x15: {  	[smem:$0x3FB3] =	sst s0;
	s0 =	simm.s32 @!p2 $0x0  }
0x16: {  	s3 =	sld [smem:$0x3FDB];
	s0 =	simm.s32 @p2 $0x1  }
0x17: {  	s4 =	simm.s32 $0x1BF5;
	[smem:$0x3FB5] =	sst s0  }
0x18: {  	s0 =	sld [smem:$0x3F98];
	_ =	swait.ge [sflag:s4], $0x0  }
0x19: {  	s7 =	sld [smem:$0x3F99]  }
0x1a: {  	s8 =	sadd.s32 $0xFFFFE003, lr  }
0x1b: {  	s9 =	sadd.s32 $0xFFFFFEF7, lr;
	s5 =	simm.s32 $0xFFFFFFFF;
	p2 =	slt.u32 s8, $0xFFFFF086  }
0x1c: {  	p1 =	slt.u32 s9, $0xF7A;
	s5 =	simm.s32 @!p2 $0x0  }
0x1d: {  	s5 =	simm.s32 @p1 $0x1;
	p0 =	seq.s32 s7, s2  }
0x1e: {  	s7 =	smul.u32 @!p0 $0xF7A, s2;
	p2 =	seq.s32 @!p0 s5, $0x0  }
0x1f: {  	s9 =	smul.u32 $0xF7A, s1;
	s8 =	simm.s32 @!p0 $0x1BF5;
	p2 =	por !p2, p0  }
0x20: {  	[sflag:s8] =	ssyncset.s32 @!p0 $0xFFFFF086;
	s6 =	sadd.s32 @!p0 s3, s7;
	s7 =	simm.s32 @!p0 $0x108  }
0x21: {  	s3 =	sadd.s32 s3, s9;
	s6 =	sadd.s32 @!p0 $0x88, s6;
	s7 =	simm.s32 @p2 $0x1082  }
0x22: {  	[simem:s7], [sflag:s8] =	dma.local @!p0 [hbm:s6], $0xF7A  }
0x23: {  	s9 =	sor.u32 $0xD0000000, s2;
	s6 =	simm.s32 $0x108;
	_ =	swait.ge @!p0 [sflag:s8], $0x0  }
0x24: {  	s3 =	sadd.s32 $0x88, s3;
	s6 =	simm.s32 @!p1 $0x1082;
	[sflag:s4] =	ssyncset.s32 $0xFFFFF086  }
0x25: {  	[simem:s6], [sflag:s4] =	dma.local [hbm:s3], $0xF7A  }
0x26: {  	[smem:$0x3F99] =	sst s1;
	(tag) =	ssettag s2;
	_ =	strace s9  }
0x27: {  	s1 =	sld [smem:$0x3FA9]  }
0x28: {  	s2 =	sld [smem:$0x3FAA]  }
0x29: {  	s4 =	sld [smem:$0x3FAC]  }
0x2a: {  	p0 =	seq.s32 s5, $0x0;
	s5 =	sld [smem:$0x3FAD]  }
0x2b: {  	s6 =	sld [smem:$0x3FAE]  }
0x2c: {  	s7 =	sld [smem:$0x3FAF]  }
0x2d: {  	s3 =	simm.s32 $0x108;
	s8 =	sld [smem:$0x3FB0]  }
0x2e: {  	s3 =	simm.s32 @!p0 $0x1082;
	s9 =	sld [smem:$0x3FB1]  }
0x2f: {  	lr =	sadd.s32 s0, s3;
	s0 =	sld [smem:$0x3FA8]  }
0x30: {  	s3 =	sld [smem:$0x3FAB]  }
0x31: {  	[smem:$0x3FB4] =	sst s10  }
0x32: {  	s10 =	sld [smem:$0x3FB2];
	_ =	sdelay $0x3  }
0x33: {  	p0 =	seq.s32 s10, $0x1;
	s10 =	sld [smem:$0x3FB4];
	_ =	sdelay $0x3  }
0x34: {  	[smem:$0x3FB4] =	sst s10  }
0x35: {  	s10 =	sld [smem:$0x3FB3];
	_ =	sdelay $0x3  }
0x36: {  	p1 =	seq.s32 s10, $0x1;
	s10 =	sld [smem:$0x3FB4];
	_ =	sdelay $0x3  }
0x37: {  	[smem:$0x3FB4] =	sst s10  }
0x38: {  	s10 =	sld [smem:$0x3FB5]  }
0x39: {  	_ = 	snop;
	(pc) =	sbr.ind lr, $3  }
0x3a: {  	_ = 	snop  }
0x3b: {  	_ = 	snop  }
0x3c: {  	p2 =	seq.s32 s10, $0x1;
	s10 =	sld [smem:$0x3FB4]  }
0x3d: {  	_ =	shalt  }
0x3e: {  	_ =	shalt  }
0x3f: {  	_ =	shalt  }
0x40: {  	_ =	shalt  }
0x41: {  	_ =	shalt  }
0x42: {  	_ =	shalt  }
0x43: {  	_ =	shalt  }
0x44: {  	_ =	shalt  }
0x45: {  	_ =	shalt  }
0x46: {  	_ =	shalt  }
0x47: {  	_ =	shalt  }
0x48: {  	_ =	shalt  }
0x49: {  	_ =	shalt  }
0x4a: {  	_ =	shalt  }
0x4b: {  	_ =	shalt  }
0x4c: {  	_ =	shalt  }
0x4d: {  	_ =	shalt  }
0x4e: {  	_ =	shalt  }
0x4f: {  	_ =	shalt  }
0x50: {  	_ =	shalt  }
0x51: {  	_ =	shalt  }
0x52: {  	_ =	shalt  }
0x53: {  	_ =	shalt  }
0x54: {  	_ =	shalt  }
0x55: {  	_ =	shalt  }
0x56: {  	_ =	shalt  }
0x57: {  	_ =	shalt  }
0x58: {  	_ =	shalt  }
0x59: {  	_ =	shalt  }
0x5a: {  	_ =	shalt  }
0x5b: {  	_ =	shalt  }
0x5c: {  	_ =	shalt  }
0x5d: {  	_ =	shalt  }
0x5e: {  	_ =	shalt  }
0x5f: {  	_ =	shalt  }
0x60: {  	_ =	shalt  }
0x61: {  	_ =	shalt  }
0x62: {  	_ =	shalt  }
0x63: {  	_ =	shalt  }
0x64: {  	_ =	shalt  }
0x65: {  	_ =	shalt  }
0x66: {  	_ =	shalt  }
0x67: {  	_ =	shalt  }
0x68: {  	_ =	shalt  }
0x69: {  	_ =	shalt  }
0x6a: {  	_ =	shalt  }
0x6b: {  	_ =	shalt  }
0x6c: {  	_ =	shalt  }
0x6d: {  	_ =	shalt  }
0x6e: {  	_ =	shalt  }
0x6f: {  	_ =	shalt  }
0x70: {  	_ =	shalt  }
0x71: {  	_ =	shalt  }
0x72: {  	_ =	shalt  }
0x73: {  	_ =	shalt  }
0x74: {  	_ =	shalt  }
0x75: {  	_ =	shalt  }
0x76: {  	_ =	shalt  }
0x77: {  	_ =	shalt  }
0x78: {  	_ =	shalt  }
0x79: {  	_ =	shalt  }
0x7a: {  	_ =	shalt  }
0x7b: {  	_ =	shalt  }
0x7c: {  	_ =	shalt  }
0x7d: {  	_ =	shalt  }
0x7e: {  	_ =	shalt  }
0x7f: {  	_ =	shalt  }
0x80: {  	_ =	shalt  }
0x81: {  	_ =	shalt  }
0x82: {  	_ =	shalt  }
0x83: {  	_ =	shalt  }
0x84: {  	_ =	shalt  }
0x85: {  	_ =	shalt  }
0x86: {  	_ =	shalt  }
0x87: {  	_ =	shalt  }
.Lfunc_end0:
.L_simem_size_0:
called_computation.1_lowered:
.L_overlay_start_0:
0x88: {  	s2 =	sld [smem:$0x3FD9]  }
0x89: {  	s3 =	sld [smem:$0x3FFE];
	_ =	sdelay $0x1  }
0x8a: {  	s1 =	srdreg.scid  }
0x8b: {  	s0 =	sand.u32 $0x1, s1  }
0x8c: {  	s17 =	sshll.u32 s0, $0xA;
	s2 =	sadd.s32 s3, s2  }
0x8d: {  	s2 =	sadd.s32 s2, s17  }
0x8e: {  	[smem:$0x3FC0] =	sst s2  }
0x8f: {  	_ = 	snop  }
0x90: {  	s2 =	sld [smem:$0x3FD0];
	(tm) =	ssettm $0x1  }
0x91: {  	s18 =	sld [smem:$0x3FFB];
	_ =	sdelay $0x3  }
0x92: {  	_ =	strace s18  }
0x93: {  	s3 =	sld [smem:$0x3FFC];
	_ =	sdelay $0x3  }
0x94: {  	_ =	strace s3  }
0x95: {  	s3 =	sld [smem:$0x3FFD];
	_ =	sdelay $0x3  }
0x96: {  	_ =	strace s3  }
0x97: {  	_ =	strace $0x8FFFFFFF  }
0x98: {  	s19 =	sld [smem:$0x3FDB];
	_ =	sdelay $0x1  }
0x99: {  	s4 =	simm.s32 $_scs_section_size  }
0x9a: {  	s5 =	simm.s32 $_size__tile_overlayer_lowered;
	s6 =	simm.s32 $_tile_overlayer_lowered  }
0x9b: {  	s22 =	simm.s32 $0x1BFF;
	s21 =	sshll.u32 s6, $0x1;
	s3 =	sadd.s32 s4, s19  }
0x9c: {  	s7 =	simm.s32 $0x0;
	s20 =	sshll.u32 s5, $0x1;
	s5 =	sadd.s32 s21, s3  }
0x9d: {  	[timem:s7], [sflag:s22] =	dma.local [hbm:s5], s20  }
0x9e: {  	_ =	swait.ge [sflag:s22], s20  }
0x9f: {  	s4 =	ssub.s32 $0x0, s20;
	[sflag:s22] =	ssyncset.done $0x0  }
0xa0: {  	[sflag:s22] =	ssyncadd.s32 s4;
	_ =	sdelay $0x1  }
0xa1: {  	s23 =	simm.s32 $0x1B8B  }
0xa2: {  	_ =	swait.ge [sflag:s23], $0x1  }
0xa3: {  	[sflag:s23] =	ssyncset.done $0x0  }
0xa4: {  	s25 =	simm.s32 $0x1B8E;
	s24 =	sld [smem:$0x3FFE];
	[sflag:s23] =	ssyncadd.s32 $0xFFFFFFFF  }
0xa5: {  	s26 =	simm.s32 $execute0_lowered;
	[smem:$0x3FD2] =	sst s25  }
0xa6: {  	s5 =	sshll.u32 s26, $0x1;
	_ =	strace $0x80000049;
	[dreg:$0x1] =	wrdreg $0xFFFFFFFF  }
0xa7: {  	s28 =	simm.s32 $_size_execute0_lowered;
	s3 =	sadd.s32 s3, s5;
	[dreg:$0x0] =	wrdreg $0x0  }
0xa8: {  	s5 =	sshll.u32 s28, $0x1;
	[dreg:$0x2] =	wrdreg s3  }
0xa9: {  	[dreg:$0x3] =	wrdreg s5  }
0xaa: {  	[dreg:$0x4] =	wrdreg $0xC0  }
0xab: {  	_ =	task [dreg:s7], $0x5FFFF  }
0xac: {  	[dreg:$0x1] =	wrdreg $0xFFFFFFFF  }
0xad: {  	[dreg:$0x0] =	wrdreg $0x60  }
0xae: {  	[dreg:$0x2] =	wrdreg s24  }
0xaf: {  	[dreg:$0x3] =	wrdreg s2  }
0xb0: {  	[dreg:$0x4] =	wrdreg $0xA9000  }
0xb1: {  	[dreg:$0x5] =	wrdreg $0x9  }
0xb2: {  	_ =	task.clear_ibuf [dreg:s7], $0x6FFFF;
	_ =	strace $0x90000049  }
0xb3: {  	s29 =	simm.s32 $0x9;
	_ =	strace $0x8000004B  }
0xb4: {  	_ =	swait.ge [sflag:s29], $0x1  }
0xb5: {  	[sflag:s29] =	ssyncadd.s32 $0xFFFFFFFF  }
0xb6: {  	_ =	strace $0x9000004B  }
0xb7: {  	_ =	sfence  }
0xb8: {  	s30 =	sld [smem:$0x0];
	_ =	sdelay $0x2  }
0xb9: {  	s31 =	sshll.u32 s1, $0xD;
	s1 =	sshrl.u32 s1, $0x2  }
0xba: {  	s3 =	sand.u32 $0x4000, s31;
	s1 =	sadd.s32 s1, s30  }
0xbb: {  	s0 =	sor.u32 s3, s0;
	s1 =	sshll.u32 s1, $0x11  }
0xbc: {  	s0 =	sor.u32 s1, s0  }
0xbd: {  	s0 =	sadd.s32 $0x8F2B, s0  }
0xbe: {  	[sflag:s0] =	ssyncadd.remote.s32 $0x1  }
0xbf: {  	_ =	sfence.sel $0xFFFF  }
0xc0: {  	[dreg:$0x0] =	wrdreg $0xFFFFFFFF;
	(pc) =	sbr.abs _section_cstart, $3  }
0xc1: {  	[dreg:$0x1] =	wrdreg $0xFFFFFFFF  }
0xc2: {  	_ =	task.clear_ibuf [dreg:s7], $0x2FFFF;
	_ =	strace $0x9FFFFFFF  }
0xc3: {  	(tm) =	ssettm $0x7FFFFFFF  }
tec
execute0_lowered:
.L_overlay_start_1:
0x0: {  	(tag) =	ssettag $0x1  }
0x1: {  	s5 =	rddreg [dreg:$0x0]  }
0x2: {  	s6 =	rddreg [dreg:$0x1]  }
0x3: {  	s1 =	rddreg [dreg:$0x2];
	s2 =	simm.s32 $0x0  }
0x4: {  	s3 =	srdreg.scid;
	s16 =	simm.s32 $0x2900;
	s17 =	simm.s32 $0x2880  }
0x5: {  	s18 =	simm.s32 $0x6900;
	s21 =	simm.s32 $0x1;
	s8 =	sand.u32 $0x1, s3  }
0x6: {  	s28 =	simm.s32 $0x0;
	s3 =	stileid.u32;
	s7 =	smul.u32 $0x140000, s8  }
0x7: {  	[smem:$0x7FF] =	sst s2;
	s4 =	sadd.s32 $0xCA00, s5;
	s9 =	smul.u32 $0x14000, s3  }
0x8: {  	s11 =	sadd.s32 $0x34A00, s5;
	s12 =	sadd.s32 $0x2A00, s5;
	s23 =	smul.u32 $0x50000, s3  }
0x9: {  	_ =	strace $0x8000004A;
	s10 =	sshll.u32 s8, $0x4;
	s25 =	smul.u32 $0x2800, s3  }
0xa: {  	s22 =	ssub.s32 $0x2, s8;
	s29 =	smul.u32 $0x28000, s8;
	p0 =	seq.s32 s8, $0x0  }
0xb: {  	s19 =	sshll.u32 s3, $0x6;
	s10 =	sor.u32 s3, s10;
	s14 =	sshrl.u32 s22, $0x1  }
0xc: {  	s11 =	smov.u32 @p0 s4;
	s19 =	sor.u32 $0x1C07, s19;
	s13 =	smul.u32 $0x500, s10  }
0xd: {  	s7 =	sadd.s32 s9, s7;
	s10 =	smul.u32 $0x2800, s10;
	s9 =	ssub.s32 s22, s14  }
0xe: {  	s26 =	sshrl.u32 s23, $0x2;
	s30 =	sadd.s32 s25, s29;
	s22 =	simm.s32 $0x5  }
0xf: {  	s23 =	simm.s32 $0x2;
	s7 =	sshrl.u32 s7, $0x3;
	s20 =	sadd.s32 s26, s1  }
0x10: {  	s9 =	smax.u32 s9, $0x1;
	s14 =	sor.u32 $0x180, s30;
	s26 =	simm.s32 $0x4  }
0x11: {  	s15 =	sadd.s32 s7, s5;
	s5 =	sadd.s32 s6, s13;
	s24 =	sshrl.u32 s10, $0x3  }
0x12: {  	s13 =	sor.u32 $0x100, s30;
	s10 =	sadd.s32 s11, s25;
	s31 =	sshrl.u32 s14, $0x3  }
0x13: {  	s14 =	simm.s32 $0x2800;
	s20 =	sshrl.u32 s20, $0x3;
	s25 =	simm.s32 $0x3  }
0x14: {  	s6 =	sadd.s32 s12, s24;
	s8 =	sadd.s32 $0x5CA00, s15;
	s13 =	sshrl.u32 s13, $0x3  }
0x15: {  	s11 =	sadd.s32 s31, s12;
	s15 =	simm.s32 $0x80;
	s24 =	simm.s32 $0x6  }
0x16: {  	s7 =	sadd.s32 $0x10, s6;
	s12 =	sadd.s32 s13, s12;
	s13 =	simm.s32 $0x7  }
.LBB2_1:
0x17: {  	[tilespmem:s2], [sflag:$0x7] =	stream.linear.gather [hbm4b:s5+s2], $0x2800, $0x38;
	[tilespmem:$0x1E900] =	vst v63  }
0x18: {  	_ =	swait.ge [sflag:s13], $0x2800  }
0x19: {  	[sflag:s13] =	ssyncset.done $0x0  }
0x1a: {  	[sflag:s13] =	ssyncadd.s32 $0xFFFFD800  }
0x1b: {  	[tilespmem:s14], [sflag:$0x5] =	stream.linear.gather [hbm4b:s6+s2], $0x80, $0x38;
	[tilespmem:$0x1E900] =	vst v63  }
0x1c: {  	_ = 	snop  }
0x1d: {  	[tilespmem:s16], [sflag:$0x1] =	stream.indirect.gather [hbm4b:s4+s15], $0x80, s2, s15, $0xb8;
	[tilespmem:$0x1E900] =	vst v63  }
0x1e: {  	_ = 	snop  }
0x1f: {  	[tilespmem:s17], [sflag:$0x6] =	stream.linear.gather [hbm4b:s7+s2], $0x80, $0x38;
	[tilespmem:$0x1E900] =	vst v63  }
0x20: {  	_ = 	snop  }
0x21: {  	[tilespmem:s18], [sflag:$0x2] =	stream.indirect.gather [hbm4b:s4+s15], $0x80, s15, s15, $0xb8;
	[tilespmem:$0x1E900] =	vst v63  }
0x22: {  	[spmem:s20], [sflag:s19] =	dma.local [hbm:s10], $0x2800  }
0x23: {  	_ =	swait.ge [sflag:s13], $0x2800  }
0x24: {  	[sflag:s13] =	ssyncset.done $0x0  }
0x25: {  	[sflag:s13] =	ssyncadd.s32 $0xFFFFD800  }
0x26: {  	[bflag:$0x0] =	sbarrier.arrive $0xFFFF  }
0x27: {  	_ =	swait.ge [sflag:s21], $0x4000  }
0x28: {  	[sflag:s21] =	ssyncset.done $0x0  }
0x29: {  	[sflag:s21] =	ssyncadd.s32 $0xFFFFC000  }
0x2a: {  	_ =	swait.ge [sflag:s22], $0x80  }
0x2b: {  	[sflag:s22] =	ssyncset.done $0x0  }
0x2c: {  	[sflag:s22] =	ssyncadd.s32 $0xFFFFFF80  }
0x2d: {  	[spmem:s1] =	stream.indirect.scatter.add.f32 [tilespmem:s16], [sflag:$0x3], $0x80, s14, s15, $0xb8;
	[tilespmem:$0x1E900] =	vst v63  }
0x2e: {  	_ =	swait.ge [sflag:s23], $0x4000  }
0x2f: {  	[sflag:s23] =	ssyncset.done $0x0  }
0x30: {  	[sflag:s23] =	ssyncadd.s32 $0xFFFFC000  }
0x31: {  	_ =	swait.ge [sflag:s24], $0x80  }
0x32: {  	[sflag:s24] =	ssyncset.done $0x0  }
0x33: {  	[sflag:s24] =	ssyncadd.s32 $0xFFFFFF80  }
0x34: {  	[spmem:s1] =	stream.indirect.scatter.add.f32 [tilespmem:s18], [sflag:$0x4], $0x80, s17, s15, $0xb8;
	[tilespmem:$0x1E900] =	vst v63  }
0x35: {  	_ =	swait.ge [sflag:s25], $0x4000  }
0x36: {  	[sflag:s25] =	ssyncset.done $0x0  }
0x37: {  	s29 =	sadd.s32 $0x0, s12;
	[sflag:s25] =	ssyncadd.s32 $0xFFFFC000  }
0x38: {  	[tilespmem:s14], [sflag:$0x5] =	stream.linear.gather [hbm4b:s29+s2], $0x80, $0x38;
	[tilespmem:$0x1E900] =	vst v63  }
0x39: {  	s29 =	simm.s32 $0x100  }
0x3a: {  	[tilespmem:s16], [sflag:$0x1] =	stream.indirect.gather [hbm4b:s4+s15], $0x80, s29, s15, $0xb8;
	[tilespmem:$0x1E900] =	vst v63  }
0x3b: {  	_ =	swait.ge [sflag:s26], $0x4000  }
0x3c: {  	[sflag:s26] =	ssyncset.done $0x0  }
0x3d: {  	s29 =	sadd.s32 $0x0, s11;
	[sflag:s26] =	ssyncadd.s32 $0xFFFFC000  }
0x3e: {  	[tilespmem:s17], [sflag:$0x6] =	stream.linear.gather [hbm4b:s29+s2], $0x80, $0x38;
	[tilespmem:$0x1E900] =	vst v63  }
0x3f: {  	s31 =	simm.s32 $0x180;
	s30 =	simm.s32 $0x200;
	s29 =	simm.s32 $0x20  }
.LBB2_2:
0x40: {  	[tilespmem:s18], [sflag:$0x2] =	stream.indirect.gather [hbm4b:s4+s15], $0x80, s31, s15, $0xb8;
	[tilespmem:$0x1E900] =	vst v63  }
0x41: {  	s31 =	smov.u32 s29  }
0x42: {  	p0 =	sne.s32 s29, $0x4C0;
	s29 =	sadd.s32 $0x20, s29;
	_ =	swait.ge [sflag:s21], $0x4000  }
0x43: {  	[sflag:s21] =	ssyncset.done $0x0  }
0x44: {  	[sflag:s21] =	ssyncadd.s32 $0xFFFFC000  }
0x45: {  	_ =	swait.ge [sflag:s22], $0x80  }
0x46: {  	[sflag:s22] =	ssyncset.done $0x0  }
0x47: {  	[sflag:s22] =	ssyncadd.s32 $0xFFFFFF80  }
0x48: {  	[spmem:s1] =	stream.indirect.scatter.add.f32 [tilespmem:s16], [sflag:$0x3], $0x80, s14, s15, $0xb8;
	[tilespmem:$0x1E900] =	vst v63  }
0x49: {  	_ =	swait.ge [sflag:s23], $0x4000  }
0x4a: {  	[sflag:s23] =	ssyncset.done $0x0  }
0x4b: {  	[sflag:s23] =	ssyncadd.s32 $0xFFFFC000  }
0x4c: {  	_ =	swait.ge [sflag:s24], $0x80  }
0x4d: {  	[sflag:s24] =	ssyncset.done $0x0  }
0x4e: {  	[sflag:s24] =	ssyncadd.s32 $0xFFFFFF80  }
0x4f: {  	[spmem:s1] =	stream.indirect.scatter.add.f32 [tilespmem:s18], [sflag:$0x4], $0x80, s17, s15, $0xb8;
	[tilespmem:$0x1E900] =	vst v63  }
0x50: {  	_ =	swait.ge [sflag:s25], $0x4000  }
0x51: {  	[sflag:s25] =	ssyncset.done $0x0  }
0x52: {  	s0 =	sadd.s32 s31, s12;
	[sflag:s25] =	ssyncadd.s32 $0xFFFFC000  }
0x53: {  	[tilespmem:s14], [sflag:$0x5] =	stream.linear.gather [hbm4b:s0+s2], $0x80, $0x38;
	[tilespmem:$0x1E900] =	vst v63  }
0x54: {  	_ = 	snop  }
0x55: {  	[tilespmem:s16], [sflag:$0x1] =	stream.indirect.gather [hbm4b:s4+s15], $0x80, s30, s15, $0xb8;
	[tilespmem:$0x1E900] =	vst v63  }
.Ltmp0:
0x56: {  	_ =	swait.ge [sflag:s26], $0x4000;
	(pc) =	sbr.rel @p0 .LBB2_2-.Ltmp0, $4  }
0x57: {  	[sflag:s26] =	ssyncset.done $0x0  }
0x58: {  	s0 =	sadd.s32 s31, s11;
	[sflag:s26] =	ssyncadd.s32 $0xFFFFC000  }
0x59: {  	[tilespmem:s17], [sflag:$0x6] =	stream.linear.gather [hbm4b:s0+s2], $0x80, $0x38;
	[tilespmem:$0x1E900] =	vst v63  }
0x5a: {  	s31 =	sadd.s32 $0x80, s30;
	s30 =	sadd.s32 $0x100, s30  }
0x5b: {  	[tilespmem:s18], [sflag:$0x2] =	stream.indirect.gather [hbm4b:s4+s15], $0x80, s31, s15, $0xb8;
	[tilespmem:$0x1E900] =	vst v63  }
0x5c: {  	_ =	swait.ge [sflag:s21], $0x4000  }
0x5d: {  	[sflag:s21] =	ssyncset.done $0x0  }
0x5e: {  	[sflag:s21] =	ssyncadd.s32 $0xFFFFC000  }
0x5f: {  	_ =	swait.ge [sflag:s22], $0x80  }
0x60: {  	[sflag:s22] =	ssyncset.done $0x0  }
0x61: {  	[sflag:s22] =	ssyncadd.s32 $0xFFFFFF80  }
0x62: {  	[spmem:s1] =	stream.indirect.scatter.add.f32 [tilespmem:s16], [sflag:$0x7], $0x80, s14, s15, $0xb8;
	[tilespmem:$0x1E900] =	vst v63  }
0x63: {  	_ =	swait.ge [sflag:s13], $0x4000  }
0x64: {  	[sflag:s13] =	ssyncset.done $0x0  }
0x65: {  	[sflag:s13] =	ssyncadd.s32 $0xFFFFC000  }
0x66: {  	_ =	swait.ge [sflag:s23], $0x4000  }
0x67: {  	[sflag:s23] =	ssyncset.done $0x0  }
0x68: {  	[sflag:s23] =	ssyncadd.s32 $0xFFFFC000  }
0x69: {  	_ =	swait.ge [sflag:s24], $0x80  }
0x6a: {  	[sflag:s24] =	ssyncset.done $0x0  }
0x6b: {  	[sflag:s24] =	ssyncadd.s32 $0xFFFFFF80  }
0x6c: {  	[spmem:s1] =	stream.indirect.scatter.add.f32 [tilespmem:s18], [sflag:$0x7], $0x80, s17, s15, $0xb8;
	[tilespmem:$0x1E900] =	vst v63  }
0x6d: {  	_ =	swait.ge [sflag:s13], $0x4000  }
0x6e: {  	s28 =	sadd.s32 $0x1, s28;
	[sflag:s13] =	ssyncset.done $0x0  }
0x6f: {  	p0 =	sne.s32 s28, s9;
	[sflag:s13] =	ssyncadd.s32 $0xFFFFC000  }
.Ltmp1:
0x70: {  	[bflag:$0x0] =	sbarrier.arrive $0xFFFF;
	(pc) =	sbr.rel @p0 .LBB2_1-.Ltmp1, $4  }
0x71: {  	[hbm:s8], [sflag:s19] =	dma.local [spmem:s20], $0x2800  }
0x72: {  	_ =	swait.ge [sflag:s13], $0x2800  }
0x73: {  	[sflag:s13] =	ssyncset.done $0x0  }
0x74: {  	[sflag:s13] =	ssyncadd.s32 $0xFFFFD800  }
0x75: {  	_ =	sfence.sel $0x180000  }
0x76: {  	[bflag:$0x0] =	sbarrier.arrive $0xFFFF  }
0x77: {  	_ =	strace $0x9000004A  }
0x78: {  	[bflag:$0x2] =	sbarrier.arrive $0xFFFF  }
0x79: {  	p0 =	sne.s32 s3, $0x0;
	s0 =	rddreg [dreg:$0x3]  }
0x7a: {  	s0 =	sadd.s32 @!p0 $0x100000, s0  }
0x7b: {  	[sflag:s0] =	ssyncadd.tile.s32 @!p0 $0x1;
	_ =	shalt  }
.Lfunc_end2:
_tile_overlayer_lowered:
.L_overlay_start_2:
0x7c: {  	(tag) =	ssettag $0x2  }
0x7d: {  	s0 =	rddreg [dreg:$0x0];
	s2 =	stileid.u32  }
0x7e: {  	s1 =	rddreg [dreg:$0x1];
	p0 =	sne.s32 s2, $0x0  }
0x7f: {  	s3 =	rddreg [dreg:$0x2];
	[bflag:$0x3] =	sbarrier.arrive $0xFFFF;
	s2 =	simm.s32 @!p0 $0x1C07  }
0x80: {  	[timem:s3], [sflag:s2] =	dma.local @!p0 [hbm:s0], s1  }
0x81: {  	s0 =	simm.s32 @!p0 $0x7  }
0x82: {  	_ =	swait.ge @!p0 [sflag:s0], s1  }
0x83: {  	s1 =	ssub.s32 @!p0 $0x0, s1;
	[sflag:s0] =	ssyncset.done @!p0 $0x0  }
0x84: {  	[sflag:s0] =	ssyncadd.s32 @!p0 s1  }
0x85: {  	[bflag:$0x3] =	sbarrier.arrive $0xFFFF  }
0x86: {  	_ =	shalt  }

// kernel: gcn_sc_aggregate.8.cloned.1.call-start
scs
__scs_entry_jumppad:
0x0: {  	(pc) =	sbr.rel $0x88, $3  }
0x1: {  	(tag) =	ssettag $0x0;
	lr =	simm.s32 $0x1  }
0x2: {  	[smem:$0x3F99] =	sst lr;
	_ =	strace $0xD0000000  }
0x3: {  	_ = 	snop  }
0x4: {  	_ = 	snop  }
0x5: {  	_ = 	snop  }
0x6: {  	_ = 	snop  }
0x7: {  	_ = 	snop  }
__scs_overlays_trampoline_lowered:
0x8: {  	[smem:$0x3FA8] =	sst s0  }
0x9: {  	[smem:$0x3FA9] =	sst s1  }
0xa: {  	[smem:$0x3FAA] =	sst s2  }
0xb: {  	[smem:$0x3FAB] =	sst s3  }
0xc: {  	[smem:$0x3FAC] =	sst s4  }
0xd: {  	[smem:$0x3FAD] =	sst s5  }
0xe: {  	[smem:$0x3FAE] =	sst s6  }
0xf: {  	[smem:$0x3FAF] =	sst s7  }
0x10: {  	[smem:$0x3FB0] =	sst s8  }
0x11: {  	[smem:$0x3FB1] =	sst s9;
	s0 =	simm.s32 @!p0 $0x0  }
0x12: {  	s1 =	sld [smem:$0x3F97];
	s0 =	simm.s32 @p0 $0x1  }
0x13: {  	[smem:$0x3FB2] =	sst s0;
	s0 =	simm.s32 @!p1 $0x0  }
0x14: {  	s2 =	sld [smem:$0x3F96];
	s0 =	simm.s32 @p1 $0x1  }
0x15: {  	[smem:$0x3FB3] =	sst s0;
	s0 =	simm.s32 @!p2 $0x0  }
0x16: {  	s3 =	sld [smem:$0x3FDB];
	s0 =	simm.s32 @p2 $0x1  }
0x17: {  	s4 =	simm.s32 $0x1BF5;
	[smem:$0x3FB5] =	sst s0  }
0x18: {  	s0 =	sld [smem:$0x3F98];
	_ =	swait.ge [sflag:s4], $0x0  }
0x19: {  	s7 =	sld [smem:$0x3F99]  }
0x1a: {  	s8 =	sadd.s32 $0xFFFFE003, lr  }
0x1b: {  	s9 =	sadd.s32 $0xFFFFFEF7, lr;
	s5 =	simm.s32 $0xFFFFFFFF;
	p2 =	slt.u32 s8, $0xFFFFF086  }
0x1c: {  	p1 =	slt.u32 s9, $0xF7A;
	s5 =	simm.s32 @!p2 $0x0  }
0x1d: {  	s5 =	simm.s32 @p1 $0x1;
	p0 =	seq.s32 s7, s2  }
0x1e: {  	s7 =	smul.u32 @!p0 $0xF7A, s2;
	p2 =	seq.s32 @!p0 s5, $0x0  }
0x1f: {  	s9 =	smul.u32 $0xF7A, s1;
	s8 =	simm.s32 @!p0 $0x1BF5;
	p2 =	por !p2, p0  }
0x20: {  	[sflag:s8] =	ssyncset.s32 @!p0 $0xFFFFF086;
	s6 =	sadd.s32 @!p0 s3, s7;
	s7 =	simm.s32 @!p0 $0x108  }
0x21: {  	s3 =	sadd.s32 s3, s9;
	s6 =	sadd.s32 @!p0 $0x88, s6;
	s7 =	simm.s32 @p2 $0x1082  }
0x22: {  	[simem:s7], [sflag:s8] =	dma.local @!p0 [hbm:s6], $0xF7A  }
0x23: {  	s9 =	sor.u32 $0xD0000000, s2;
	s6 =	simm.s32 $0x108;
	_ =	swait.ge @!p0 [sflag:s8], $0x0  }
0x24: {  	s3 =	sadd.s32 $0x88, s3;
	s6 =	simm.s32 @!p1 $0x1082;
	[sflag:s4] =	ssyncset.s32 $0xFFFFF086  }
0x25: {  	[simem:s6], [sflag:s4] =	dma.local [hbm:s3], $0xF7A  }
0x26: {  	[smem:$0x3F99] =	sst s1;
	(tag) =	ssettag s2;
	_ =	strace s9  }
0x27: {  	s1 =	sld [smem:$0x3FA9]  }
0x28: {  	s2 =	sld [smem:$0x3FAA]  }
0x29: {  	s4 =	sld [smem:$0x3FAC]  }
0x2a: {  	p0 =	seq.s32 s5, $0x0;
	s5 =	sld [smem:$0x3FAD]  }
0x2b: {  	s6 =	sld [smem:$0x3FAE]  }
0x2c: {  	s7 =	sld [smem:$0x3FAF]  }
0x2d: {  	s3 =	simm.s32 $0x108;
	s8 =	sld [smem:$0x3FB0]  }
0x2e: {  	s3 =	simm.s32 @!p0 $0x1082;
	s9 =	sld [smem:$0x3FB1]  }
0x2f: {  	lr =	sadd.s32 s0, s3;
	s0 =	sld [smem:$0x3FA8]  }
0x30: {  	s3 =	sld [smem:$0x3FAB]  }
0x31: {  	[smem:$0x3FB4] =	sst s10  }
0x32: {  	s10 =	sld [smem:$0x3FB2];
	_ =	sdelay $0x3  }
0x33: {  	p0 =	seq.s32 s10, $0x1;
	s10 =	sld [smem:$0x3FB4];
	_ =	sdelay $0x3  }
0x34: {  	[smem:$0x3FB4] =	sst s10  }
0x35: {  	s10 =	sld [smem:$0x3FB3];
	_ =	sdelay $0x3  }
0x36: {  	p1 =	seq.s32 s10, $0x1;
	s10 =	sld [smem:$0x3FB4];
	_ =	sdelay $0x3  }
0x37: {  	[smem:$0x3FB4] =	sst s10  }
0x38: {  	s10 =	sld [smem:$0x3FB5]  }
0x39: {  	_ = 	snop;
	(pc) =	sbr.ind lr, $3  }
0x3a: {  	_ = 	snop  }
0x3b: {  	_ = 	snop  }
0x3c: {  	p2 =	seq.s32 s10, $0x1;
	s10 =	sld [smem:$0x3FB4]  }
0x3d: {  	_ =	shalt  }
0x3e: {  	_ =	shalt  }
0x3f: {  	_ =	shalt  }
0x40: {  	_ =	shalt  }
0x41: {  	_ =	shalt  }
0x42: {  	_ =	shalt  }
0x43: {  	_ =	shalt  }
0x44: {  	_ =	shalt  }
0x45: {  	_ =	shalt  }
0x46: {  	_ =	shalt  }
0x47: {  	_ =	shalt  }
0x48: {  	_ =	shalt  }
0x49: {  	_ =	shalt  }
0x4a: {  	_ =	shalt  }
0x4b: {  	_ =	shalt  }
0x4c: {  	_ =	shalt  }
0x4d: {  	_ =	shalt  }
0x4e: {  	_ =	shalt  }
0x4f: {  	_ =	shalt  }
0x50: {  	_ =	shalt  }
0x51: {  	_ =	shalt  }
0x52: {  	_ =	shalt  }
0x53: {  	_ =	shalt  }
0x54: {  	_ =	shalt  }
0x55: {  	_ =	shalt  }
0x56: {  	_ =	shalt  }
0x57: {  	_ =	shalt  }
0x58: {  	_ =	shalt  }
0x59: {  	_ =	shalt  }
0x5a: {  	_ =	shalt  }
0x5b: {  	_ =	shalt  }
0x5c: {  	_ =	shalt  }
0x5d: {  	_ =	shalt  }
0x5e: {  	_ =	shalt  }
0x5f: {  	_ =	shalt  }
0x60: {  	_ =	shalt  }
0x61: {  	_ =	shalt  }
0x62: {  	_ =	shalt  }
0x63: {  	_ =	shalt  }
0x64: {  	_ =	shalt  }
0x65: {  	_ =	shalt  }
0x66: {  	_ =	shalt  }
0x67: {  	_ =	shalt  }
0x68: {  	_ =	shalt  }
0x69: {  	_ =	shalt  }
0x6a: {  	_ =	shalt  }
0x6b: {  	_ =	shalt  }
0x6c: {  	_ =	shalt  }
0x6d: {  	_ =	shalt  }
0x6e: {  	_ =	shalt  }
0x6f: {  	_ =	shalt  }
0x70: {  	_ =	shalt  }
0x71: {  	_ =	shalt  }
0x72: {  	_ =	shalt  }
0x73: {  	_ =	shalt  }
0x74: {  	_ =	shalt  }
0x75: {  	_ =	shalt  }
0x76: {  	_ =	shalt  }
0x77: {  	_ =	shalt  }
0x78: {  	_ =	shalt  }
0x79: {  	_ =	shalt  }
0x7a: {  	_ =	shalt  }
0x7b: {  	_ =	shalt  }
0x7c: {  	_ =	shalt  }
0x7d: {  	_ =	shalt  }
0x7e: {  	_ =	shalt  }
0x7f: {  	_ =	shalt  }
0x80: {  	_ =	shalt  }
0x81: {  	_ =	shalt  }
0x82: {  	_ =	shalt  }
0x83: {  	_ =	shalt  }
0x84: {  	_ =	shalt  }
0x85: {  	_ =	shalt  }
0x86: {  	_ =	shalt  }
0x87: {  	_ =	shalt  }
.Lfunc_end0:
.L_simem_size_0:
called_computation.2_lowered:
.L_overlay_start_0:
0x88: {  	s2 =	sld [smem:$0x3FD9]  }
0x89: {  	s3 =	sld [smem:$0x3FFE];
	_ =	sdelay $0x1  }
0x8a: {  	s1 =	srdreg.scid  }
0x8b: {  	s0 =	sand.u32 $0x1, s1  }
0x8c: {  	s17 =	sshll.u32 s0, $0xA;
	s2 =	sadd.s32 s3, s2  }
0x8d: {  	s2 =	sadd.s32 s2, s17  }
0x8e: {  	[smem:$0x3FC0] =	sst s2  }
0x8f: {  	_ = 	snop  }
0x90: {  	s2 =	sld [smem:$0x3FD0];
	(tm) =	ssettm $0x1  }
0x91: {  	s18 =	sld [smem:$0x3FFB];
	_ =	sdelay $0x3  }
0x92: {  	_ =	strace s18  }
0x93: {  	s3 =	sld [smem:$0x3FFC];
	_ =	sdelay $0x3  }
0x94: {  	_ =	strace s3  }
0x95: {  	s3 =	sld [smem:$0x3FFD];
	_ =	sdelay $0x3  }
0x96: {  	_ =	strace s3  }
0x97: {  	_ =	strace $0x8FFFFFFF  }
0x98: {  	s19 =	sld [smem:$0x3FDB];
	_ =	sdelay $0x1  }
0x99: {  	s4 =	simm.s32 $_scs_section_size  }
0x9a: {  	s5 =	simm.s32 $_size__tile_overlayer_lowered;
	s6 =	simm.s32 $_tile_overlayer_lowered  }
0x9b: {  	s22 =	simm.s32 $0x1BFF;
	s21 =	sshll.u32 s6, $0x1;
	s3 =	sadd.s32 s4, s19  }
0x9c: {  	s7 =	simm.s32 $0x0;
	s20 =	sshll.u32 s5, $0x1;
	s5 =	sadd.s32 s21, s3  }
0x9d: {  	[timem:s7], [sflag:s22] =	dma.local [hbm:s5], s20  }
0x9e: {  	_ =	swait.ge [sflag:s22], s20  }
0x9f: {  	s4 =	ssub.s32 $0x0, s20;
	[sflag:s22] =	ssyncset.done $0x0  }
0xa0: {  	[sflag:s22] =	ssyncadd.s32 s4;
	_ =	sdelay $0x1  }
0xa1: {  	s23 =	simm.s32 $0x1B8B  }
0xa2: {  	_ =	swait.ge [sflag:s23], $0x1  }
0xa3: {  	[sflag:s23] =	ssyncset.done $0x0  }
0xa4: {  	s25 =	simm.s32 $0x1B8E;
	s24 =	sld [smem:$0x3FFE];
	[sflag:s23] =	ssyncadd.s32 $0xFFFFFFFF  }
0xa5: {  	s26 =	simm.s32 $execute0_lowered;
	[smem:$0x3FD2] =	sst s25  }
0xa6: {  	s5 =	sshll.u32 s26, $0x1;
	_ =	strace $0x8000004C;
	[dreg:$0x1] =	wrdreg $0xFFFFFFFF  }
0xa7: {  	s28 =	simm.s32 $_size_execute0_lowered;
	s3 =	sadd.s32 s3, s5;
	[dreg:$0x0] =	wrdreg $0x0  }
0xa8: {  	s5 =	sshll.u32 s28, $0x1;
	[dreg:$0x2] =	wrdreg s3  }
0xa9: {  	[dreg:$0x3] =	wrdreg s5  }
0xaa: {  	[dreg:$0x4] =	wrdreg $0xC0  }
0xab: {  	_ =	task [dreg:s7], $0x5FFFF  }
0xac: {  	[dreg:$0x1] =	wrdreg $0xFFFFFFFF  }
0xad: {  	[dreg:$0x0] =	wrdreg $0x60  }
0xae: {  	[dreg:$0x2] =	wrdreg s24  }
0xaf: {  	[dreg:$0x3] =	wrdreg s2  }
0xb0: {  	[dreg:$0x4] =	wrdreg $0xA9000  }
0xb1: {  	[dreg:$0x5] =	wrdreg $0x9  }
0xb2: {  	_ =	task.clear_ibuf [dreg:s7], $0x6FFFF;
	_ =	strace $0x9000004C  }
0xb3: {  	s29 =	simm.s32 $0x9;
	_ =	strace $0x8000004E  }
0xb4: {  	_ =	swait.ge [sflag:s29], $0x1  }
0xb5: {  	[sflag:s29] =	ssyncadd.s32 $0xFFFFFFFF  }
0xb6: {  	_ =	strace $0x9000004E  }
0xb7: {  	_ =	sfence  }
0xb8: {  	s30 =	sld [smem:$0x0];
	_ =	sdelay $0x2  }
0xb9: {  	s31 =	sshll.u32 s1, $0xD;
	s1 =	sshrl.u32 s1, $0x2  }
0xba: {  	s3 =	sand.u32 $0x4000, s31;
	s1 =	sadd.s32 s1, s30  }
0xbb: {  	s0 =	sor.u32 s3, s0;
	s1 =	sshll.u32 s1, $0x11  }
0xbc: {  	s0 =	sor.u32 s1, s0  }
0xbd: {  	s0 =	sadd.s32 $0x8F2B, s0  }
0xbe: {  	[sflag:s0] =	ssyncadd.remote.s32 $0x1  }
0xbf: {  	_ =	sfence.sel $0xFFFF  }
0xc0: {  	[dreg:$0x0] =	wrdreg $0xFFFFFFFF;
	(pc) =	sbr.abs _section_cstart, $3  }
0xc1: {  	[dreg:$0x1] =	wrdreg $0xFFFFFFFF  }
0xc2: {  	_ =	task.clear_ibuf [dreg:s7], $0x2FFFF;
	_ =	strace $0x9FFFFFFF  }
0xc3: {  	(tm) =	ssettm $0x7FFFFFFF  }
tec
execute0_lowered:
.L_overlay_start_1:
0x0: {  	(tag) =	ssettag $0x1  }
0x1: {  	s5 =	rddreg [dreg:$0x0]  }
0x2: {  	s6 =	rddreg [dreg:$0x1]  }
0x3: {  	s1 =	rddreg [dreg:$0x2];
	s2 =	simm.s32 $0x0  }
0x4: {  	s3 =	srdreg.scid;
	s16 =	simm.s32 $0x2900;
	s17 =	simm.s32 $0x2880  }
0x5: {  	s18 =	simm.s32 $0x6900;
	s21 =	simm.s32 $0x1;
	s8 =	sand.u32 $0x1, s3  }
0x6: {  	s28 =	simm.s32 $0x0;
	s3 =	stileid.u32;
	s7 =	smul.u32 $0x140000, s8  }
0x7: {  	[smem:$0x7FF] =	sst s2;
	s4 =	sadd.s32 $0xCA00, s5;
	s9 =	smul.u32 $0x14000, s3  }
0x8: {  	s11 =	sadd.s32 $0x34A00, s5;
	s12 =	sadd.s32 $0x2A00, s5;
	s23 =	smul.u32 $0x50000, s3  }
0x9: {  	_ =	strace $0x8000004D;
	s10 =	sshll.u32 s8, $0x4;
	s25 =	smul.u32 $0x2800, s3  }
0xa: {  	s22 =	ssub.s32 $0x2, s8;
	s29 =	smul.u32 $0x28000, s8;
	p0 =	seq.s32 s8, $0x0  }
0xb: {  	s19 =	sshll.u32 s3, $0x6;
	s10 =	sor.u32 s3, s10;
	s14 =	sshrl.u32 s22, $0x1  }
0xc: {  	s11 =	smov.u32 @p0 s4;
	s19 =	sor.u32 $0x1C07, s19;
	s13 =	smul.u32 $0x500, s10  }
0xd: {  	s7 =	sadd.s32 s9, s7;
	s10 =	smul.u32 $0x2800, s10;
	s9 =	ssub.s32 s22, s14  }
0xe: {  	s26 =	sshrl.u32 s23, $0x2;
	s30 =	sadd.s32 s25, s29;
	s22 =	simm.s32 $0x5  }
0xf: {  	s23 =	simm.s32 $0x2;
	s7 =	sshrl.u32 s7, $0x3;
	s20 =	sadd.s32 s26, s1  }
0x10: {  	s9 =	smax.u32 s9, $0x1;
	s14 =	sor.u32 $0x180, s30;
	s26 =	simm.s32 $0x4  }
0x11: {  	s15 =	sadd.s32 s7, s5;
	s5 =	sadd.s32 s6, s13;
	s24 =	sshrl.u32 s10, $0x3  }
0x12: {  	s13 =	sor.u32 $0x100, s30;
	s10 =	sadd.s32 s11, s25;
	s31 =	sshrl.u32 s14, $0x3  }
0x13: {  	s14 =	simm.s32 $0x2800;
	s20 =	sshrl.u32 s20, $0x3;
	s25 =	simm.s32 $0x3  }
0x14: {  	s6 =	sadd.s32 s12, s24;
	s8 =	sadd.s32 $0x5CA00, s15;
	s13 =	sshrl.u32 s13, $0x3  }
0x15: {  	s11 =	sadd.s32 s31, s12;
	s15 =	simm.s32 $0x80;
	s24 =	simm.s32 $0x6  }
0x16: {  	s7 =	sadd.s32 $0x10, s6;
	s12 =	sadd.s32 s13, s12;
	s13 =	simm.s32 $0x7  }
.LBB2_1:
0x17: {  	[tilespmem:s2], [sflag:$0x7] =	stream.linear.gather [hbm4b:s5+s2], $0x2800, $0x38;
	[tilespmem:$0x1E900] =	vst v63  }
0x18: {  	_ =	swait.ge [sflag:s13], $0x2800  }
0x19: {  	[sflag:s13] =	ssyncset.done $0x0  }
0x1a: {  	[sflag:s13] =	ssyncadd.s32 $0xFFFFD800  }
0x1b: {  	[tilespmem:s14], [sflag:$0x5] =	stream.linear.gather [hbm4b:s6+s2], $0x80, $0x38;
	[tilespmem:$0x1E900] =	vst v63  }
0x1c: {  	_ = 	snop  }
0x1d: {  	[tilespmem:s16], [sflag:$0x1] =	stream.indirect.gather [hbm4b:s4+s15], $0x80, s2, s15, $0xb8;
	[tilespmem:$0x1E900] =	vst v63  }
0x1e: {  	_ = 	snop  }
0x1f: {  	[tilespmem:s17], [sflag:$0x6] =	stream.linear.gather [hbm4b:s7+s2], $0x80, $0x38;
	[tilespmem:$0x1E900] =	vst v63  }
0x20: {  	_ = 	snop  }
0x21: {  	[tilespmem:s18], [sflag:$0x2] =	stream.indirect.gather [hbm4b:s4+s15], $0x80, s15, s15, $0xb8;
	[tilespmem:$0x1E900] =	vst v63  }
0x22: {  	[spmem:s20], [sflag:s19] =	dma.local [hbm:s10], $0x2800  }
0x23: {  	_ =	swait.ge [sflag:s13], $0x2800  }
0x24: {  	[sflag:s13] =	ssyncset.done $0x0  }
0x25: {  	[sflag:s13] =	ssyncadd.s32 $0xFFFFD800  }
0x26: {  	[bflag:$0x0] =	sbarrier.arrive $0xFFFF  }
0x27: {  	_ =	swait.ge [sflag:s21], $0x4000  }
0x28: {  	[sflag:s21] =	ssyncset.done $0x0  }
0x29: {  	[sflag:s21] =	ssyncadd.s32 $0xFFFFC000  }
0x2a: {  	_ =	swait.ge [sflag:s22], $0x80  }
0x2b: {  	[sflag:s22] =	ssyncset.done $0x0  }
0x2c: {  	[sflag:s22] =	ssyncadd.s32 $0xFFFFFF80  }
0x2d: {  	[spmem:s1] =	stream.indirect.scatter.add.f32 [tilespmem:s16], [sflag:$0x3], $0x80, s14, s15, $0xb8;
	[tilespmem:$0x1E900] =	vst v63  }
0x2e: {  	_ =	swait.ge [sflag:s23], $0x4000  }
0x2f: {  	[sflag:s23] =	ssyncset.done $0x0  }
0x30: {  	[sflag:s23] =	ssyncadd.s32 $0xFFFFC000  }
0x31: {  	_ =	swait.ge [sflag:s24], $0x80  }
0x32: {  	[sflag:s24] =	ssyncset.done $0x0  }
0x33: {  	[sflag:s24] =	ssyncadd.s32 $0xFFFFFF80  }
0x34: {  	[spmem:s1] =	stream.indirect.scatter.add.f32 [tilespmem:s18], [sflag:$0x4], $0x80, s17, s15, $0xb8;
	[tilespmem:$0x1E900] =	vst v63  }
0x35: {  	_ =	swait.ge [sflag:s25], $0x4000  }
0x36: {  	[sflag:s25] =	ssyncset.done $0x0  }
0x37: {  	s29 =	sadd.s32 $0x0, s12;
	[sflag:s25] =	ssyncadd.s32 $0xFFFFC000  }
0x38: {  	[tilespmem:s14], [sflag:$0x5] =	stream.linear.gather [hbm4b:s29+s2], $0x80, $0x38;
	[tilespmem:$0x1E900] =	vst v63  }
0x39: {  	s29 =	simm.s32 $0x100  }
0x3a: {  	[tilespmem:s16], [sflag:$0x1] =	stream.indirect.gather [hbm4b:s4+s15], $0x80, s29, s15, $0xb8;
	[tilespmem:$0x1E900] =	vst v63  }
0x3b: {  	_ =	swait.ge [sflag:s26], $0x4000  }
0x3c: {  	[sflag:s26] =	ssyncset.done $0x0  }
0x3d: {  	s29 =	sadd.s32 $0x0, s11;
	[sflag:s26] =	ssyncadd.s32 $0xFFFFC000  }
0x3e: {  	[tilespmem:s17], [sflag:$0x6] =	stream.linear.gather [hbm4b:s29+s2], $0x80, $0x38;
	[tilespmem:$0x1E900] =	vst v63  }
0x3f: {  	s31 =	simm.s32 $0x180;
	s30 =	simm.s32 $0x200;
	s29 =	simm.s32 $0x20  }
.LBB2_2:
0x40: {  	[tilespmem:s18], [sflag:$0x2] =	stream.indirect.gather [hbm4b:s4+s15], $0x80, s31, s15, $0xb8;
	[tilespmem:$0x1E900] =	vst v63  }
0x41: {  	s31 =	smov.u32 s29  }
0x42: {  	p0 =	sne.s32 s29, $0x4C0;
	s29 =	sadd.s32 $0x20, s29;
	_ =	swait.ge [sflag:s21], $0x4000  }
0x43: {  	[sflag:s21] =	ssyncset.done $0x0  }
0x44: {  	[sflag:s21] =	ssyncadd.s32 $0xFFFFC000  }
0x45: {  	_ =	swait.ge [sflag:s22], $0x80  }
0x46: {  	[sflag:s22] =	ssyncset.done $0x0  }
0x47: {  	[sflag:s22] =	ssyncadd.s32 $0xFFFFFF80  }
0x48: {  	[spmem:s1] =	stream.indirect.scatter.add.f32 [tilespmem:s16], [sflag:$0x3], $0x80, s14, s15, $0xb8;
	[tilespmem:$0x1E900] =	vst v63  }
0x49: {  	_ =	swait.ge [sflag:s23], $0x4000  }
0x4a: {  	[sflag:s23] =	ssyncset.done $0x0  }
0x4b: {  	[sflag:s23] =	ssyncadd.s32 $0xFFFFC000  }
0x4c: {  	_ =	swait.ge [sflag:s24], $0x80  }
0x4d: {  	[sflag:s24] =	ssyncset.done $0x0  }
0x4e: {  	[sflag:s24] =	ssyncadd.s32 $0xFFFFFF80  }
0x4f: {  	[spmem:s1] =	stream.indirect.scatter.add.f32 [tilespmem:s18], [sflag:$0x4], $0x80, s17, s15, $0xb8;
	[tilespmem:$0x1E900] =	vst v63  }
0x50: {  	_ =	swait.ge [sflag:s25], $0x4000  }
0x51: {  	[sflag:s25] =	ssyncset.done $0x0  }
0x52: {  	s0 =	sadd.s32 s31, s12;
	[sflag:s25] =	ssyncadd.s32 $0xFFFFC000  }
0x53: {  	[tilespmem:s14], [sflag:$0x5] =	stream.linear.gather [hbm4b:s0+s2], $0x80, $0x38;
	[tilespmem:$0x1E900] =	vst v63  }
0x54: {  	_ = 	snop  }
0x55: {  	[tilespmem:s16], [sflag:$0x1] =	stream.indirect.gather [hbm4b:s4+s15], $0x80, s30, s15, $0xb8;
	[tilespmem:$0x1E900] =	vst v63  }
.Ltmp0:
0x56: {  	_ =	swait.ge [sflag:s26], $0x4000;
	(pc) =	sbr.rel @p0 .LBB2_2-.Ltmp0, $4  }
0x57: {  	[sflag:s26] =	ssyncset.done $0x0  }
0x58: {  	s0 =	sadd.s32 s31, s11;
	[sflag:s26] =	ssyncadd.s32 $0xFFFFC000  }
0x59: {  	[tilespmem:s17], [sflag:$0x6] =	stream.linear.gather [hbm4b:s0+s2], $0x80, $0x38;
	[tilespmem:$0x1E900] =	vst v63  }
0x5a: {  	s31 =	sadd.s32 $0x80, s30;
	s30 =	sadd.s32 $0x100, s30  }
0x5b: {  	[tilespmem:s18], [sflag:$0x2] =	stream.indirect.gather [hbm4b:s4+s15], $0x80, s31, s15, $0xb8;
	[tilespmem:$0x1E900] =	vst v63  }
0x5c: {  	_ =	swait.ge [sflag:s21], $0x4000  }
0x5d: {  	[sflag:s21] =	ssyncset.done $0x0  }
0x5e: {  	[sflag:s21] =	ssyncadd.s32 $0xFFFFC000  }
0x5f: {  	_ =	swait.ge [sflag:s22], $0x80  }
0x60: {  	[sflag:s22] =	ssyncset.done $0x0  }
0x61: {  	[sflag:s22] =	ssyncadd.s32 $0xFFFFFF80  }
0x62: {  	[spmem:s1] =	stream.indirect.scatter.add.f32 [tilespmem:s16], [sflag:$0x7], $0x80, s14, s15, $0xb8;
	[tilespmem:$0x1E900] =	vst v63  }
0x63: {  	_ =	swait.ge [sflag:s13], $0x4000  }
0x64: {  	[sflag:s13] =	ssyncset.done $0x0  }
0x65: {  	[sflag:s13] =	ssyncadd.s32 $0xFFFFC000  }
0x66: {  	_ =	swait.ge [sflag:s23], $0x4000  }
0x67: {  	[sflag:s23] =	ssyncset.done $0x0  }
0x68: {  	[sflag:s23] =	ssyncadd.s32 $0xFFFFC000  }
0x69: {  	_ =	swait.ge [sflag:s24], $0x80  }
0x6a: {  	[sflag:s24] =	ssyncset.done $0x0  }
0x6b: {  	[sflag:s24] =	ssyncadd.s32 $0xFFFFFF80  }
0x6c: {  	[spmem:s1] =	stream.indirect.scatter.add.f32 [tilespmem:s18], [sflag:$0x7], $0x80, s17, s15, $0xb8;
	[tilespmem:$0x1E900] =	vst v63  }
0x6d: {  	_ =	swait.ge [sflag:s13], $0x4000  }
0x6e: {  	s28 =	sadd.s32 $0x1, s28;
	[sflag:s13] =	ssyncset.done $0x0  }
0x6f: {  	p0 =	sne.s32 s28, s9;
	[sflag:s13] =	ssyncadd.s32 $0xFFFFC000  }
.Ltmp1:
0x70: {  	[bflag:$0x0] =	sbarrier.arrive $0xFFFF;
	(pc) =	sbr.rel @p0 .LBB2_1-.Ltmp1, $4  }
0x71: {  	[hbm:s8], [sflag:s19] =	dma.local [spmem:s20], $0x2800  }
0x72: {  	_ =	swait.ge [sflag:s13], $0x2800  }
0x73: {  	[sflag:s13] =	ssyncset.done $0x0  }
0x74: {  	[sflag:s13] =	ssyncadd.s32 $0xFFFFD800  }
0x75: {  	_ =	sfence.sel $0x180000  }
0x76: {  	[bflag:$0x0] =	sbarrier.arrive $0xFFFF  }
0x77: {  	_ =	strace $0x9000004D  }
0x78: {  	[bflag:$0x2] =	sbarrier.arrive $0xFFFF  }
0x79: {  	p0 =	sne.s32 s3, $0x0;
	s0 =	rddreg [dreg:$0x3]  }
0x7a: {  	s0 =	sadd.s32 @!p0 $0x100000, s0  }
0x7b: {  	[sflag:s0] =	ssyncadd.tile.s32 @!p0 $0x1;
	_ =	shalt  }
.Lfunc_end2:
_tile_overlayer_lowered:
.L_overlay_start_2:
0x7c: {  	(tag) =	ssettag $0x2  }
0x7d: {  	s0 =	rddreg [dreg:$0x0];
	s2 =	stileid.u32  }
0x7e: {  	s1 =	rddreg [dreg:$0x1];
	p0 =	sne.s32 s2, $0x0  }
0x7f: {  	s3 =	rddreg [dreg:$0x2];
	[bflag:$0x3] =	sbarrier.arrive $0xFFFF;
	s2 =	simm.s32 @!p0 $0x1C07  }
0x80: {  	[timem:s3], [sflag:s2] =	dma.local @!p0 [hbm:s0], s1  }
0x81: {  	s0 =	simm.s32 @!p0 $0x7  }
0x82: {  	_ =	swait.ge @!p0 [sflag:s0], s1  }
0x83: {  	s1 =	ssub.s32 @!p0 $0x0, s1;
	[sflag:s0] =	ssyncset.done @!p0 $0x0  }
0x84: {  	[sflag:s0] =	ssyncadd.s32 @!p0 s1  }
0x85: {  	[bflag:$0x3] =	sbarrier.arrive $0xFFFF  }
0x86: {  	_ =	shalt  }

// kernel: gcn_sc_degree.3.cloned.1.call-start
scs
__scs_entry_jumppad:
0x0: {  	(pc) =	sbr.rel $0x88, $3  }
0x1: {  	(tag) =	ssettag $0x0;
	lr =	simm.s32 $0x1  }
0x2: {  	[smem:$0x3F99] =	sst lr;
	_ =	strace $0xD0000000  }
0x3: {  	_ = 	snop  }
0x4: {  	_ = 	snop  }
0x5: {  	_ = 	snop  }
0x6: {  	_ = 	snop  }
0x7: {  	_ = 	snop  }
__scs_overlays_trampoline_lowered:
0x8: {  	[smem:$0x3FA8] =	sst s0  }
0x9: {  	[smem:$0x3FA9] =	sst s1  }
0xa: {  	[smem:$0x3FAA] =	sst s2  }
0xb: {  	[smem:$0x3FAB] =	sst s3  }
0xc: {  	[smem:$0x3FAC] =	sst s4  }
0xd: {  	[smem:$0x3FAD] =	sst s5  }
0xe: {  	[smem:$0x3FAE] =	sst s6  }
0xf: {  	[smem:$0x3FAF] =	sst s7  }
0x10: {  	[smem:$0x3FB0] =	sst s8  }
0x11: {  	[smem:$0x3FB1] =	sst s9;
	s0 =	simm.s32 @!p0 $0x0  }
0x12: {  	s1 =	sld [smem:$0x3F97];
	s0 =	simm.s32 @p0 $0x1  }
0x13: {  	[smem:$0x3FB2] =	sst s0;
	s0 =	simm.s32 @!p1 $0x0  }
0x14: {  	s2 =	sld [smem:$0x3F96];
	s0 =	simm.s32 @p1 $0x1  }
0x15: {  	[smem:$0x3FB3] =	sst s0;
	s0 =	simm.s32 @!p2 $0x0  }
0x16: {  	s3 =	sld [smem:$0x3FDB];
	s0 =	simm.s32 @p2 $0x1  }
0x17: {  	s4 =	simm.s32 $0x1BF5;
	[smem:$0x3FB5] =	sst s0  }
0x18: {  	s0 =	sld [smem:$0x3F98];
	_ =	swait.ge [sflag:s4], $0x0  }
0x19: {  	s7 =	sld [smem:$0x3F99]  }
0x1a: {  	s8 =	sadd.s32 $0xFFFFE003, lr  }
0x1b: {  	s9 =	sadd.s32 $0xFFFFFEF7, lr;
	s5 =	simm.s32 $0xFFFFFFFF;
	p2 =	slt.u32 s8, $0xFFFFF086  }
0x1c: {  	p1 =	slt.u32 s9, $0xF7A;
	s5 =	simm.s32 @!p2 $0x0  }
0x1d: {  	s5 =	simm.s32 @p1 $0x1;
	p0 =	seq.s32 s7, s2  }
0x1e: {  	s7 =	smul.u32 @!p0 $0xF7A, s2;
	p2 =	seq.s32 @!p0 s5, $0x0  }
0x1f: {  	s9 =	smul.u32 $0xF7A, s1;
	s8 =	simm.s32 @!p0 $0x1BF5;
	p2 =	por !p2, p0  }
0x20: {  	[sflag:s8] =	ssyncset.s32 @!p0 $0xFFFFF086;
	s6 =	sadd.s32 @!p0 s3, s7;
	s7 =	simm.s32 @!p0 $0x108  }
0x21: {  	s3 =	sadd.s32 s3, s9;
	s6 =	sadd.s32 @!p0 $0x88, s6;
	s7 =	simm.s32 @p2 $0x1082  }
0x22: {  	[simem:s7], [sflag:s8] =	dma.local @!p0 [hbm:s6], $0xF7A  }
0x23: {  	s9 =	sor.u32 $0xD0000000, s2;
	s6 =	simm.s32 $0x108;
	_ =	swait.ge @!p0 [sflag:s8], $0x0  }
0x24: {  	s3 =	sadd.s32 $0x88, s3;
	s6 =	simm.s32 @!p1 $0x1082;
	[sflag:s4] =	ssyncset.s32 $0xFFFFF086  }
0x25: {  	[simem:s6], [sflag:s4] =	dma.local [hbm:s3], $0xF7A  }
0x26: {  	[smem:$0x3F99] =	sst s1;
	(tag) =	ssettag s2;
	_ =	strace s9  }
0x27: {  	s1 =	sld [smem:$0x3FA9]  }
0x28: {  	s2 =	sld [smem:$0x3FAA]  }
0x29: {  	s4 =	sld [smem:$0x3FAC]  }
0x2a: {  	p0 =	seq.s32 s5, $0x0;
	s5 =	sld [smem:$0x3FAD]  }
0x2b: {  	s6 =	sld [smem:$0x3FAE]  }
0x2c: {  	s7 =	sld [smem:$0x3FAF]  }
0x2d: {  	s3 =	simm.s32 $0x108;
	s8 =	sld [smem:$0x3FB0]  }
0x2e: {  	s3 =	simm.s32 @!p0 $0x1082;
	s9 =	sld [smem:$0x3FB1]  }
0x2f: {  	lr =	sadd.s32 s0, s3;
	s0 =	sld [smem:$0x3FA8]  }
0x30: {  	s3 =	sld [smem:$0x3FAB]  }
0x31: {  	[smem:$0x3FB4] =	sst s10  }
0x32: {  	s10 =	sld [smem:$0x3FB2];
	_ =	sdelay $0x3  }
0x33: {  	p0 =	seq.s32 s10, $0x1;
	s10 =	sld [smem:$0x3FB4];
	_ =	sdelay $0x3  }
0x34: {  	[smem:$0x3FB4] =	sst s10  }
0x35: {  	s10 =	sld [smem:$0x3FB3];
	_ =	sdelay $0x3  }
0x36: {  	p1 =	seq.s32 s10, $0x1;
	s10 =	sld [smem:$0x3FB4];
	_ =	sdelay $0x3  }
0x37: {  	[smem:$0x3FB4] =	sst s10  }
0x38: {  	s10 =	sld [smem:$0x3FB5]  }
0x39: {  	_ = 	snop;
	(pc) =	sbr.ind lr, $3  }
0x3a: {  	_ = 	snop  }
0x3b: {  	_ = 	snop  }
0x3c: {  	p2 =	seq.s32 s10, $0x1;
	s10 =	sld [smem:$0x3FB4]  }
0x3d: {  	_ =	shalt  }
0x3e: {  	_ =	shalt  }
0x3f: {  	_ =	shalt  }
0x40: {  	_ =	shalt  }
0x41: {  	_ =	shalt  }
0x42: {  	_ =	shalt  }
0x43: {  	_ =	shalt  }
0x44: {  	_ =	shalt  }
0x45: {  	_ =	shalt  }
0x46: {  	_ =	shalt  }
0x47: {  	_ =	shalt  }
0x48: {  	_ =	shalt  }
0x49: {  	_ =	shalt  }
0x4a: {  	_ =	shalt  }
0x4b: {  	_ =	shalt  }
0x4c: {  	_ =	shalt  }
0x4d: {  	_ =	shalt  }
0x4e: {  	_ =	shalt  }
0x4f: {  	_ =	shalt  }
0x50: {  	_ =	shalt  }
0x51: {  	_ =	shalt  }
0x52: {  	_ =	shalt  }
0x53: {  	_ =	shalt  }
0x54: {  	_ =	shalt  }
0x55: {  	_ =	shalt  }
0x56: {  	_ =	shalt  }
0x57: {  	_ =	shalt  }
0x58: {  	_ =	shalt  }
0x59: {  	_ =	shalt  }
0x5a: {  	_ =	shalt  }
0x5b: {  	_ =	shalt  }
0x5c: {  	_ =	shalt  }
0x5d: {  	_ =	shalt  }
0x5e: {  	_ =	shalt  }
0x5f: {  	_ =	shalt  }
0x60: {  	_ =	shalt  }
0x61: {  	_ =	shalt  }
0x62: {  	_ =	shalt  }
0x63: {  	_ =	shalt  }
0x64: {  	_ =	shalt  }
0x65: {  	_ =	shalt  }
0x66: {  	_ =	shalt  }
0x67: {  	_ =	shalt  }
0x68: {  	_ =	shalt  }
0x69: {  	_ =	shalt  }
0x6a: {  	_ =	shalt  }
0x6b: {  	_ =	shalt  }
0x6c: {  	_ =	shalt  }
0x6d: {  	_ =	shalt  }
0x6e: {  	_ =	shalt  }
0x6f: {  	_ =	shalt  }
0x70: {  	_ =	shalt  }
0x71: {  	_ =	shalt  }
0x72: {  	_ =	shalt  }
0x73: {  	_ =	shalt  }
0x74: {  	_ =	shalt  }
0x75: {  	_ =	shalt  }
0x76: {  	_ =	shalt  }
0x77: {  	_ =	shalt  }
0x78: {  	_ =	shalt  }
0x79: {  	_ =	shalt  }
0x7a: {  	_ =	shalt  }
0x7b: {  	_ =	shalt  }
0x7c: {  	_ =	shalt  }
0x7d: {  	_ =	shalt  }
0x7e: {  	_ =	shalt  }
0x7f: {  	_ =	shalt  }
0x80: {  	_ =	shalt  }
0x81: {  	_ =	shalt  }
0x82: {  	_ =	shalt  }
0x83: {  	_ =	shalt  }
0x84: {  	_ =	shalt  }
0x85: {  	_ =	shalt  }
0x86: {  	_ =	shalt  }
0x87: {  	_ =	shalt  }
.Lfunc_end0:
.L_simem_size_0:
called_computation_lowered:
.L_overlay_start_0:
0x88: {  	s2 =	sld [smem:$0x3FD9]  }
0x89: {  	s3 =	sld [smem:$0x3FFE];
	_ =	sdelay $0x1  }
0x8a: {  	s1 =	srdreg.scid  }
0x8b: {  	s0 =	sand.u32 $0x1, s1  }
0x8c: {  	s16 =	sshll.u32 s0, $0xA;
	s2 =	sadd.s32 s3, s2  }
0x8d: {  	s2 =	sadd.s32 s2, s16  }
0x8e: {  	[smem:$0x3FC0] =	sst s2  }
0x8f: {  	_ = 	snop  }
0x90: {  	(tm) =	ssettm $0x1  }
0x91: {  	s17 =	sld [smem:$0x3FFB];
	_ =	sdelay $0x3  }
0x92: {  	_ =	strace s17  }
0x93: {  	s2 =	sld [smem:$0x3FFC];
	_ =	sdelay $0x3  }
0x94: {  	_ =	strace s2  }
0x95: {  	s2 =	sld [smem:$0x3FFD];
	_ =	sdelay $0x3  }
0x96: {  	_ =	strace s2  }
0x97: {  	_ =	strace $0x8FFFFFFF  }
0x98: {  	s18 =	sld [smem:$0x3FDB];
	_ =	sdelay $0x1  }
0x99: {  	s19 =	simm.s32 $_scs_section_size  }
0x9a: {  	s4 =	simm.s32 $_size__tile_overlayer_lowered;
	s5 =	simm.s32 $_tile_overlayer_lowered  }
0x9b: {  	s22 =	simm.s32 $0x1BFF;
	s21 =	sshll.u32 s5, $0x1;
	s2 =	sadd.s32 s19, s18  }
0x9c: {  	s6 =	simm.s32 $0x0;
	s20 =	sshll.u32 s4, $0x1;
	s4 =	sadd.s32 s21, s2  }
0x9d: {  	[timem:s6], [sflag:s22] =	dma.local [hbm:s4], s20  }
0x9e: {  	_ =	swait.ge [sflag:s22], s20  }
0x9f: {  	s3 =	ssub.s32 $0x0, s20;
	[sflag:s22] =	ssyncset.done $0x0  }
0xa0: {  	[sflag:s22] =	ssyncadd.s32 s3;
	_ =	sdelay $0x1  }
0xa1: {  	s23 =	simm.s32 $0x1B8B  }
0xa2: {  	_ =	swait.ge [sflag:s23], $0x1  }
0xa3: {  	[sflag:s23] =	ssyncset.done $0x0  }
0xa4: {  	s25 =	simm.s32 $0x1B8E;
	s24 =	sld [smem:$0x3FFE];
	[sflag:s23] =	ssyncadd.s32 $0xFFFFFFFF  }
0xa5: {  	s26 =	simm.s32 $execute0_lowered;
	[smem:$0x3FD2] =	sst s25  }
0xa6: {  	s4 =	sshll.u32 s26, $0x1;
	_ =	strace $0x80000046;
	[dreg:$0x1] =	wrdreg $0xFFFFFFFF  }
0xa7: {  	s28 =	simm.s32 $_size_execute0_lowered;
	s2 =	sadd.s32 s2, s4;
	[dreg:$0x0] =	wrdreg $0x0  }
0xa8: {  	s4 =	sshll.u32 s28, $0x1;
	[dreg:$0x2] =	wrdreg s2  }
0xa9: {  	[dreg:$0x3] =	wrdreg s4  }
0xaa: {  	[dreg:$0x4] =	wrdreg $0xC0  }
0xab: {  	_ =	task [dreg:s6], $0x5FFFF  }
0xac: {  	[dreg:$0x1] =	wrdreg $0xFFFFFFFF  }
0xad: {  	[dreg:$0x0] =	wrdreg $0x60  }
0xae: {  	[dreg:$0x2] =	wrdreg s24  }
0xaf: {  	[dreg:$0x3] =	wrdreg $0x9  }
0xb0: {  	_ =	task.clear_ibuf [dreg:s6], $0x4FFFF;
	_ =	strace $0x90000046  }
0xb1: {  	s29 =	simm.s32 $0x9;
	_ =	strace $0x80000048  }
0xb2: {  	_ =	swait.ge [sflag:s29], $0x1  }
0xb3: {  	[sflag:s29] =	ssyncadd.s32 $0xFFFFFFFF  }
0xb4: {  	_ =	strace $0x90000048  }
0xb5: {  	_ =	sfence  }
0xb6: {  	s30 =	sld [smem:$0x0];
	_ =	sdelay $0x2  }
0xb7: {  	s31 =	sshll.u32 s1, $0xD;
	s1 =	sshrl.u32 s1, $0x2  }
0xb8: {  	s3 =	sand.u32 $0x4000, s31;
	s1 =	sadd.s32 s1, s30  }
0xb9: {  	s0 =	sor.u32 s3, s0;
	s1 =	sshll.u32 s1, $0x11  }
0xba: {  	s0 =	sor.u32 s1, s0  }
0xbb: {  	s0 =	sadd.s32 $0x8F2B, s0  }
0xbc: {  	[sflag:s0] =	ssyncadd.remote.s32 $0x1  }
0xbd: {  	_ =	sfence.sel $0xFFFF  }
0xbe: {  	[dreg:$0x0] =	wrdreg $0xFFFFFFFF;
	(pc) =	sbr.abs _section_cstart, $3  }
0xbf: {  	[dreg:$0x1] =	wrdreg $0xFFFFFFFF  }
0xc0: {  	_ =	task.clear_ibuf [dreg:s6], $0x2FFFF;
	_ =	strace $0x9FFFFFFF  }
0xc1: {  	(tm) =	ssettm $0x7FFFFFFF  }
tec
execute0_lowered:
.L_overlay_start_1:
0x0: {  	(tag) =	ssettag $0x1  }
0x1: {  	s1 =	srdreg.scid;
	s0 =	stileid.u32  }
0x2: {  	s4 =	rddreg [dreg:$0x0];
	s9 =	simm.s32 $0x400;
	s3 =	sand.u32 $0x1, s1  }
0x3: {  	s10 =	simm.s32 $0x0;
	s2 =	sshrl.u32 s0, $0x3;
	s5 =	smul.u32 $0x28000, s3  }
0x4: {  	s1 =	rddreg [dreg:$0x1];
	s8 =	sshll.u32 s0, $0x7;
	s6 =	smul.u32 $0x14000, s2  }
0x5: {  	s2 =	simm.s32 $0x0;
	s7 =	sshll.u32 s3, $0x4;
	s29 =	sand.u32 $0x380, s8  }
0x6: {  	s3 =	ssub.s32 $0x2, s3;
	s8 =	simm.s32 $0x80;
	s7 =	sor.u32 s0, s7  }
0x7: {  	[smem:$0x7FF] =	sst s2;
	s5 =	sadd.s32 s5, s6;
	s7 =	smul.u32 $0x500, s7  }
0x8: {  	s31 =	sshrl.u32 s3, $0x1;
	_ =	strace $0x80000047;
	s5 =	sor.u32 s29, s5  }
0x9: {  	s6 =	simm.s32 $0x1;
	s5 =	sshrl.u32 s5, $0x3;
	s30 =	sadd.s32 s7, s4  }
0xa: {  	s7 =	simm.s32 $0x2800;
	s4 =	sadd.s32 s5, s4;
	s5 =	ssub.s32 s3, s31  }
0xb: {  	v0 =	vimm.f32 $0.0e+00;
	v1 =	vimm.f32 $1.000000000e+00;
	s3 =	sadd.s32 $0x2A00, s30;
	s4 =	sadd.s32 $0xCA00, s4;
	s5 =	smax.u32 s5, $0x1  }
.LBB2_1:
0xc: {  	[tilespmem:s2], [sflag:$0x1] =	stream.linear.gather [hbm4b:s3+s2], $0x2800, $0x38;
	[tilespmem:$0x5000] =	vst v63  }
0xd: {  	_ =	swait.ge [sflag:s6], $0x2800  }
0xe: {  	[sflag:s6] =	ssyncset.done $0x0  }
0xf: {  	s11 =	simm.s32 $0x0;
	[sflag:s6] =	ssyncadd.s32 $0xFFFFD800  }
.LBB2_2:
0x10: {  	p0 =	sne.s32 s11, $0x9FC0  }
.Ltmp0:
0x11: {  	_ = 	snop;
	(pc) =	sbr.rel @p0 .LBB2_2-.Ltmp0, $3  }
0x12: {  	_ =	sdelay $0x1  }
0x13: {  	s12 =	sshra.s32 s11, $0x2  }
0x14: {  	s11 =	sadd.s32 $0x40, s11;
	[tilespmem:s12+$0x2800] =	vst v0  }
0x15: {  	s11 =	simm.s32 $0x0  }
.LBB2_4:
0x16: {  	s12 =	sshra.s32 s11, $0x2  }
0x17: {  	v2 =	vld [tilespmem:s12+$0x0];
	_ =	sdelay $0x7  }
0x18: {  	[tilespmem:v2+s7+$0x0] =	vst.idx.add.f32.msk $0xffff, v1  }
0x19: {  	v2 =	vld [tilespmem:s12+$0x10];
	_ =	sdelay $0x7  }
0x1a: {  	[tilespmem:v2+s7+$0x0] =	vst.idx.add.f32.msk $0xffff, v1  }
0x1b: {  	v2 =	vld [tilespmem:s12+$0x20];
	_ =	sdelay $0x7  }
0x1c: {  	[tilespmem:v2+s7+$0x0] =	vst.idx.add.f32.msk $0xffff, v1  }
0x1d: {  	v2 =	vld [tilespmem:s12+$0x30];
	_ =	sdelay $0x7  }
0x1e: {  	[tilespmem:v2+s7+$0x0] =	vst.idx.add.f32.msk $0xffff, v1  }
0x1f: {  	v2 =	vld [tilespmem:s12+$0x40];
	_ =	sdelay $0x7  }
0x20: {  	[tilespmem:v2+s7+$0x0] =	vst.idx.add.f32.msk $0xffff, v1  }
0x21: {  	v2 =	vld [tilespmem:s12+$0x50];
	_ =	sdelay $0x7  }
0x22: {  	[tilespmem:v2+s7+$0x0] =	vst.idx.add.f32.msk $0xffff, v1  }
0x23: {  	v2 =	vld [tilespmem:s12+$0x60];
	_ =	sdelay $0x7  }
0x24: {  	[tilespmem:v2+s7+$0x0] =	vst.idx.add.f32.msk $0xffff, v1  }
0x25: {  	v2 =	vld [tilespmem:s12+$0x70];
	_ =	sdelay $0x2  }
0x26: {  	p0 =	sne.s32 s11, $0x9E00  }
.Ltmp1:
0x27: {  	_ = 	snop;
	(pc) =	sbr.rel @p0 .LBB2_4-.Ltmp1, $2  }
0x28: {  	_ =	sdelay $0x2  }
0x29: {  	s11 =	sadd.s32 $0x200, s11;
	[tilespmem:v2+s7+$0x0] =	vst.idx.add.f32.msk $0xffff, v1  }
0x2a: {  	s10 =	sadd.s32 $0x1, s10  }
0x2b: {  	p0 =	sne.s32 s10, s5  }
.Ltmp2:
0x2c: {  	_ = 	snop;
	(pc) =	sbr.rel @p0 .LBB2_1-.Ltmp2, $4  }
0x2d: {  	[hbm4b:s4+s8] =	stream.strided.scatter [tilespmem:s7], [sflag:$0x1], $0x2800, s9, s8, $0x38;
	[tilespmem:$0x5000] =	vst v63  }
0x2e: {  	_ =	swait.ge [sflag:s6], $0x2800  }
0x2f: {  	[sflag:s6] =	ssyncset.done $0x0  }
0x30: {  	[sflag:s6] =	ssyncadd.s32 $0xFFFFD800  }
0x31: {  	_ =	sfence.sel $0x180000  }
0x32: {  	[bflag:$0x0] =	sbarrier.arrive $0xFFFF  }
0x33: {  	p0 =	sne.s32 s0, $0x0;
	_ =	strace $0x90000047  }
0x34: {  	s0 =	sadd.s32 @!p0 $0x100000, s1;
	[bflag:$0x2] =	sbarrier.arrive $0xFFFF  }
0x35: {  	[sflag:s0] =	ssyncadd.tile.s32 @!p0 $0x1;
	_ =	shalt  }
.Lfunc_end2:
_tile_overlayer_lowered:
.L_overlay_start_2:
0x36: {  	(tag) =	ssettag $0x2  }
0x37: {  	s0 =	rddreg [dreg:$0x0];
	s2 =	stileid.u32  }
0x38: {  	s1 =	rddreg [dreg:$0x1];
	p0 =	sne.s32 s2, $0x0  }
0x39: {  	s3 =	rddreg [dreg:$0x2];
	[bflag:$0x3] =	sbarrier.arrive $0xFFFF;
	s2 =	simm.s32 @!p0 $0x1C01  }
0x3a: {  	[timem:s3], [sflag:s2] =	dma.local @!p0 [hbm:s0], s1  }
0x3b: {  	s0 =	simm.s32 @!p0 $0x1  }
0x3c: {  	_ =	swait.ge @!p0 [sflag:s0], s1  }
0x3d: {  	s1 =	ssub.s32 @!p0 $0x0, s1;
	[sflag:s0] =	ssyncset.done @!p0 $0x0  }
0x3e: {  	[sflag:s0] =	ssyncadd.s32 @!p0 s1  }
0x3f: {  	[bflag:$0x3] =	sbarrier.arrive $0xFFFF  }
0x40: {  	_ =	shalt  }

</sc_bundles>
